<compile_context>
chip_gen: v7x
topology: tpu7x:2x2x1
jax: 0.10.2.dev20260603
libtpu: 0.0.44.dev20260713+nightly
codegen_flags: <defaults>
</compile_context>

<pallas_src>
import functools
import math

import jax
import jax.numpy as jnp
from jax import lax
from jax.experimental import pallas as pl
from jax.experimental.pallas import tpu as pltpu
from jax.experimental.pallas import tpu_sc as plsc

N = 10000
D = 128
E = 320000

NC = 2
NS = 16
NW = NC * NS

CHUNK = 128
CHUNKS_TOTAL = E // CHUNK
CHUNKS_PER_TILE = CHUNKS_TOTAL // NW
EXTRA = CHUNKS_TOTAL - CHUNKS_PER_TILE * NW
ROWS_A = 624
TAIL_LO = NS * ROWS_A
TAIL_N = N - TAIL_LO

BN_INV = 1.0 / math.sqrt(1.0 + 1e-5)

@functools.cache
def _mesh():
    return plsc.VectorSubcoreMesh(core_axis_name="c", subcore_axis_name="s")



def _sc_deg_body(dst_hbm, zeros_hbm, ones_hbm, out_hbm, idx_v, ones_v, sem,
                 shared):
    cid = lax.axis_index("c")
    sid = lax.axis_index("s")
    wid = sid * NC + cid
    pltpu.sync_copy(ones_hbm, ones_v)
    del sem

    if True:
        pltpu.sync_copy(zeros_hbm.at[pl.ds(sid * ROWS_A, ROWS_A)],
                        shared.at[pl.ds(sid * ROWS_A, ROWS_A)])

        @pl.when(sid == NS - 1)
        def _():
            pltpu.sync_copy(zeros_hbm.at[pl.ds(TAIL_LO, TAIL_N)],
                            shared.at[pl.ds(TAIL_LO, TAIL_N)])

        plsc.subcore_barrier()

        def body(k, carry):
            base = (wid * CHUNKS_PER_TILE + k) * CHUNK
            pltpu.sync_copy(dst_hbm.at[pl.ds(base, CHUNK)], idx_v)
            pltpu.sync_copy(ones_v, shared.at[idx_v], add=True)
            return carry

        lax.fori_loop(0, CHUNKS_PER_TILE, body, 0)

        @pl.when(wid < EXTRA)
        def _():
            base = (CHUNKS_PER_TILE * NW + wid) * CHUNK
            pltpu.sync_copy(dst_hbm.at[pl.ds(base, CHUNK)], idx_v)
            pltpu.sync_copy(ones_v, shared.at[idx_v], add=True)

        plsc.subcore_barrier()
        pltpu.sync_copy(shared.at[pl.ds(sid * ROWS_A, ROWS_A)],
                        out_hbm.at[cid, pl.ds(sid * ROWS_A, ROWS_A)])

        @pl.when(sid == NS - 1)
        def _():
            pltpu.sync_copy(shared.at[pl.ds(TAIL_LO, TAIL_N)],
                            out_hbm.at[cid, pl.ds(TAIL_LO, TAIL_N)])



@functools.cache
def _sc_deg():
    return pl.kernel(
        _sc_deg_body,
        out_type=jax.ShapeDtypeStruct((NC, N, 16), jnp.float32),
        mesh=_mesh(),
        scratch_types=[
            pltpu.VMEM((CHUNK,), jnp.int32),
            pltpu.VMEM((CHUNK, 16), jnp.float32),
            pltpu.SemaphoreType.DMA,
            pltpu.VMEM_SHARED((N, 16), jnp.float32),
        ],
    )


NK = CHUNKS_PER_TILE
IB = 4



NG = NK // 2


def _sc_agg_body(xs_hbm, src3_hbm, dst2_hbm, esrc_hbm, edst_hbm, zeros_hbm,
                 out_hbm, bsrc, bdst, rows_v, semi, semg, shared):
    cid = lax.axis_index("c")
    sid = lax.axis_index("s")
    wid = sid * NC + cid

    pltpu.async_copy(src3_hbm.at[wid], bsrc, semi)

    pltpu.sync_copy(zeros_hbm.at[pl.ds(sid * ROWS_A, ROWS_A)],
                    shared.at[pl.ds(sid * ROWS_A, ROWS_A)])

    @pl.when(sid == NS - 1)
    def _():
        pltpu.sync_copy(zeros_hbm.at[pl.ds(TAIL_LO, TAIL_N)],
                        shared.at[pl.ds(TAIL_LO, TAIL_N)])

    pltpu.make_async_copy(src3_hbm.at[0], bsrc, semi).wait()
    plsc.subcore_barrier()

    rbase = wid * NK

    def body(k, carry):
        pltpu.sync_copy(dst2_hbm.at[rbase + k], bdst.at[0])
        pltpu.async_copy(xs_hbm.at[bsrc.at[k]], rows_v, semg)
        pltpu.make_async_copy(xs_hbm.at[bsrc.at[0]], rows_v, semg).wait()
        pltpu.sync_copy(rows_v, shared.at[bdst.at[0]], add=True)
        return carry

    lax.fori_loop(0, NK, body, 0)

    @pl.when(wid < EXTRA)
    def _():
        pltpu.sync_copy(edst_hbm.at[wid], bdst.at[0])
        pltpu.sync_copy(esrc_hbm.at[wid], bsrc.at[0])
        pltpu.async_copy(xs_hbm.at[bsrc.at[0]], rows_v, semg)
        pltpu.make_async_copy(xs_hbm.at[bsrc.at[0]], rows_v, semg).wait()
        pltpu.sync_copy(rows_v, shared.at[bdst.at[0]], add=True)

    plsc.subcore_barrier()
    pltpu.sync_copy(shared.at[pl.ds(sid * ROWS_A, ROWS_A)],
                    out_hbm.at[cid, pl.ds(sid * ROWS_A, ROWS_A)])

    @pl.when(sid == NS - 1)
    def _():
        pltpu.sync_copy(shared.at[pl.ds(TAIL_LO, TAIL_N)],
                        out_hbm.at[cid, pl.ds(TAIL_LO, TAIL_N)])


@functools.cache
def _sc_agg():
    return pl.kernel(
        _sc_agg_body,
        out_type=jax.ShapeDtypeStruct((NC, N, D), jnp.float32),
        mesh=_mesh(),
        scratch_types=[
            pltpu.VMEM((NK, CHUNK), jnp.int32),
            pltpu.VMEM((4, CHUNK), jnp.int32),
            pltpu.VMEM((CHUNK, D), jnp.float32),
            pltpu.SemaphoreType.DMA,
            pltpu.SemaphoreType.DMA,
            pltpu.VMEM_SHARED((N, D), jnp.float32),
        ], )



_RB = 1000
_GRID = N // _RB


def _dis(deg_ref):
    return lax.rsqrt(deg_ref[0, :, 0:1] + deg_ref[1, :, 0:1] + 1.0)


def _xw_body(x_ref, w_ref, deg_ref, o_ref):
    o_ref[...] = jnp.dot(x_ref[...], w_ref[...],
                         preferred_element_type=jnp.float32) * _dis(deg_ref)


def _fuse_body(p_ref, xs_ref, deg_ref, b_ref, g_ref, be_ref, w_ref, o_ref):
    dis = _dis(deg_ref)
    agg = (p_ref[0] + p_ref[1] + xs_ref[...]) * dis + b_ref[...]
    h = jnp.maximum(agg, 0.0) * (g_ref[...] * BN_INV) + be_ref[...]
    o_ref[...] = jnp.dot(h, w_ref[...],
                         preferred_element_type=jnp.float32) * dis


def _final_body(p_ref, xs_ref, deg_ref, b_ref, act_ref, fw1_ref, fb1_ref,
                g3_ref, be3_ref, fw2_ref, fb2_ref, fw3_ref, fb3_ref,
                o_ref, acc):
    i = pl.program_id(0)
    dis = _dis(deg_ref)
    h = jnp.maximum((p_ref[0] + p_ref[1] + xs_ref[...]) * dis + b_ref[...], 0.0)
    s = jnp.sum(h, axis=0, keepdims=True)

    @pl.when(i == 0)
    def _():
        acc[...] = s

    @pl.when(i > 0)
    def _():
        acc[...] = acc[...] + s

    @pl.when(i == _GRID - 1)
    def _():
        pooled = jnp.concatenate(
            [acc[...] * (1.0 / N), jnp.zeros((7, 128), jnp.float32)], axis=0)
        z = (jnp.dot(pooled, fw1_ref[0:128, :], preferred_element_type=jnp.float32)
             + jnp.dot(act_ref[...], fw1_ref[128:144, :],
                       preferred_element_type=jnp.float32)
             + fb1_ref[...])
        z = jnp.maximum(z, 0.0) * (g3_ref[...] * BN_INV) + be3_ref[...]
        z = jnp.maximum(jnp.dot(z, fw2_ref[...],
                                preferred_element_type=jnp.float32)
                        + fb2_ref[...], 0.0)
        z = jnp.dot(z, fw3_ref[...], preferred_element_type=jnp.float32) + fb3_ref[...]
        o_ref[...] = z[0:1, :]


def _full(shape):
    nd = len(shape)
    return pl.BlockSpec(shape, lambda i, _n=nd: (0,) * _n)


_row_spec = pl.BlockSpec((_RB, D), lambda i: (i, 0))
_p_spec = pl.BlockSpec((NC, _RB, D), lambda i: (0, i, 0))
_deg_spec = pl.BlockSpec((NC, _RB, 16), lambda i: (0, i, 0))

_tc_xw = pl.pallas_call(
    _xw_body,
    grid=(_GRID,),
    in_specs=[_row_spec, _full((D, D)), _deg_spec],
    out_specs=_row_spec,
    out_shape=jax.ShapeDtypeStruct((N, D), jnp.float32),
)

_tc_fuse = pl.pallas_call(
    _fuse_body,
    grid=(_GRID,),
    in_specs=[_p_spec, _row_spec, _deg_spec, _full((1, D)), _full((1, D)),
              _full((1, D)), _full((D, D))],
    out_specs=_row_spec,
    out_shape=jax.ShapeDtypeStruct((N, D), jnp.float32),
)

_tc_final = pl.pallas_call(
    _final_body,
    grid=(_GRID,),
    in_specs=[_p_spec, _row_spec, _deg_spec, _full((1, D)), _full((8, 16)),
              _full((303, D)), _full((1, D)), _full((1, D)), _full((1, D)),
              _full((D, 64)), _full((1, 64)), _full((64, 10)), _full((1, 10))],
    out_specs=_full((1, 10)),
    out_shape=jax.ShapeDtypeStruct((1, 10), jnp.float32),
    scratch_shapes=[pltpu.VMEM((1, D), jnp.float32)],
)


def kernel(x, edge_index, actions, W1, b1, W2, b2, W3, b3, g1, be1, g2, be2,
           g3, be3, fcW1, fcb1, fcW2, fcb2, fcW3, fcb3):
    src = edge_index[0]
    dst = edge_index[1]
    eb = NW * NK * CHUNK
    src3 = src[:eb].reshape(NW, NK, CHUNK)
    dst2 = dst[:eb].reshape(NW * NK, CHUNK)
    esrc = src[eb:].reshape(EXTRA, CHUNK)
    edst = dst[eb:].reshape(EXTRA, CHUNK)
    zeros_deg = jnp.zeros((N, 16), jnp.float32)
    ones_chunk = jnp.ones((CHUNK, 16), jnp.float32)
    zeros_big = jnp.zeros((N, D), jnp.float32)
    act8 = jnp.pad(actions.astype(jnp.float32), ((0, 7), (0, 0)))
    row = lambda v: v.reshape(1, -1)

    degp = _sc_deg()(dst, zeros_deg, ones_chunk)

    xs1 = _tc_xw(x, W1, degp)
    p1 = _sc_agg()(xs1, src3, dst2, esrc, edst, zeros_big)
    xs2 = _tc_fuse(p1, xs1, degp, row(b1), row(g1), row(be1), W2)
    p2 = _sc_agg()(xs2, src3, dst2, esrc, edst, zeros_big)
    xs3 = _tc_fuse(p2, xs2, degp, row(b2), row(g2), row(be2), W3)
    p3 = _sc_agg()(xs3, src3, dst2, esrc, edst, zeros_big)

    return _tc_final(p3, xs3, degp, row(b3), act8, fcW1, row(fcb1),
                     row(g3), row(be3), fcW2, row(fcb2), fcW3, row(fcb3))

# --- scband reference (transcript-rebuilt; emitter-appended) ---
"""Pipeline reference for scband-gnnmodel-1417339208431 (READ-ONLY COPY).

The authoritative reference and input builder live on the scoring server;
editing this copy changes nothing except your own understanding.
"""

import jax, jax.numpy as jnp
import numpy as np

N = 10000
E = 320000
D = 128
H = 128
A = 16
OUT = 10

def _init(key, shape, fan_in):
    return jax.random.normal(key, shape, dtype=jnp.float32) * (1.0 / np.sqrt(fan_in))

def setup_inputs(seed: int = 0):
    key = jax.random.key(seed)
    ks = jax.random.split(key, 24)
    inp = {}
    inp['x'] = jax.random.normal(ks[0], (N, D), dtype=jnp.float32)
    inp['edge_index'] = jax.random.randint(ks[1], (2, E), 0, N, dtype=jnp.int32)
    inp['actions'] = jax.random.normal(ks[2], (1, A), dtype=jnp.float32)
    inp['W1'] = _init(ks[3], (D, H), D)
    inp['b1'] = jnp.zeros((H,), jnp.float32)
    inp['W2'] = _init(ks[4], (H, H), H)
    inp['b2'] = jnp.zeros((H,), jnp.float32)
    inp['W3'] = _init(ks[5], (H, H), H)
    inp['b3'] = jnp.zeros((H,), jnp.float32)
    inp['g1'] = jnp.ones((H,), jnp.float32)
    inp['be1'] = jnp.zeros((H,), jnp.float32)
    inp['g2'] = jnp.ones((H,), jnp.float32)
    inp['be2'] = jnp.zeros((H,), jnp.float32)
    inp['g3'] = jnp.ones((H,), jnp.float32)
    inp['be3'] = jnp.zeros((H,), jnp.float32)
    inp['fcW1'] = _init(ks[6], (303, H), 303)
    inp['fcb1'] = jnp.zeros((H,), jnp.float32)
    inp['fcW2'] = _init(ks[7], (H, H // 2), H)
    inp['fcb2'] = jnp.zeros((H // 2,), jnp.float32)
    inp['fcW3'] = _init(ks[8], (H // 2, OUT), H // 2)
    inp['fcb3'] = jnp.zeros((OUT,), jnp.float32)
    return inp

def _gcn_conv(x, edge_index, W, b):
    src = edge_index[0]
    dst = edge_index[1]
    loop = jnp.arange(N, dtype=src.dtype)
    src = jnp.concatenate([src, loop])
    dst = jnp.concatenate([dst, loop])
    deg = jnp.zeros((N,), jnp.float32).at[dst].add(1.0)
    dis = jnp.where(deg > 0, 1.0 / jnp.sqrt(deg), 0.0)
    norm = dis[src] * dis[dst]
    h = x @ W
    msg = h[src] * norm[:, None]
    out = jnp.zeros((N, W.shape[1]), jnp.float32).at[dst].add(msg)
    return out + b

def _bn_eval(x, g, b, eps=1e-5):
    return x / jnp.sqrt(1.0 + eps) * g + b

def reference(x, edge_index, actions, W1, b1, W2, b2, W3, b3, g1, be1, g2, be2, g3, be3, fcW1, fcb1, fcW2, fcb2, fcW3, fcb3):
    h = _gcn_conv(x, edge_index, W1, b1)
    h = jax.nn.relu(h)
    h = _bn_eval(h, g1, be1)
    h = _gcn_conv(h, edge_index, W2, b2)
    h = jax.nn.relu(h)
    h = _bn_eval(h, g2, be2)
    h = _gcn_conv(h, edge_index, W3, b3)
    h = jax.nn.relu(h)
    pooled = jnp.mean(h, axis=0, keepdims=True)
    acts = jnp.broadcast_to(actions.astype(jnp.float32), (pooled.shape[0], actions.shape[-1]))
    z = jnp.concatenate([pooled, acts], axis=1)
    pad = 303 - z.shape[1]
    if pad > 0:
        z = jnp.pad(z, ((0, 0), (0, pad)))
    z = jax.nn.relu(z @ fcW1 + fcb1)
    z = _bn_eval(z, g3, be3)
    z = jax.nn.relu(z @ fcW2 + fcb2)
    z = z @ fcW3 + fcb3
    return z

if __name__ == "__main__":
    import jax
    _d = setup_inputs()
    print(jax.jit(kernel)(*tuple(_d.values())))

</pallas_src>

<mosaic_0001>
#map = affine_map<(d0, d1) -> (0)>
#map1 = affine_map<(d0, d1) -> (0, 0)>
#map2 = affine_map<(d0, d1) -> (0, 0, 0)>
module attributes {stable_mosaic.version = 14 : i64} {
  func.func @_sc_deg_body(%arg0: i32, %arg1: i32, %arg2: memref<320000xi32, #tpu.memory_space<hbm>>, %arg3: memref<10000x16xf32, #tpu.memory_space<hbm>>, %arg4: memref<128x16xf32, #tpu.memory_space<hbm>>, %arg5: memref<2x10000x16xf32, #tpu.memory_space<hbm>>, %arg6: memref<128xi32, #tpu.memory_space<vmem>>, %arg7: memref<128x16xf32, #tpu.memory_space<vmem>>, %arg8: memref<!tpu.dma_semaphore, #tpu.memory_space<semaphore_mem>>, %arg9: memref<10000x16xf32, #tpu.memory_space<vmem_shared>>) attributes {dimension_semantics = [#tpu.dimension_semantics<core_parallel>, #tpu.dimension_semantics<subcore_parallel>], iteration_bounds = array<i64: 2, 16>, scalar_prefetch = 0 : i64, scratch_operands = 4 : i64, tpu.core_type = #tpu.core_type<sc_vector_subcore>, window_params = [{transform_indices = #map}, {transform_indices = #map1}, {transform_indices = #map1}, {transform_indices = #map2}]} {
    %mul3A = arith.constant 2 : i32
    %mul3A_0 = arith.muli %arg1, %mul3A : i32
    %add3A = arith.addi %mul3A_0, %arg0 : i32
    "tpu.region"() ({
      %run_scoped3A = tpu.sem_alloc : memref<!tpu.dma_semaphore, #tpu.memory_space<semaphore_mem>>
      tpu.enqueue_dma source(%arg4 : memref<128x16xf32, #tpu.memory_space<hbm>>) target(%arg7 : memref<128x16xf32, #tpu.memory_space<vmem>>) target_semaphore(%run_scoped3A : memref<!tpu.dma_semaphore, #tpu.memory_space<semaphore_mem>>)
      tpu.wait_dma2 semaphore(%run_scoped3A : memref<!tpu.dma_semaphore, #tpu.memory_space<semaphore_mem>>) src(%arg4 : memref<128x16xf32, #tpu.memory_space<hbm>>) dst(%arg7 : memref<128x16xf32, #tpu.memory_space<vmem>>)
      tpu.yield
    }) : () -> ()
    %mul3A_1 = arith.constant 624 : i32
    %mul3A_2 = arith.muli %arg1, %mul3A_1 : i32
    %mul3A_3 = arith.constant 624 : i32
    %mul3A_4 = arith.muli %arg1, %mul3A_3 : i32
    "tpu.region"() ({
      %run_scoped3A = tpu.sem_alloc : memref<!tpu.dma_semaphore, #tpu.memory_space<semaphore_mem>>
      %dma_start3A = arith.constant 0 : i32
      %dma_start3A_26 = tpu.memref_slice %arg9[%mul3A_4, %dma_start3A] : memref<10000x16xf32, #tpu.memory_space<vmem_shared>> -> memref<624x16xf32, #tpu.memory_space<vmem_shared>>
      %dma_start3A_27 = arith.constant 0 : i32
      %dma_start3A_28 = tpu.memref_slice %arg3[%mul3A_2, %dma_start3A_27] : memref<10000x16xf32, #tpu.memory_space<hbm>> -> memref<624x16xf32, #tpu.memory_space<hbm>>
      tpu.enqueue_dma source(%dma_start3A_28 : memref<624x16xf32, #tpu.memory_space<hbm>>) target(%dma_start3A_26 : memref<624x16xf32, #tpu.memory_space<vmem_shared>>) target_semaphore(%run_scoped3A : memref<!tpu.dma_semaphore, #tpu.memory_space<semaphore_mem>>)
      %dma_wait3A = arith.constant 0 : i32
      %dma_wait3A_29 = tpu.memref_slice %arg9[%mul3A_4, %dma_wait3A] : memref<10000x16xf32, #tpu.memory_space<vmem_shared>> -> memref<624x16xf32, #tpu.memory_space<vmem_shared>>
      %dma_wait3A_30 = arith.constant 0 : i32
      %dma_wait3A_31 = tpu.memref_slice %arg3[%mul3A_2, %dma_wait3A_30] : memref<10000x16xf32, #tpu.memory_space<hbm>> -> memref<624x16xf32, #tpu.memory_space<hbm>>
      tpu.wait_dma2 semaphore(%run_scoped3A : memref<!tpu.dma_semaphore, #tpu.memory_space<semaphore_mem>>) src(%dma_wait3A_31 : memref<624x16xf32, #tpu.memory_space<hbm>>) dst(%dma_wait3A_29 : memref<624x16xf32, #tpu.memory_space<vmem_shared>>)
      tpu.yield
    }) : () -> ()
    %eq3A = arith.constant 15 : i32
    %eq3A_5 = arith.cmpi eq, %arg1, %eq3A : i32
    %convert_element_type3A = arith.extui %eq3A_5 : i1 to i32
    %cond3A = arith.constant 0 : i32
    %cond3A_6 = arith.cmpi ne, %convert_element_type3A, %cond3A : i32
    scf.if %cond3A_6 {
      "tpu.region"() ({
        %run_scoped3A = tpu.sem_alloc : memref<!tpu.dma_semaphore, #tpu.memory_space<semaphore_mem>>
        %dma_start3A = arith.constant 9984 : i32
        %dma_start3A_26 = arith.constant 0 : i32
        %dma_start3A_27 = tpu.memref_slice %arg9[%dma_start3A, %dma_start3A_26] : memref<10000x16xf32, #tpu.memory_space<vmem_shared>> -> memref<16x16xf32, #tpu.memory_space<vmem_shared>>
        %dma_start3A_28 = arith.constant 9984 : i32
        %dma_start3A_29 = arith.constant 0 : i32
        %dma_start3A_30 = tpu.memref_slice %arg3[%dma_start3A_28, %dma_start3A_29] : memref<10000x16xf32, #tpu.memory_space<hbm>> -> memref<16x16xf32, #tpu.memory_space<hbm>>
        tpu.enqueue_dma source(%dma_start3A_30 : memref<16x16xf32, #tpu.memory_space<hbm>>) target(%dma_start3A_27 : memref<16x16xf32, #tpu.memory_space<vmem_shared>>) target_semaphore(%run_scoped3A : memref<!tpu.dma_semaphore, #tpu.memory_space<semaphore_mem>>)
        %dma_wait3A = arith.constant 9984 : i32
        %dma_wait3A_31 = arith.constant 0 : i32
        %dma_wait3A_32 = tpu.memref_slice %arg9[%dma_wait3A, %dma_wait3A_31] : memref<10000x16xf32, #tpu.memory_space<vmem_shared>> -> memref<16x16xf32, #tpu.memory_space<vmem_shared>>
        %dma_wait3A_33 = arith.constant 9984 : i32
        %dma_wait3A_34 = arith.constant 0 : i32
        %dma_wait3A_35 = tpu.memref_slice %arg3[%dma_wait3A_33, %dma_wait3A_34] : memref<10000x16xf32, #tpu.memory_space<hbm>> -> memref<16x16xf32, #tpu.memory_space<hbm>>
        tpu.wait_dma2 semaphore(%run_scoped3A : memref<!tpu.dma_semaphore, #tpu.memory_space<semaphore_mem>>) src(%dma_wait3A_35 : memref<16x16xf32, #tpu.memory_space<hbm>>) dst(%dma_wait3A_32 : memref<16x16xf32, #tpu.memory_space<vmem_shared>>)
        tpu.yield
      }) : () -> ()
    } else {
    }
    %barrier3A = arith.constant 0 : index
    tpu.barrier barrier_id(%barrier3A)
    %scan3A = arith.constant 0 : i32
    %scan3A_7 = arith.constant 0 : i32
    %scan3A_8 = arith.constant 78 : i32
    %scan3A_9 = arith.addi %scan3A_7, %scan3A_8 : i32
    %scan3A_10 = arith.constant 1 : i32
    scf.for %scan3A_26 = %scan3A_7 to %scan3A_9 step %scan3A_10  : i32 {
      %mul3A_27 = arith.constant 78 : i32
      %mul3A_28 = arith.muli %add3A, %mul3A_27 : i32
      %add3A_29 = arith.addi %mul3A_28, %scan3A_26 : i32
      %mul3A_30 = arith.constant 128 : i32
      %mul3A_31 = arith.muli %add3A_29, %mul3A_30 : i32
      "tpu.region"() ({
        %run_scoped3A = tpu.sem_alloc : memref<!tpu.dma_semaphore, #tpu.memory_space<semaphore_mem>>
        %dma_start3A = tpu.memref_slice %arg2[%mul3A_31] : memref<320000xi32, #tpu.memory_space<hbm>> -> memref<128xi32, #tpu.memory_space<hbm>>
        %dma_start3A_32 = tpu.memref_slice %arg2[%mul3A_31] : memref<320000xi32, #tpu.memory_space<hbm>> -> memref<128xi32, #tpu.memory_space<hbm>>
        tpu.enqueue_dma source(%dma_start3A_32 : memref<128xi32, #tpu.memory_space<hbm>>) target(%arg6 : memref<128xi32, #tpu.memory_space<vmem>>) target_semaphore(%run_scoped3A : memref<!tpu.dma_semaphore, #tpu.memory_space<semaphore_mem>>)
        %dma_wait3A = tpu.memref_slice %arg2[%mul3A_31] : memref<320000xi32, #tpu.memory_space<hbm>> -> memref<128xi32, #tpu.memory_space<hbm>>
        %dma_wait3A_33 = tpu.memref_slice %arg2[%mul3A_31] : memref<320000xi32, #tpu.memory_space<hbm>> -> memref<128xi32, #tpu.memory_space<hbm>>
        tpu.wait_dma2 semaphore(%run_scoped3A : memref<!tpu.dma_semaphore, #tpu.memory_space<semaphore_mem>>) src(%dma_wait3A_33 : memref<128xi32, #tpu.memory_space<hbm>>) dst(%arg6 : memref<128xi32, #tpu.memory_space<vmem>>)
        tpu.yield
      }) : () -> ()
      "tpu.region"() ({
        %run_scoped3A = tpu.sem_alloc : memref<!tpu.dma_semaphore, #tpu.memory_space<semaphore_mem>>
        %dma_start3A = arith.constant 0 : i32
        %dma_start3A_32 = arith.constant 0 : i32
        %dma_start3A_33 = tpu.memref_slice %arg9[%dma_start3A, %dma_start3A_32] : memref<10000x16xf32, #tpu.memory_space<vmem_shared>> -> memref<10000x16xf32, #tpu.memory_space<vmem_shared>>
        tpu.enqueue_indirect_dma source(%arg7 : memref<128x16xf32, #tpu.memory_space<vmem>>) target(%dma_start3A_33 : memref<10000x16xf32, #tpu.memory_space<vmem_shared>>) offsets(%arg6 : memref<128xi32, #tpu.memory_space<vmem>>) semaphore(%run_scoped3A : memref<!tpu.dma_semaphore, #tpu.memory_space<semaphore_mem>>) {add = true}
        %dma_wait3A = arith.constant 0 : i32
        %dma_wait3A_34 = arith.constant 0 : i32
        %dma_wait3A_35 = tpu.memref_slice %arg9[%dma_wait3A, %dma_wait3A_34] : memref<10000x16xf32, #tpu.memory_space<vmem_shared>> -> memref<10000x16xf32, #tpu.memory_space<vmem_shared>>
        tpu.wait_indirect_dma semaphore(%run_scoped3A : memref<!tpu.dma_semaphore, #tpu.memory_space<semaphore_mem>>) src(%arg7 : memref<128x16xf32, #tpu.memory_space<vmem>>) dst(%dma_wait3A_35 : memref<10000x16xf32, #tpu.memory_space<vmem_shared>>)
        tpu.yield
      }) : () -> ()
    }
    %scan3A_11 = arith.constant 78 : i32
    %lt3A = arith.constant 4 : i32
    %lt3A_12 = arith.cmpi slt, %add3A, %lt3A : i32
    %convert_element_type3A_13 = arith.extui %lt3A_12 : i1 to i32
    %cond3A_14 = arith.constant 0 : i32
    %cond3A_15 = arith.cmpi ne, %convert_element_type3A_13, %cond3A_14 : i32
    scf.if %cond3A_15 {
      %add3A_26 = arith.constant 2496 : i32
      %add3A_27 = arith.addi %add3A_26, %add3A : i32
      %mul3A_28 = arith.constant 128 : i32
      %mul3A_29 = arith.muli %add3A_27, %mul3A_28 : i32
      "tpu.region"() ({
        %run_scoped3A = tpu.sem_alloc : memref<!tpu.dma_semaphore, #tpu.memory_space<semaphore_mem>>
        %dma_start3A = tpu.memref_slice %arg2[%mul3A_29] : memref<320000xi32, #tpu.memory_space<hbm>> -> memref<128xi32, #tpu.memory_space<hbm>>
        %dma_start3A_30 = tpu.memref_slice %arg2[%mul3A_29] : memref<320000xi32, #tpu.memory_space<hbm>> -> memref<128xi32, #tpu.memory_space<hbm>>
        tpu.enqueue_dma source(%dma_start3A_30 : memref<128xi32, #tpu.memory_space<hbm>>) target(%arg6 : memref<128xi32, #tpu.memory_space<vmem>>) target_semaphore(%run_scoped3A : memref<!tpu.dma_semaphore, #tpu.memory_space<semaphore_mem>>)
        %dma_wait3A = tpu.memref_slice %arg2[%mul3A_29] : memref<320000xi32, #tpu.memory_space<hbm>> -> memref<128xi32, #tpu.memory_space<hbm>>
        %dma_wait3A_31 = tpu.memref_slice %arg2[%mul3A_29] : memref<320000xi32, #tpu.memory_space<hbm>> -> memref<128xi32, #tpu.memory_space<hbm>>
        tpu.wait_dma2 semaphore(%run_scoped3A : memref<!tpu.dma_semaphore, #tpu.memory_space<semaphore_mem>>) src(%dma_wait3A_31 : memref<128xi32, #tpu.memory_space<hbm>>) dst(%arg6 : memref<128xi32, #tpu.memory_space<vmem>>)
        tpu.yield
      }) : () -> ()
      "tpu.region"() ({
        %run_scoped3A = tpu.sem_alloc : memref<!tpu.dma_semaphore, #tpu.memory_space<semaphore_mem>>
        %dma_start3A = arith.constant 0 : i32
        %dma_start3A_30 = arith.constant 0 : i32
        %dma_start3A_31 = tpu.memref_slice %arg9[%dma_start3A, %dma_start3A_30] : memref<10000x16xf32, #tpu.memory_space<vmem_shared>> -> memref<10000x16xf32, #tpu.memory_space<vmem_shared>>
        tpu.enqueue_indirect_dma source(%arg7 : memref<128x16xf32, #tpu.memory_space<vmem>>) target(%dma_start3A_31 : memref<10000x16xf32, #tpu.memory_space<vmem_shared>>) offsets(%arg6 : memref<128xi32, #tpu.memory_space<vmem>>) semaphore(%run_scoped3A : memref<!tpu.dma_semaphore, #tpu.memory_space<semaphore_mem>>) {add = true}
        %dma_wait3A = arith.constant 0 : i32
        %dma_wait3A_32 = arith.constant 0 : i32
        %dma_wait3A_33 = tpu.memref_slice %arg9[%dma_wait3A, %dma_wait3A_32] : memref<10000x16xf32, #tpu.memory_space<vmem_shared>> -> memref<10000x16xf32, #tpu.memory_space<vmem_shared>>
        tpu.wait_indirect_dma semaphore(%run_scoped3A : memref<!tpu.dma_semaphore, #tpu.memory_space<semaphore_mem>>) src(%arg7 : memref<128x16xf32, #tpu.memory_space<vmem>>) dst(%dma_wait3A_33 : memref<10000x16xf32, #tpu.memory_space<vmem_shared>>)
        tpu.yield
      }) : () -> ()
    } else {
    }
    %barrier3A_16 = arith.constant 0 : index
    tpu.barrier barrier_id(%barrier3A_16)
    %mul3A_17 = arith.constant 624 : i32
    %mul3A_18 = arith.muli %arg1, %mul3A_17 : i32
    %mul3A_19 = arith.constant 624 : i32
    %mul3A_20 = arith.muli %arg1, %mul3A_19 : i32
    "tpu.region"() ({
      %run_scoped3A = tpu.sem_alloc : memref<!tpu.dma_semaphore, #tpu.memory_space<semaphore_mem>>
      %dma_start3A = arith.constant 0 : i32
      %dma_start3A_26 = tpu.memref_slice %arg5[%arg0, %mul3A_20, %dma_start3A] : memref<2x10000x16xf32, #tpu.memory_space<hbm>> -> memref<1x624x16xf32, #tpu.memory_space<hbm>>
      %dma_start3A_27 = tpu.memref_squeeze %dma_start3A_26 : memref<1x624x16xf32, #tpu.memory_space<hbm>> -> memref<624x16xf32, #tpu.memory_space<hbm>>
      %dma_start3A_28 = arith.constant 0 : i32
      %dma_start3A_29 = tpu.memref_slice %arg9[%mul3A_18, %dma_start3A_28] : memref<10000x16xf32, #tpu.memory_space<vmem_shared>> -> memref<624x16xf32, #tpu.memory_space<vmem_shared>>
      tpu.enqueue_dma source(%dma_start3A_29 : memref<624x16xf32, #tpu.memory_space<vmem_shared>>) target(%dma_start3A_27 : memref<624x16xf32, #tpu.memory_space<hbm>>) target_semaphore(%run_scoped3A : memref<!tpu.dma_semaphore, #tpu.memory_space<semaphore_mem>>)
      %dma_wait3A = arith.constant 0 : i32
      %dma_wait3A_30 = tpu.memref_slice %arg5[%arg0, %mul3A_20, %dma_wait3A] : memref<2x10000x16xf32, #tpu.memory_space<hbm>> -> memref<1x624x16xf32, #tpu.memory_space<hbm>>
      %dma_wait3A_31 = tpu.memref_squeeze %dma_wait3A_30 : memref<1x624x16xf32, #tpu.memory_space<hbm>> -> memref<624x16xf32, #tpu.memory_space<hbm>>
      %dma_wait3A_32 = arith.constant 0 : i32
      %dma_wait3A_33 = tpu.memref_slice %arg9[%mul3A_18, %dma_wait3A_32] : memref<10000x16xf32, #tpu.memory_space<vmem_shared>> -> memref<624x16xf32, #tpu.memory_space<vmem_shared>>
      tpu.wait_dma2 semaphore(%run_scoped3A : memref<!tpu.dma_semaphore, #tpu.memory_space<semaphore_mem>>) src(%dma_wait3A_33 : memref<624x16xf32, #tpu.memory_space<vmem_shared>>) dst(%dma_wait3A_31 : memref<624x16xf32, #tpu.memory_space<hbm>>)
      tpu.yield
    }) : () -> ()
    %eq3A_21 = arith.constant 15 : i32
    %eq3A_22 = arith.cmpi eq, %arg1, %eq3A_21 : i32
    %convert_element_type3A_23 = arith.extui %eq3A_22 : i1 to i32
    %cond3A_24 = arith.constant 0 : i32
    %cond3A_25 = arith.cmpi ne, %convert_element_type3A_23, %cond3A_24 : i32
    scf.if %cond3A_25 {
      "tpu.region"() ({
        %run_scoped3A = tpu.sem_alloc : memref<!tpu.dma_semaphore, #tpu.memory_space<semaphore_mem>>
        %dma_start3A = arith.constant 9984 : i32
        %dma_start3A_26 = arith.constant 0 : i32
        %dma_start3A_27 = tpu.memref_slice %arg5[%arg0, %dma_start3A, %dma_start3A_26] : memref<2x10000x16xf32, #tpu.memory_space<hbm>> -> memref<1x16x16xf32, #tpu.memory_space<hbm>>
        %dma_start3A_28 = tpu.memref_squeeze %dma_start3A_27 : memref<1x16x16xf32, #tpu.memory_space<hbm>> -> memref<16x16xf32, #tpu.memory_space<hbm>>
        %dma_start3A_29 = arith.constant 9984 : i32
        %dma_start3A_30 = arith.constant 0 : i32
        %dma_start3A_31 = tpu.memref_slice %arg9[%dma_start3A_29, %dma_start3A_30] : memref<10000x16xf32, #tpu.memory_space<vmem_shared>> -> memref<16x16xf32, #tpu.memory_space<vmem_shared>>
        tpu.enqueue_dma source(%dma_start3A_31 : memref<16x16xf32, #tpu.memory_space<vmem_shared>>) target(%dma_start3A_28 : memref<16x16xf32, #tpu.memory_space<hbm>>) target_semaphore(%run_scoped3A : memref<!tpu.dma_semaphore, #tpu.memory_space<semaphore_mem>>)
        %dma_wait3A = arith.constant 9984 : i32
        %dma_wait3A_32 = arith.constant 0 : i32
        %dma_wait3A_33 = tpu.memref_slice %arg5[%arg0, %dma_wait3A, %dma_wait3A_32] : memref<2x10000x16xf32, #tpu.memory_space<hbm>> -> memref<1x16x16xf32, #tpu.memory_space<hbm>>
        %dma_wait3A_34 = tpu.memref_squeeze %dma_wait3A_33 : memref<1x16x16xf32, #tpu.memory_space<hbm>> -> memref<16x16xf32, #tpu.memory_space<hbm>>
        %dma_wait3A_35 = arith.constant 9984 : i32
        %dma_wait3A_36 = arith.constant 0 : i32
        %dma_wait3A_37 = tpu.memref_slice %arg9[%dma_wait3A_35, %dma_wait3A_36] : memref<10000x16xf32, #tpu.memory_space<vmem_shared>> -> memref<16x16xf32, #tpu.memory_space<vmem_shared>>
        tpu.wait_dma2 semaphore(%run_scoped3A : memref<!tpu.dma_semaphore, #tpu.memory_space<semaphore_mem>>) src(%dma_wait3A_37 : memref<16x16xf32, #tpu.memory_space<vmem_shared>>) dst(%dma_wait3A_34 : memref<16x16xf32, #tpu.memory_space<hbm>>)
        tpu.yield
      }) : () -> ()
    } else {
    }
    return
  }
}

#map = affine_map<(d0, d1) -> (0, 0)>
#map1 = affine_map<(d0, d1) -> (0, 0, 0)>
module attributes {stable_mosaic.version = 14 : i64} {
  func.func @_sc_agg_body(%arg0: i32, %arg1: i32, %arg2: memref<10000x128xf32, #tpu.memory_space<hbm>>, %arg3: memref<32x78x128xi32, #tpu.memory_space<hbm>>, %arg4: memref<2496x128xi32, #tpu.memory_space<hbm>>, %arg5: memref<4x128xi32, #tpu.memory_space<hbm>>, %arg6: memref<4x128xi32, #tpu.memory_space<hbm>>, %arg7: memref<10000x128xf32, #tpu.memory_space<hbm>>, %arg8: memref<2x10000x128xf32, #tpu.memory_space<hbm>>, %arg9: memref<78x128xi32, #tpu.memory_space<vmem>>, %arg10: memref<4x128xi32, #tpu.memory_space<vmem>>, %arg11: memref<128x128xf32, #tpu.memory_space<vmem>>, %arg12: memref<!tpu.dma_semaphore, #tpu.memory_space<semaphore_mem>>, %arg13: memref<!tpu.dma_semaphore, #tpu.memory_space<semaphore_mem>>, %arg14: memref<10000x128xf32, #tpu.memory_space<vmem_shared>>) attributes {dimension_semantics = [#tpu.dimension_semantics<core_parallel>, #tpu.dimension_semantics<subcore_parallel>], iteration_bounds = array<i64: 2, 16>, scalar_prefetch = 0 : i64, scratch_operands = 6 : i64, tpu.core_type = #tpu.core_type<sc_vector_subcore>, window_params = [{transform_indices = #map}, {transform_indices = #map1}, {transform_indices = #map}, {transform_indices = #map}, {transform_indices = #map}, {transform_indices = #map}, {transform_indices = #map1}]} {
    %mul3A = arith.constant 2 : i32
    %mul3A_0 = arith.muli %arg1, %mul3A : i32
    %add3A = arith.addi %mul3A_0, %arg0 : i32
    %dma_start3A = arith.constant 0 : i32
    %dma_start3A_1 = arith.constant 0 : i32
    %dma_start3A_2 = tpu.memref_slice %arg3[%add3A, %dma_start3A, %dma_start3A_1] : memref<32x78x128xi32, #tpu.memory_space<hbm>> -> memref<1x78x128xi32, #tpu.memory_space<hbm>>
    %dma_start3A_3 = tpu.memref_squeeze %dma_start3A_2 : memref<1x78x128xi32, #tpu.memory_space<hbm>> -> memref<78x128xi32, #tpu.memory_space<hbm>>
    %dma_start3A_4 = arith.constant 0 : i32
    %dma_start3A_5 = arith.constant 0 : i32
    %dma_start3A_6 = tpu.memref_slice %arg3[%add3A, %dma_start3A_4, %dma_start3A_5] : memref<32x78x128xi32, #tpu.memory_space<hbm>> -> memref<1x78x128xi32, #tpu.memory_space<hbm>>
    %dma_start3A_7 = tpu.memref_squeeze %dma_start3A_6 : memref<1x78x128xi32, #tpu.memory_space<hbm>> -> memref<78x128xi32, #tpu.memory_space<hbm>>
    tpu.enqueue_dma source(%dma_start3A_7 : memref<78x128xi32, #tpu.memory_space<hbm>>) target(%arg9 : memref<78x128xi32, #tpu.memory_space<vmem>>) target_semaphore(%arg12 : memref<!tpu.dma_semaphore, #tpu.memory_space<semaphore_mem>>)
    %mul3A_8 = arith.constant 624 : i32
    %mul3A_9 = arith.muli %arg1, %mul3A_8 : i32
    %mul3A_10 = arith.constant 624 : i32
    %mul3A_11 = arith.muli %arg1, %mul3A_10 : i32
    "tpu.region"() ({
      %run_scoped3A = tpu.sem_alloc : memref<!tpu.dma_semaphore, #tpu.memory_space<semaphore_mem>>
      %dma_start3A_43 = arith.constant 0 : i32
      %dma_start3A_44 = tpu.memref_slice %arg14[%mul3A_11, %dma_start3A_43] : memref<10000x128xf32, #tpu.memory_space<vmem_shared>> -> memref<624x128xf32, #tpu.memory_space<vmem_shared>>
      %dma_start3A_45 = arith.constant 0 : i32
      %dma_start3A_46 = tpu.memref_slice %arg7[%mul3A_9, %dma_start3A_45] : memref<10000x128xf32, #tpu.memory_space<hbm>> -> memref<624x128xf32, #tpu.memory_space<hbm>>
      tpu.enqueue_dma source(%dma_start3A_46 : memref<624x128xf32, #tpu.memory_space<hbm>>) target(%dma_start3A_44 : memref<624x128xf32, #tpu.memory_space<vmem_shared>>) target_semaphore(%run_scoped3A : memref<!tpu.dma_semaphore, #tpu.memory_space<semaphore_mem>>)
      %dma_wait3A_47 = arith.constant 0 : i32
      %dma_wait3A_48 = tpu.memref_slice %arg14[%mul3A_11, %dma_wait3A_47] : memref<10000x128xf32, #tpu.memory_space<vmem_shared>> -> memref<624x128xf32, #tpu.memory_space<vmem_shared>>
      %dma_wait3A_49 = arith.constant 0 : i32
      %dma_wait3A_50 = tpu.memref_slice %arg7[%mul3A_9, %dma_wait3A_49] : memref<10000x128xf32, #tpu.memory_space<hbm>> -> memref<624x128xf32, #tpu.memory_space<hbm>>
      tpu.wait_dma2 semaphore(%run_scoped3A : memref<!tpu.dma_semaphore, #tpu.memory_space<semaphore_mem>>) src(%dma_wait3A_50 : memref<624x128xf32, #tpu.memory_space<hbm>>) dst(%dma_wait3A_48 : memref<624x128xf32, #tpu.memory_space<vmem_shared>>)
      tpu.yield
    }) : () -> ()
    %eq3A = arith.constant 15 : i32
    %eq3A_12 = arith.cmpi eq, %arg1, %eq3A : i32
    %convert_element_type3A = arith.extui %eq3A_12 : i1 to i32
    %cond3A = arith.constant 0 : i32
    %cond3A_13 = arith.cmpi ne, %convert_element_type3A, %cond3A : i32
    scf.if %cond3A_13 {
      "tpu.region"() ({
        %run_scoped3A = tpu.sem_alloc : memref<!tpu.dma_semaphore, #tpu.memory_space<semaphore_mem>>
        %dma_start3A_43 = arith.constant 9984 : i32
        %dma_start3A_44 = arith.constant 0 : i32
        %dma_start3A_45 = tpu.memref_slice %arg14[%dma_start3A_43, %dma_start3A_44] : memref<10000x128xf32, #tpu.memory_space<vmem_shared>> -> memref<16x128xf32, #tpu.memory_space<vmem_shared>>
        %dma_start3A_46 = arith.constant 9984 : i32
        %dma_start3A_47 = arith.constant 0 : i32
        %dma_start3A_48 = tpu.memref_slice %arg7[%dma_start3A_46, %dma_start3A_47] : memref<10000x128xf32, #tpu.memory_space<hbm>> -> memref<16x128xf32, #tpu.memory_space<hbm>>
        tpu.enqueue_dma source(%dma_start3A_48 : memref<16x128xf32, #tpu.memory_space<hbm>>) target(%dma_start3A_45 : memref<16x128xf32, #tpu.memory_space<vmem_shared>>) target_semaphore(%run_scoped3A : memref<!tpu.dma_semaphore, #tpu.memory_space<semaphore_mem>>)
        %dma_wait3A_49 = arith.constant 9984 : i32
        %dma_wait3A_50 = arith.constant 0 : i32
        %dma_wait3A_51 = tpu.memref_slice %arg14[%dma_wait3A_49, %dma_wait3A_50] : memref<10000x128xf32, #tpu.memory_space<vmem_shared>> -> memref<16x128xf32, #tpu.memory_space<vmem_shared>>
        %dma_wait3A_52 = arith.constant 9984 : i32
        %dma_wait3A_53 = arith.constant 0 : i32
        %dma_wait3A_54 = tpu.memref_slice %arg7[%dma_wait3A_52, %dma_wait3A_53] : memref<10000x128xf32, #tpu.memory_space<hbm>> -> memref<16x128xf32, #tpu.memory_space<hbm>>
        tpu.wait_dma2 semaphore(%run_scoped3A : memref<!tpu.dma_semaphore, #tpu.memory_space<semaphore_mem>>) src(%dma_wait3A_54 : memref<16x128xf32, #tpu.memory_space<hbm>>) dst(%dma_wait3A_51 : memref<16x128xf32, #tpu.memory_space<vmem_shared>>)
        tpu.yield
      }) : () -> ()
    } else {
    }
    %dma_wait3A = arith.constant 0 : i32
    %dma_wait3A_14 = arith.constant 0 : i32
    %dma_wait3A_15 = arith.constant 0 : i32
    %dma_wait3A_16 = tpu.memref_slice %arg3[%dma_wait3A, %dma_wait3A_14, %dma_wait3A_15] : memref<32x78x128xi32, #tpu.memory_space<hbm>> -> memref<1x78x128xi32, #tpu.memory_space<hbm>>
    %dma_wait3A_17 = tpu.memref_squeeze %dma_wait3A_16 : memref<1x78x128xi32, #tpu.memory_space<hbm>> -> memref<78x128xi32, #tpu.memory_space<hbm>>
    %dma_wait3A_18 = arith.constant 0 : i32
    %dma_wait3A_19 = arith.constant 0 : i32
    %dma_wait3A_20 = tpu.memref_slice %arg3[%dma_wait3A, %dma_wait3A_18, %dma_wait3A_19] : memref<32x78x128xi32, #tpu.memory_space<hbm>> -> memref<1x78x128xi32, #tpu.memory_space<hbm>>
    %dma_wait3A_21 = tpu.memref_squeeze %dma_wait3A_20 : memref<1x78x128xi32, #tpu.memory_space<hbm>> -> memref<78x128xi32, #tpu.memory_space<hbm>>
    tpu.wait_dma2 semaphore(%arg12 : memref<!tpu.dma_semaphore, #tpu.memory_space<semaphore_mem>>) src(%dma_wait3A_21 : memref<78x128xi32, #tpu.memory_space<hbm>>) dst(%arg9 : memref<78x128xi32, #tpu.memory_space<vmem>>)
    %barrier3A = arith.constant 0 : index
    tpu.barrier barrier_id(%barrier3A)
    %mul3A_22 = arith.constant 78 : i32
    %mul3A_23 = arith.muli %add3A, %mul3A_22 : i32
    %scan3A = arith.constant 0 : i32
    %scan3A_24 = arith.constant 0 : i32
    %scan3A_25 = arith.constant 78 : i32
    %scan3A_26 = arith.addi %scan3A_24, %scan3A_25 : i32
    %scan3A_27 = arith.constant 1 : i32
    scf.for %scan3A_43 = %scan3A_24 to %scan3A_26 step %scan3A_27  : i32 {
      %add3A_44 = arith.addi %mul3A_23, %scan3A_43 : i32
      %run_scoped3A = arith.constant 0 : i32
      "tpu.region"() ({
        %run_scoped3A_59 = tpu.sem_alloc : memref<!tpu.dma_semaphore, #tpu.memory_space<semaphore_mem>>
        %dma_start3A_60 = arith.constant 0 : i32
        %dma_start3A_61 = tpu.memref_slice %arg10[%run_scoped3A, %dma_start3A_60] : memref<4x128xi32, #tpu.memory_space<vmem>> -> memref<1x128xi32, #tpu.memory_space<vmem>>
        %dma_start3A_62 = tpu.memref_squeeze %dma_start3A_61 : memref<1x128xi32, #tpu.memory_space<vmem>> -> memref<128xi32, #tpu.memory_space<vmem>>
        %dma_start3A_63 = arith.constant 0 : i32
        %dma_start3A_64 = tpu.memref_slice %arg4[%add3A_44, %dma_start3A_63] : memref<2496x128xi32, #tpu.memory_space<hbm>> -> memref<1x128xi32, #tpu.memory_space<hbm>>
        %dma_start3A_65 = tpu.memref_squeeze %dma_start3A_64 : memref<1x128xi32, #tpu.memory_space<hbm>> -> memref<128xi32, #tpu.memory_space<hbm>>
        %dma_start3A_66 = arith.constant 0 : i32
        %dma_start3A_67 = tpu.memref_slice %arg10[%run_scoped3A, %dma_start3A_66] : memref<4x128xi32, #tpu.memory_space<vmem>> -> memref<1x128xi32, #tpu.memory_space<vmem>>
        %dma_start3A_68 = tpu.memref_squeeze %dma_start3A_67 : memref<1x128xi32, #tpu.memory_space<vmem>> -> memref<128xi32, #tpu.memory_space<vmem>>
        %dma_start3A_69 = arith.constant 0 : i32
        %dma_start3A_70 = tpu.memref_slice %arg4[%add3A_44, %dma_start3A_69] : memref<2496x128xi32, #tpu.memory_space<hbm>> -> memref<1x128xi32, #tpu.memory_space<hbm>>
        %dma_start3A_71 = tpu.memref_squeeze %dma_start3A_70 : memref<1x128xi32, #tpu.memory_space<hbm>> -> memref<128xi32, #tpu.memory_space<hbm>>
        tpu.enqueue_dma source(%dma_start3A_71 : memref<128xi32, #tpu.memory_space<hbm>>) target(%dma_start3A_68 : memref<128xi32, #tpu.memory_space<vmem>>) target_semaphore(%run_scoped3A_59 : memref<!tpu.dma_semaphore, #tpu.memory_space<semaphore_mem>>)
        %dma_wait3A_72 = arith.constant 0 : i32
        %dma_wait3A_73 = tpu.memref_slice %arg10[%run_scoped3A, %dma_wait3A_72] : memref<4x128xi32, #tpu.memory_space<vmem>> -> memref<1x128xi32, #tpu.memory_space<vmem>>
        %dma_wait3A_74 = tpu.memref_squeeze %dma_wait3A_73 : memref<1x128xi32, #tpu.memory_space<vmem>> -> memref<128xi32, #tpu.memory_space<vmem>>
        %dma_wait3A_75 = arith.constant 0 : i32
        %dma_wait3A_76 = tpu.memref_slice %arg4[%add3A_44, %dma_wait3A_75] : memref<2496x128xi32, #tpu.memory_space<hbm>> -> memref<1x128xi32, #tpu.memory_space<hbm>>
        %dma_wait3A_77 = tpu.memref_squeeze %dma_wait3A_76 : memref<1x128xi32, #tpu.memory_space<hbm>> -> memref<128xi32, #tpu.memory_space<hbm>>
        %dma_wait3A_78 = arith.constant 0 : i32
        %dma_wait3A_79 = tpu.memref_slice %arg10[%run_scoped3A, %dma_wait3A_78] : memref<4x128xi32, #tpu.memory_space<vmem>> -> memref<1x128xi32, #tpu.memory_space<vmem>>
        %dma_wait3A_80 = tpu.memref_squeeze %dma_wait3A_79 : memref<1x128xi32, #tpu.memory_space<vmem>> -> memref<128xi32, #tpu.memory_space<vmem>>
        %dma_wait3A_81 = arith.constant 0 : i32
        %dma_wait3A_82 = tpu.memref_slice %arg4[%add3A_44, %dma_wait3A_81] : memref<2496x128xi32, #tpu.memory_space<hbm>> -> memref<1x128xi32, #tpu.memory_space<hbm>>
        %dma_wait3A_83 = tpu.memref_squeeze %dma_wait3A_82 : memref<1x128xi32, #tpu.memory_space<hbm>> -> memref<128xi32, #tpu.memory_space<hbm>>
        tpu.wait_dma2 semaphore(%run_scoped3A_59 : memref<!tpu.dma_semaphore, #tpu.memory_space<semaphore_mem>>) src(%dma_wait3A_83 : memref<128xi32, #tpu.memory_space<hbm>>) dst(%dma_wait3A_80 : memref<128xi32, #tpu.memory_space<vmem>>)
        tpu.yield
      }) : () -> ()
      %dma_start3A_45 = arith.constant 0 : i32
      %dma_start3A_46 = tpu.memref_slice %arg9[%scan3A_43, %dma_start3A_45] : memref<78x128xi32, #tpu.memory_space<vmem>> -> memref<1x128xi32, #tpu.memory_space<vmem>>
      %dma_start3A_47 = tpu.memref_squeeze %dma_start3A_46 : memref<1x128xi32, #tpu.memory_space<vmem>> -> memref<128xi32, #tpu.memory_space<vmem>>
      %dma_start3A_48 = arith.constant 0 : i32
      %dma_start3A_49 = arith.constant 0 : i32
      %dma_start3A_50 = tpu.memref_slice %arg2[%dma_start3A_48, %dma_start3A_49] : memref<10000x128xf32, #tpu.memory_space<hbm>> -> memref<10000x128xf32, #tpu.memory_space<hbm>>
      tpu.enqueue_indirect_dma source(%dma_start3A_50 : memref<10000x128xf32, #tpu.memory_space<hbm>>) target(%arg11 : memref<128x128xf32, #tpu.memory_space<vmem>>) offsets(%dma_start3A_47 : memref<128xi32, #tpu.memory_space<vmem>>) semaphore(%arg13 : memref<!tpu.dma_semaphore, #tpu.memory_space<semaphore_mem>>)
      %dma_wait3A_51 = arith.constant 0 : i32
      %dma_wait3A_52 = arith.constant 0 : i32
      %dma_wait3A_53 = tpu.memref_slice %arg9[%dma_wait3A_51, %dma_wait3A_52] : memref<78x128xi32, #tpu.memory_space<vmem>> -> memref<1x128xi32, #tpu.memory_space<vmem>>
      %dma_wait3A_54 = tpu.memref_squeeze %dma_wait3A_53 : memref<1x128xi32, #tpu.memory_space<vmem>> -> memref<128xi32, #tpu.memory_space<vmem>>
      %dma_wait3A_55 = arith.constant 0 : i32
      %dma_wait3A_56 = arith.constant 0 : i32
      %dma_wait3A_57 = tpu.memref_slice %arg2[%dma_wait3A_55, %dma_wait3A_56] : memref<10000x128xf32, #tpu.memory_space<hbm>> -> memref<10000x128xf32, #tpu.memory_space<hbm>>
      tpu.wait_indirect_dma semaphore(%arg13 : memref<!tpu.dma_semaphore, #tpu.memory_space<semaphore_mem>>) src(%dma_wait3A_57 : memref<10000x128xf32, #tpu.memory_space<hbm>>) dst(%arg11 : memref<128x128xf32, #tpu.memory_space<vmem>>)
      %run_scoped3A_58 = arith.constant 0 : i32
      "tpu.region"() ({
        %run_scoped3A_59 = tpu.sem_alloc : memref<!tpu.dma_semaphore, #tpu.memory_space<semaphore_mem>>
        %dma_start3A_60 = arith.constant 0 : i32
        %dma_start3A_61 = tpu.memref_slice %arg10[%run_scoped3A_58, %dma_start3A_60] : memref<4x128xi32, #tpu.memory_space<vmem>> -> memref<1x128xi32, #tpu.memory_space<vmem>>
        %dma_start3A_62 = tpu.memref_squeeze %dma_start3A_61 : memref<1x128xi32, #tpu.memory_space<vmem>> -> memref<128xi32, #tpu.memory_space<vmem>>
        %dma_start3A_63 = arith.constant 0 : i32
        %dma_start3A_64 = arith.constant 0 : i32
        %dma_start3A_65 = tpu.memref_slice %arg14[%dma_start3A_63, %dma_start3A_64] : memref<10000x128xf32, #tpu.memory_space<vmem_shared>> -> memref<10000x128xf32, #tpu.memory_space<vmem_shared>>
        tpu.enqueue_indirect_dma source(%arg11 : memref<128x128xf32, #tpu.memory_space<vmem>>) target(%dma_start3A_65 : memref<10000x128xf32, #tpu.memory_space<vmem_shared>>) offsets(%dma_start3A_62 : memref<128xi32, #tpu.memory_space<vmem>>) semaphore(%run_scoped3A_59 : memref<!tpu.dma_semaphore, #tpu.memory_space<semaphore_mem>>) {add = true}
        %dma_wait3A_66 = arith.constant 0 : i32
        %dma_wait3A_67 = tpu.memref_slice %arg10[%run_scoped3A_58, %dma_wait3A_66] : memref<4x128xi32, #tpu.memory_space<vmem>> -> memref<1x128xi32, #tpu.memory_space<vmem>>
        %dma_wait3A_68 = tpu.memref_squeeze %dma_wait3A_67 : memref<1x128xi32, #tpu.memory_space<vmem>> -> memref<128xi32, #tpu.memory_space<vmem>>
        %dma_wait3A_69 = arith.constant 0 : i32
        %dma_wait3A_70 = arith.constant 0 : i32
        %dma_wait3A_71 = tpu.memref_slice %arg14[%dma_wait3A_69, %dma_wait3A_70] : memref<10000x128xf32, #tpu.memory_space<vmem_shared>> -> memref<10000x128xf32, #tpu.memory_space<vmem_shared>>
        tpu.wait_indirect_dma semaphore(%run_scoped3A_59 : memref<!tpu.dma_semaphore, #tpu.memory_space<semaphore_mem>>) src(%arg11 : memref<128x128xf32, #tpu.memory_space<vmem>>) dst(%dma_wait3A_71 : memref<10000x128xf32, #tpu.memory_space<vmem_shared>>)
        tpu.yield
      }) : () -> ()
    }
    %scan3A_28 = arith.constant 78 : i32
    %lt3A = arith.constant 4 : i32
    %lt3A_29 = arith.cmpi slt, %add3A, %lt3A : i32
    %convert_element_type3A_30 = arith.extui %lt3A_29 : i1 to i32
    %cond3A_31 = arith.constant 0 : i32
    %cond3A_32 = arith.cmpi ne, %convert_element_type3A_30, %cond3A_31 : i32
    scf.if %cond3A_32 {
      %run_scoped3A = arith.constant 0 : i32
      "tpu.region"() ({
        %run_scoped3A_59 = tpu.sem_alloc : memref<!tpu.dma_semaphore, #tpu.memory_space<semaphore_mem>>
        %dma_start3A_60 = arith.constant 0 : i32
        %dma_start3A_61 = tpu.memref_slice %arg10[%run_scoped3A, %dma_start3A_60] : memref<4x128xi32, #tpu.memory_space<vmem>> -> memref<1x128xi32, #tpu.memory_space<vmem>>
        %dma_start3A_62 = tpu.memref_squeeze %dma_start3A_61 : memref<1x128xi32, #tpu.memory_space<vmem>> -> memref<128xi32, #tpu.memory_space<vmem>>
        %dma_start3A_63 = arith.constant 0 : i32
        %dma_start3A_64 = tpu.memref_slice %arg6[%add3A, %dma_start3A_63] : memref<4x128xi32, #tpu.memory_space<hbm>> -> memref<1x128xi32, #tpu.memory_space<hbm>>
        %dma_start3A_65 = tpu.memref_squeeze %dma_start3A_64 : memref<1x128xi32, #tpu.memory_space<hbm>> -> memref<128xi32, #tpu.memory_space<hbm>>
        %dma_start3A_66 = arith.constant 0 : i32
        %dma_start3A_67 = tpu.memref_slice %arg10[%run_scoped3A, %dma_start3A_66] : memref<4x128xi32, #tpu.memory_space<vmem>> -> memref<1x128xi32, #tpu.memory_space<vmem>>
        %dma_start3A_68 = tpu.memref_squeeze %dma_start3A_67 : memref<1x128xi32, #tpu.memory_space<vmem>> -> memref<128xi32, #tpu.memory_space<vmem>>
        %dma_start3A_69 = arith.constant 0 : i32
        %dma_start3A_70 = tpu.memref_slice %arg6[%add3A, %dma_start3A_69] : memref<4x128xi32, #tpu.memory_space<hbm>> -> memref<1x128xi32, #tpu.memory_space<hbm>>
        %dma_start3A_71 = tpu.memref_squeeze %dma_start3A_70 : memref<1x128xi32, #tpu.memory_space<hbm>> -> memref<128xi32, #tpu.memory_space<hbm>>
        tpu.enqueue_dma source(%dma_start3A_71 : memref<128xi32, #tpu.memory_space<hbm>>) target(%dma_start3A_68 : memref<128xi32, #tpu.memory_space<vmem>>) target_semaphore(%run_scoped3A_59 : memref<!tpu.dma_semaphore, #tpu.memory_space<semaphore_mem>>)
        %dma_wait3A_72 = arith.constant 0 : i32
        %dma_wait3A_73 = tpu.memref_slice %arg10[%run_scoped3A, %dma_wait3A_72] : memref<4x128xi32, #tpu.memory_space<vmem>> -> memref<1x128xi32, #tpu.memory_space<vmem>>
        %dma_wait3A_74 = tpu.memref_squeeze %dma_wait3A_73 : memref<1x128xi32, #tpu.memory_space<vmem>> -> memref<128xi32, #tpu.memory_space<vmem>>
        %dma_wait3A_75 = arith.constant 0 : i32
        %dma_wait3A_76 = tpu.memref_slice %arg6[%add3A, %dma_wait3A_75] : memref<4x128xi32, #tpu.memory_space<hbm>> -> memref<1x128xi32, #tpu.memory_space<hbm>>
        %dma_wait3A_77 = tpu.memref_squeeze %dma_wait3A_76 : memref<1x128xi32, #tpu.memory_space<hbm>> -> memref<128xi32, #tpu.memory_space<hbm>>
        %dma_wait3A_78 = arith.constant 0 : i32
        %dma_wait3A_79 = tpu.memref_slice %arg10[%run_scoped3A, %dma_wait3A_78] : memref<4x128xi32, #tpu.memory_space<vmem>> -> memref<1x128xi32, #tpu.memory_space<vmem>>
        %dma_wait3A_80 = tpu.memref_squeeze %dma_wait3A_79 : memref<1x128xi32, #tpu.memory_space<vmem>> -> memref<128xi32, #tpu.memory_space<vmem>>
        %dma_wait3A_81 = arith.constant 0 : i32
        %dma_wait3A_82 = tpu.memref_slice %arg6[%add3A, %dma_wait3A_81] : memref<4x128xi32, #tpu.memory_space<hbm>> -> memref<1x128xi32, #tpu.memory_space<hbm>>
        %dma_wait3A_83 = tpu.memref_squeeze %dma_wait3A_82 : memref<1x128xi32, #tpu.memory_space<hbm>> -> memref<128xi32, #tpu.memory_space<hbm>>
        tpu.wait_dma2 semaphore(%run_scoped3A_59 : memref<!tpu.dma_semaphore, #tpu.memory_space<semaphore_mem>>) src(%dma_wait3A_83 : memref<128xi32, #tpu.memory_space<hbm>>) dst(%dma_wait3A_80 : memref<128xi32, #tpu.memory_space<vmem>>)
        tpu.yield
      }) : () -> ()
      %run_scoped3A_43 = arith.constant 0 : i32
      "tpu.region"() ({
        %run_scoped3A_59 = tpu.sem_alloc : memref<!tpu.dma_semaphore, #tpu.memory_space<semaphore_mem>>
        %dma_start3A_60 = arith.constant 0 : i32
        %dma_start3A_61 = tpu.memref_slice %arg9[%run_scoped3A_43, %dma_start3A_60] : memref<78x128xi32, #tpu.memory_space<vmem>> -> memref<1x128xi32, #tpu.memory_space<vmem>>
        %dma_start3A_62 = tpu.memref_squeeze %dma_start3A_61 : memref<1x128xi32, #tpu.memory_space<vmem>> -> memref<128xi32, #tpu.memory_space<vmem>>
        %dma_start3A_63 = arith.constant 0 : i32
        %dma_start3A_64 = tpu.memref_slice %arg5[%add3A, %dma_start3A_63] : memref<4x128xi32, #tpu.memory_space<hbm>> -> memref<1x128xi32, #tpu.memory_space<hbm>>
        %dma_start3A_65 = tpu.memref_squeeze %dma_start3A_64 : memref<1x128xi32, #tpu.memory_space<hbm>> -> memref<128xi32, #tpu.memory_space<hbm>>
        %dma_start3A_66 = arith.constant 0 : i32
        %dma_start3A_67 = tpu.memref_slice %arg9[%run_scoped3A_43, %dma_start3A_66] : memref<78x128xi32, #tpu.memory_space<vmem>> -> memref<1x128xi32, #tpu.memory_space<vmem>>
        %dma_start3A_68 = tpu.memref_squeeze %dma_start3A_67 : memref<1x128xi32, #tpu.memory_space<vmem>> -> memref<128xi32, #tpu.memory_space<vmem>>
        %dma_start3A_69 = arith.constant 0 : i32
        %dma_start3A_70 = tpu.memref_slice %arg5[%add3A, %dma_start3A_69] : memref<4x128xi32, #tpu.memory_space<hbm>> -> memref<1x128xi32, #tpu.memory_space<hbm>>
        %dma_start3A_71 = tpu.memref_squeeze %dma_start3A_70 : memref<1x128xi32, #tpu.memory_space<hbm>> -> memref<128xi32, #tpu.memory_space<hbm>>
        tpu.enqueue_dma source(%dma_start3A_71 : memref<128xi32, #tpu.memory_space<hbm>>) target(%dma_start3A_68 : memref<128xi32, #tpu.memory_space<vmem>>) target_semaphore(%run_scoped3A_59 : memref<!tpu.dma_semaphore, #tpu.memory_space<semaphore_mem>>)
        %dma_wait3A_72 = arith.constant 0 : i32
        %dma_wait3A_73 = tpu.memref_slice %arg9[%run_scoped3A_43, %dma_wait3A_72] : memref<78x128xi32, #tpu.memory_space<vmem>> -> memref<1x128xi32, #tpu.memory_space<vmem>>
        %dma_wait3A_74 = tpu.memref_squeeze %dma_wait3A_73 : memref<1x128xi32, #tpu.memory_space<vmem>> -> memref<128xi32, #tpu.memory_space<vmem>>
        %dma_wait3A_75 = arith.constant 0 : i32
        %dma_wait3A_76 = tpu.memref_slice %arg5[%add3A, %dma_wait3A_75] : memref<4x128xi32, #tpu.memory_space<hbm>> -> memref<1x128xi32, #tpu.memory_space<hbm>>
        %dma_wait3A_77 = tpu.memref_squeeze %dma_wait3A_76 : memref<1x128xi32, #tpu.memory_space<hbm>> -> memref<128xi32, #tpu.memory_space<hbm>>
        %dma_wait3A_78 = arith.constant 0 : i32
        %dma_wait3A_79 = tpu.memref_slice %arg9[%run_scoped3A_43, %dma_wait3A_78] : memref<78x128xi32, #tpu.memory_space<vmem>> -> memref<1x128xi32, #tpu.memory_space<vmem>>
        %dma_wait3A_80 = tpu.memref_squeeze %dma_wait3A_79 : memref<1x128xi32, #tpu.memory_space<vmem>> -> memref<128xi32, #tpu.memory_space<vmem>>
        %dma_wait3A_81 = arith.constant 0 : i32
        %dma_wait3A_82 = tpu.memref_slice %arg5[%add3A, %dma_wait3A_81] : memref<4x128xi32, #tpu.memory_space<hbm>> -> memref<1x128xi32, #tpu.memory_space<hbm>>
        %dma_wait3A_83 = tpu.memref_squeeze %dma_wait3A_82 : memref<1x128xi32, #tpu.memory_space<hbm>> -> memref<128xi32, #tpu.memory_space<hbm>>
        tpu.wait_dma2 semaphore(%run_scoped3A_59 : memref<!tpu.dma_semaphore, #tpu.memory_space<semaphore_mem>>) src(%dma_wait3A_83 : memref<128xi32, #tpu.memory_space<hbm>>) dst(%dma_wait3A_80 : memref<128xi32, #tpu.memory_space<vmem>>)
        tpu.yield
      }) : () -> ()
      %dma_start3A_44 = arith.constant 0 : i32
      %dma_start3A_45 = arith.constant 0 : i32
      %dma_start3A_46 = tpu.memref_slice %arg9[%dma_start3A_44, %dma_start3A_45] : memref<78x128xi32, #tpu.memory_space<vmem>> -> memref<1x128xi32, #tpu.memory_space<vmem>>
      %dma_start3A_47 = tpu.memref_squeeze %dma_start3A_46 : memref<1x128xi32, #tpu.memory_space<vmem>> -> memref<128xi32, #tpu.memory_space<vmem>>
      %dma_start3A_48 = arith.constant 0 : i32
      %dma_start3A_49 = arith.constant 0 : i32
      %dma_start3A_50 = tpu.memref_slice %arg2[%dma_start3A_48, %dma_start3A_49] : memref<10000x128xf32, #tpu.memory_space<hbm>> -> memref<10000x128xf32, #tpu.memory_space<hbm>>
      tpu.enqueue_indirect_dma source(%dma_start3A_50 : memref<10000x128xf32, #tpu.memory_space<hbm>>) target(%arg11 : memref<128x128xf32, #tpu.memory_space<vmem>>) offsets(%dma_start3A_47 : memref<128xi32, #tpu.memory_space<vmem>>) semaphore(%arg13 : memref<!tpu.dma_semaphore, #tpu.memory_space<semaphore_mem>>)
      %dma_wait3A_51 = arith.constant 0 : i32
      %dma_wait3A_52 = arith.constant 0 : i32
      %dma_wait3A_53 = tpu.memref_slice %arg9[%dma_wait3A_51, %dma_wait3A_52] : memref<78x128xi32, #tpu.memory_space<vmem>> -> memref<1x128xi32, #tpu.memory_space<vmem>>
      %dma_wait3A_54 = tpu.memref_squeeze %dma_wait3A_53 : memref<1x128xi32, #tpu.memory_space<vmem>> -> memref<128xi32, #tpu.memory_space<vmem>>
      %dma_wait3A_55 = arith.constant 0 : i32
      %dma_wait3A_56 = arith.constant 0 : i32
      %dma_wait3A_57 = tpu.memref_slice %arg2[%dma_wait3A_55, %dma_wait3A_56] : memref<10000x128xf32, #tpu.memory_space<hbm>> -> memref<10000x128xf32, #tpu.memory_space<hbm>>
      tpu.wait_indirect_dma semaphore(%arg13 : memref<!tpu.dma_semaphore, #tpu.memory_space<semaphore_mem>>) src(%dma_wait3A_57 : memref<10000x128xf32, #tpu.memory_space<hbm>>) dst(%arg11 : memref<128x128xf32, #tpu.memory_space<vmem>>)
      %run_scoped3A_58 = arith.constant 0 : i32
      "tpu.region"() ({
        %run_scoped3A_59 = tpu.sem_alloc : memref<!tpu.dma_semaphore, #tpu.memory_space<semaphore_mem>>
        %dma_start3A_60 = arith.constant 0 : i32
        %dma_start3A_61 = tpu.memref_slice %arg10[%run_scoped3A_58, %dma_start3A_60] : memref<4x128xi32, #tpu.memory_space<vmem>> -> memref<1x128xi32, #tpu.memory_space<vmem>>
        %dma_start3A_62 = tpu.memref_squeeze %dma_start3A_61 : memref<1x128xi32, #tpu.memory_space<vmem>> -> memref<128xi32, #tpu.memory_space<vmem>>
        %dma_start3A_63 = arith.constant 0 : i32
        %dma_start3A_64 = arith.constant 0 : i32
        %dma_start3A_65 = tpu.memref_slice %arg14[%dma_start3A_63, %dma_start3A_64] : memref<10000x128xf32, #tpu.memory_space<vmem_shared>> -> memref<10000x128xf32, #tpu.memory_space<vmem_shared>>
        tpu.enqueue_indirect_dma source(%arg11 : memref<128x128xf32, #tpu.memory_space<vmem>>) target(%dma_start3A_65 : memref<10000x128xf32, #tpu.memory_space<vmem_shared>>) offsets(%dma_start3A_62 : memref<128xi32, #tpu.memory_space<vmem>>) semaphore(%run_scoped3A_59 : memref<!tpu.dma_semaphore, #tpu.memory_space<semaphore_mem>>) {add = true}
        %dma_wait3A_66 = arith.constant 0 : i32
        %dma_wait3A_67 = tpu.memref_slice %arg10[%run_scoped3A_58, %dma_wait3A_66] : memref<4x128xi32, #tpu.memory_space<vmem>> -> memref<1x128xi32, #tpu.memory_space<vmem>>
        %dma_wait3A_68 = tpu.memref_squeeze %dma_wait3A_67 : memref<1x128xi32, #tpu.memory_space<vmem>> -> memref<128xi32, #tpu.memory_space<vmem>>
        %dma_wait3A_69 = arith.constant 0 : i32
        %dma_wait3A_70 = arith.constant 0 : i32
        %dma_wait3A_71 = tpu.memref_slice %arg14[%dma_wait3A_69, %dma_wait3A_70] : memref<10000x128xf32, #tpu.memory_space<vmem_shared>> -> memref<10000x128xf32, #tpu.memory_space<vmem_shared>>
        tpu.wait_indirect_dma semaphore(%run_scoped3A_59 : memref<!tpu.dma_semaphore, #tpu.memory_space<semaphore_mem>>) src(%arg11 : memref<128x128xf32, #tpu.memory_space<vmem>>) dst(%dma_wait3A_71 : memref<10000x128xf32, #tpu.memory_space<vmem_shared>>)
        tpu.yield
      }) : () -> ()
    } else {
    }
    %barrier3A_33 = arith.constant 0 : index
    tpu.barrier barrier_id(%barrier3A_33)
    %mul3A_34 = arith.constant 624 : i32
    %mul3A_35 = arith.muli %arg1, %mul3A_34 : i32
    %mul3A_36 = arith.constant 624 : i32
    %mul3A_37 = arith.muli %arg1, %mul3A_36 : i32
    "tpu.region"() ({
      %run_scoped3A = tpu.sem_alloc : memref<!tpu.dma_semaphore, #tpu.memory_space<semaphore_mem>>
      %dma_start3A_43 = arith.constant 0 : i32
      %dma_start3A_44 = tpu.memref_slice %arg8[%arg0, %mul3A_37, %dma_start3A_43] : memref<2x10000x128xf32, #tpu.memory_space<hbm>> -> memref<1x624x128xf32, #tpu.memory_space<hbm>>
      %dma_start3A_45 = tpu.memref_squeeze %dma_start3A_44 : memref<1x624x128xf32, #tpu.memory_space<hbm>> -> memref<624x128xf32, #tpu.memory_space<hbm>>
      %dma_start3A_46 = arith.constant 0 : i32
      %dma_start3A_47 = tpu.memref_slice %arg14[%mul3A_35, %dma_start3A_46] : memref<10000x128xf32, #tpu.memory_space<vmem_shared>> -> memref<624x128xf32, #tpu.memory_space<vmem_shared>>
      tpu.enqueue_dma source(%dma_start3A_47 : memref<624x128xf32, #tpu.memory_space<vmem_shared>>) target(%dma_start3A_45 : memref<624x128xf32, #tpu.memory_space<hbm>>) target_semaphore(%run_scoped3A : memref<!tpu.dma_semaphore, #tpu.memory_space<semaphore_mem>>)
      %dma_wait3A_48 = arith.constant 0 : i32
      %dma_wait3A_49 = tpu.memref_slice %arg8[%arg0, %mul3A_37, %dma_wait3A_48] : memref<2x10000x128xf32, #tpu.memory_space<hbm>> -> memref<1x624x128xf32, #tpu.memory_space<hbm>>
      %dma_wait3A_50 = tpu.memref_squeeze %dma_wait3A_49 : memref<1x624x128xf32, #tpu.memory_space<hbm>> -> memref<624x128xf32, #tpu.memory_space<hbm>>
      %dma_wait3A_51 = arith.constant 0 : i32
      %dma_wait3A_52 = tpu.memref_slice %arg14[%mul3A_35, %dma_wait3A_51] : memref<10000x128xf32, #tpu.memory_space<vmem_shared>> -> memref<624x128xf32, #tpu.memory_space<vmem_shared>>
      tpu.wait_dma2 semaphore(%run_scoped3A : memref<!tpu.dma_semaphore, #tpu.memory_space<semaphore_mem>>) src(%dma_wait3A_52 : memref<624x128xf32, #tpu.memory_space<vmem_shared>>) dst(%dma_wait3A_50 : memref<624x128xf32, #tpu.memory_space<hbm>>)
      tpu.yield
    }) : () -> ()
    %eq3A_38 = arith.constant 15 : i32
    %eq3A_39 = arith.cmpi eq, %arg1, %eq3A_38 : i32
    %convert_element_type3A_40 = arith.extui %eq3A_39 : i1 to i32
    %cond3A_41 = arith.constant 0 : i32
    %cond3A_42 = arith.cmpi ne, %convert_element_type3A_40, %cond3A_41 : i32
    scf.if %cond3A_42 {
      "tpu.region"() ({
        %run_scoped3A = tpu.sem_alloc : memref<!tpu.dma_semaphore, #tpu.memory_space<semaphore_mem>>
        %dma_start3A_43 = arith.constant 9984 : i32
        %dma_start3A_44 = arith.constant 0 : i32
        %dma_start3A_45 = tpu.memref_slice %arg8[%arg0, %dma_start3A_43, %dma_start3A_44] : memref<2x10000x128xf32, #tpu.memory_space<hbm>> -> memref<1x16x128xf32, #tpu.memory_space<hbm>>
        %dma_start3A_46 = tpu.memref_squeeze %dma_start3A_45 : memref<1x16x128xf32, #tpu.memory_space<hbm>> -> memref<16x128xf32, #tpu.memory_space<hbm>>
        %dma_start3A_47 = arith.constant 9984 : i32
        %dma_start3A_48 = arith.constant 0 : i32
        %dma_start3A_49 = tpu.memref_slice %arg14[%dma_start3A_47, %dma_start3A_48] : memref<10000x128xf32, #tpu.memory_space<vmem_shared>> -> memref<16x128xf32, #tpu.memory_space<vmem_shared>>
        tpu.enqueue_dma source(%dma_start3A_49 : memref<16x128xf32, #tpu.memory_space<vmem_shared>>) target(%dma_start3A_46 : memref<16x128xf32, #tpu.memory_space<hbm>>) target_semaphore(%run_scoped3A : memref<!tpu.dma_semaphore, #tpu.memory_space<semaphore_mem>>)
        %dma_wait3A_50 = arith.constant 9984 : i32
        %dma_wait3A_51 = arith.constant 0 : i32
        %dma_wait3A_52 = tpu.memref_slice %arg8[%arg0, %dma_wait3A_50, %dma_wait3A_51] : memref<2x10000x128xf32, #tpu.memory_space<hbm>> -> memref<1x16x128xf32, #tpu.memory_space<hbm>>
        %dma_wait3A_53 = tpu.memref_squeeze %dma_wait3A_52 : memref<1x16x128xf32, #tpu.memory_space<hbm>> -> memref<16x128xf32, #tpu.memory_space<hbm>>
        %dma_wait3A_54 = arith.constant 9984 : i32
        %dma_wait3A_55 = arith.constant 0 : i32
        %dma_wait3A_56 = tpu.memref_slice %arg14[%dma_wait3A_54, %dma_wait3A_55] : memref<10000x128xf32, #tpu.memory_space<vmem_shared>> -> memref<16x128xf32, #tpu.memory_space<vmem_shared>>
        tpu.wait_dma2 semaphore(%run_scoped3A : memref<!tpu.dma_semaphore, #tpu.memory_space<semaphore_mem>>) src(%dma_wait3A_56 : memref<16x128xf32, #tpu.memory_space<vmem_shared>>) dst(%dma_wait3A_53 : memref<16x128xf32, #tpu.memory_space<hbm>>)
        tpu.yield
      }) : () -> ()
    } else {
    }
    return
  }
}

#map = affine_map<(d0, d1) -> (0, 0)>
#map1 = affine_map<(d0, d1) -> (0, 0, 0)>
module attributes {stable_mosaic.version = 14 : i64} {
  func.func @_sc_agg_body(%arg0: i32, %arg1: i32, %arg2: memref<10000x128xf32, #tpu.memory_space<hbm>>, %arg3: memref<32x78x128xi32, #tpu.memory_space<hbm>>, %arg4: memref<2496x128xi32, #tpu.memory_space<hbm>>, %arg5: memref<4x128xi32, #tpu.memory_space<hbm>>, %arg6: memref<4x128xi32, #tpu.memory_space<hbm>>, %arg7: memref<10000x128xf32, #tpu.memory_space<hbm>>, %arg8: memref<2x10000x128xf32, #tpu.memory_space<hbm>>, %arg9: memref<78x128xi32, #tpu.memory_space<vmem>>, %arg10: memref<4x128xi32, #tpu.memory_space<vmem>>, %arg11: memref<128x128xf32, #tpu.memory_space<vmem>>, %arg12: memref<!tpu.dma_semaphore, #tpu.memory_space<semaphore_mem>>, %arg13: memref<!tpu.dma_semaphore, #tpu.memory_space<semaphore_mem>>, %arg14: memref<10000x128xf32, #tpu.memory_space<vmem_shared>>) attributes {dimension_semantics = [#tpu.dimension_semantics<core_parallel>, #tpu.dimension_semantics<subcore_parallel>], iteration_bounds = array<i64: 2, 16>, scalar_prefetch = 0 : i64, scratch_operands = 6 : i64, tpu.core_type = #tpu.core_type<sc_vector_subcore>, window_params = [{transform_indices = #map}, {transform_indices = #map1}, {transform_indices = #map}, {transform_indices = #map}, {transform_indices = #map}, {transform_indices = #map}, {transform_indices = #map1}]} {
    %mul3A = arith.constant 2 : i32
    %mul3A_0 = arith.muli %arg1, %mul3A : i32
    %add3A = arith.addi %mul3A_0, %arg0 : i32
    %dma_start3A = arith.constant 0 : i32
    %dma_start3A_1 = arith.constant 0 : i32
    %dma_start3A_2 = tpu.memref_slice %arg3[%add3A, %dma_start3A, %dma_start3A_1] : memref<32x78x128xi32, #tpu.memory_space<hbm>> -> memref<1x78x128xi32, #tpu.memory_space<hbm>>
    %dma_start3A_3 = tpu.memref_squeeze %dma_start3A_2 : memref<1x78x128xi32, #tpu.memory_space<hbm>> -> memref<78x128xi32, #tpu.memory_space<hbm>>
    %dma_start3A_4 = arith.constant 0 : i32
    %dma_start3A_5 = arith.constant 0 : i32
    %dma_start3A_6 = tpu.memref_slice %arg3[%add3A, %dma_start3A_4, %dma_start3A_5] : memref<32x78x128xi32, #tpu.memory_space<hbm>> -> memref<1x78x128xi32, #tpu.memory_space<hbm>>
    %dma_start3A_7 = tpu.memref_squeeze %dma_start3A_6 : memref<1x78x128xi32, #tpu.memory_space<hbm>> -> memref<78x128xi32, #tpu.memory_space<hbm>>
    tpu.enqueue_dma source(%dma_start3A_7 : memref<78x128xi32, #tpu.memory_space<hbm>>) target(%arg9 : memref<78x128xi32, #tpu.memory_space<vmem>>) target_semaphore(%arg12 : memref<!tpu.dma_semaphore, #tpu.memory_space<semaphore_mem>>)
    %mul3A_8 = arith.constant 624 : i32
    %mul3A_9 = arith.muli %arg1, %mul3A_8 : i32
    %mul3A_10 = arith.constant 624 : i32
    %mul3A_11 = arith.muli %arg1, %mul3A_10 : i32
    "tpu.region"() ({
      %run_scoped3A = tpu.sem_alloc : memref<!tpu.dma_semaphore, #tpu.memory_space<semaphore_mem>>
      %dma_start3A_43 = arith.constant 0 : i32
      %dma_start3A_44 = tpu.memref_slice %arg14[%mul3A_11, %dma_start3A_43] : memref<10000x128xf32, #tpu.memory_space<vmem_shared>> -> memref<624x128xf32, #tpu.memory_space<vmem_shared>>
      %dma_start3A_45 = arith.constant 0 : i32
      %dma_start3A_46 = tpu.memref_slice %arg7[%mul3A_9, %dma_start3A_45] : memref<10000x128xf32, #tpu.memory_space<hbm>> -> memref<624x128xf32, #tpu.memory_space<hbm>>
      tpu.enqueue_dma source(%dma_start3A_46 : memref<624x128xf32, #tpu.memory_space<hbm>>) target(%dma_start3A_44 : memref<624x128xf32, #tpu.memory_space<vmem_shared>>) target_semaphore(%run_scoped3A : memref<!tpu.dma_semaphore, #tpu.memory_space<semaphore_mem>>)
      %dma_wait3A_47 = arith.constant 0 : i32
      %dma_wait3A_48 = tpu.memref_slice %arg14[%mul3A_11, %dma_wait3A_47] : memref<10000x128xf32, #tpu.memory_space<vmem_shared>> -> memref<624x128xf32, #tpu.memory_space<vmem_shared>>
      %dma_wait3A_49 = arith.constant 0 : i32
      %dma_wait3A_50 = tpu.memref_slice %arg7[%mul3A_9, %dma_wait3A_49] : memref<10000x128xf32, #tpu.memory_space<hbm>> -> memref<624x128xf32, #tpu.memory_space<hbm>>
      tpu.wait_dma2 semaphore(%run_scoped3A : memref<!tpu.dma_semaphore, #tpu.memory_space<semaphore_mem>>) src(%dma_wait3A_50 : memref<624x128xf32, #tpu.memory_space<hbm>>) dst(%dma_wait3A_48 : memref<624x128xf32, #tpu.memory_space<vmem_shared>>)
      tpu.yield
    }) : () -> ()
    %eq3A = arith.constant 15 : i32
    %eq3A_12 = arith.cmpi eq, %arg1, %eq3A : i32
    %convert_element_type3A = arith.extui %eq3A_12 : i1 to i32
    %cond3A = arith.constant 0 : i32
    %cond3A_13 = arith.cmpi ne, %convert_element_type3A, %cond3A : i32
    scf.if %cond3A_13 {
      "tpu.region"() ({
        %run_scoped3A = tpu.sem_alloc : memref<!tpu.dma_semaphore, #tpu.memory_space<semaphore_mem>>
        %dma_start3A_43 = arith.constant 9984 : i32
        %dma_start3A_44 = arith.constant 0 : i32
        %dma_start3A_45 = tpu.memref_slice %arg14[%dma_start3A_43, %dma_start3A_44] : memref<10000x128xf32, #tpu.memory_space<vmem_shared>> -> memref<16x128xf32, #tpu.memory_space<vmem_shared>>
        %dma_start3A_46 = arith.constant 9984 : i32
        %dma_start3A_47 = arith.constant 0 : i32
        %dma_start3A_48 = tpu.memref_slice %arg7[%dma_start3A_46, %dma_start3A_47] : memref<10000x128xf32, #tpu.memory_space<hbm>> -> memref<16x128xf32, #tpu.memory_space<hbm>>
        tpu.enqueue_dma source(%dma_start3A_48 : memref<16x128xf32, #tpu.memory_space<hbm>>) target(%dma_start3A_45 : memref<16x128xf32, #tpu.memory_space<vmem_shared>>) target_semaphore(%run_scoped3A : memref<!tpu.dma_semaphore, #tpu.memory_space<semaphore_mem>>)
        %dma_wait3A_49 = arith.constant 9984 : i32
        %dma_wait3A_50 = arith.constant 0 : i32
        %dma_wait3A_51 = tpu.memref_slice %arg14[%dma_wait3A_49, %dma_wait3A_50] : memref<10000x128xf32, #tpu.memory_space<vmem_shared>> -> memref<16x128xf32, #tpu.memory_space<vmem_shared>>
        %dma_wait3A_52 = arith.constant 9984 : i32
        %dma_wait3A_53 = arith.constant 0 : i32
        %dma_wait3A_54 = tpu.memref_slice %arg7[%dma_wait3A_52, %dma_wait3A_53] : memref<10000x128xf32, #tpu.memory_space<hbm>> -> memref<16x128xf32, #tpu.memory_space<hbm>>
        tpu.wait_dma2 semaphore(%run_scoped3A : memref<!tpu.dma_semaphore, #tpu.memory_space<semaphore_mem>>) src(%dma_wait3A_54 : memref<16x128xf32, #tpu.memory_space<hbm>>) dst(%dma_wait3A_51 : memref<16x128xf32, #tpu.memory_space<vmem_shared>>)
        tpu.yield
      }) : () -> ()
    } else {
    }
    %dma_wait3A = arith.constant 0 : i32
    %dma_wait3A_14 = arith.constant 0 : i32
    %dma_wait3A_15 = arith.constant 0 : i32
    %dma_wait3A_16 = tpu.memref_slice %arg3[%dma_wait3A, %dma_wait3A_14, %dma_wait3A_15] : memref<32x78x128xi32, #tpu.memory_space<hbm>> -> memref<1x78x128xi32, #tpu.memory_space<hbm>>
    %dma_wait3A_17 = tpu.memref_squeeze %dma_wait3A_16 : memref<1x78x128xi32, #tpu.memory_space<hbm>> -> memref<78x128xi32, #tpu.memory_space<hbm>>
    %dma_wait3A_18 = arith.constant 0 : i32
    %dma_wait3A_19 = arith.constant 0 : i32
    %dma_wait3A_20 = tpu.memref_slice %arg3[%dma_wait3A, %dma_wait3A_18, %dma_wait3A_19] : memref<32x78x128xi32, #tpu.memory_space<hbm>> -> memref<1x78x128xi32, #tpu.memory_space<hbm>>
    %dma_wait3A_21 = tpu.memref_squeeze %dma_wait3A_20 : memref<1x78x128xi32, #tpu.memory_space<hbm>> -> memref<78x128xi32, #tpu.memory_space<hbm>>
    tpu.wait_dma2 semaphore(%arg12 : memref<!tpu.dma_semaphore, #tpu.memory_space<semaphore_mem>>) src(%dma_wait3A_21 : memref<78x128xi32, #tpu.memory_space<hbm>>) dst(%arg9 : memref<78x128xi32, #tpu.memory_space<vmem>>)
    %barrier3A = arith.constant 0 : index
    tpu.barrier barrier_id(%barrier3A)
    %mul3A_22 = arith.constant 78 : i32
    %mul3A_23 = arith.muli %add3A, %mul3A_22 : i32
    %scan3A = arith.constant 0 : i32
    %scan3A_24 = arith.constant 0 : i32
    %scan3A_25 = arith.constant 78 : i32
    %scan3A_26 = arith.addi %scan3A_24, %scan3A_25 : i32
    %scan3A_27 = arith.constant 1 : i32
    scf.for %scan3A_43 = %scan3A_24 to %scan3A_26 step %scan3A_27  : i32 {
      %add3A_44 = arith.addi %mul3A_23, %scan3A_43 : i32
      %run_scoped3A = arith.constant 0 : i32
      "tpu.region"() ({
        %run_scoped3A_59 = tpu.sem_alloc : memref<!tpu.dma_semaphore, #tpu.memory_space<semaphore_mem>>
        %dma_start3A_60 = arith.constant 0 : i32
        %dma_start3A_61 = tpu.memref_slice %arg10[%run_scoped3A, %dma_start3A_60] : memref<4x128xi32, #tpu.memory_space<vmem>> -> memref<1x128xi32, #tpu.memory_space<vmem>>
        %dma_start3A_62 = tpu.memref_squeeze %dma_start3A_61 : memref<1x128xi32, #tpu.memory_space<vmem>> -> memref<128xi32, #tpu.memory_space<vmem>>
        %dma_start3A_63 = arith.constant 0 : i32
        %dma_start3A_64 = tpu.memref_slice %arg4[%add3A_44, %dma_start3A_63] : memref<2496x128xi32, #tpu.memory_space<hbm>> -> memref<1x128xi32, #tpu.memory_space<hbm>>
        %dma_start3A_65 = tpu.memref_squeeze %dma_start3A_64 : memref<1x128xi32, #tpu.memory_space<hbm>> -> memref<128xi32, #tpu.memory_space<hbm>>
        %dma_start3A_66 = arith.constant 0 : i32
        %dma_start3A_67 = tpu.memref_slice %arg10[%run_scoped3A, %dma_start3A_66] : memref<4x128xi32, #tpu.memory_space<vmem>> -> memref<1x128xi32, #tpu.memory_space<vmem>>
        %dma_start3A_68 = tpu.memref_squeeze %dma_start3A_67 : memref<1x128xi32, #tpu.memory_space<vmem>> -> memref<128xi32, #tpu.memory_space<vmem>>
        %dma_start3A_69 = arith.constant 0 : i32
        %dma_start3A_70 = tpu.memref_slice %arg4[%add3A_44, %dma_start3A_69] : memref<2496x128xi32, #tpu.memory_space<hbm>> -> memref<1x128xi32, #tpu.memory_space<hbm>>
        %dma_start3A_71 = tpu.memref_squeeze %dma_start3A_70 : memref<1x128xi32, #tpu.memory_space<hbm>> -> memref<128xi32, #tpu.memory_space<hbm>>
        tpu.enqueue_dma source(%dma_start3A_71 : memref<128xi32, #tpu.memory_space<hbm>>) target(%dma_start3A_68 : memref<128xi32, #tpu.memory_space<vmem>>) target_semaphore(%run_scoped3A_59 : memref<!tpu.dma_semaphore, #tpu.memory_space<semaphore_mem>>)
        %dma_wait3A_72 = arith.constant 0 : i32
        %dma_wait3A_73 = tpu.memref_slice %arg10[%run_scoped3A, %dma_wait3A_72] : memref<4x128xi32, #tpu.memory_space<vmem>> -> memref<1x128xi32, #tpu.memory_space<vmem>>
        %dma_wait3A_74 = tpu.memref_squeeze %dma_wait3A_73 : memref<1x128xi32, #tpu.memory_space<vmem>> -> memref<128xi32, #tpu.memory_space<vmem>>
        %dma_wait3A_75 = arith.constant 0 : i32
        %dma_wait3A_76 = tpu.memref_slice %arg4[%add3A_44, %dma_wait3A_75] : memref<2496x128xi32, #tpu.memory_space<hbm>> -> memref<1x128xi32, #tpu.memory_space<hbm>>
        %dma_wait3A_77 = tpu.memref_squeeze %dma_wait3A_76 : memref<1x128xi32, #tpu.memory_space<hbm>> -> memref<128xi32, #tpu.memory_space<hbm>>
        %dma_wait3A_78 = arith.constant 0 : i32
        %dma_wait3A_79 = tpu.memref_slice %arg10[%run_scoped3A, %dma_wait3A_78] : memref<4x128xi32, #tpu.memory_space<vmem>> -> memref<1x128xi32, #tpu.memory_space<vmem>>
        %dma_wait3A_80 = tpu.memref_squeeze %dma_wait3A_79 : memref<1x128xi32, #tpu.memory_space<vmem>> -> memref<128xi32, #tpu.memory_space<vmem>>
        %dma_wait3A_81 = arith.constant 0 : i32
        %dma_wait3A_82 = tpu.memref_slice %arg4[%add3A_44, %dma_wait3A_81] : memref<2496x128xi32, #tpu.memory_space<hbm>> -> memref<1x128xi32, #tpu.memory_space<hbm>>
        %dma_wait3A_83 = tpu.memref_squeeze %dma_wait3A_82 : memref<1x128xi32, #tpu.memory_space<hbm>> -> memref<128xi32, #tpu.memory_space<hbm>>
        tpu.wait_dma2 semaphore(%run_scoped3A_59 : memref<!tpu.dma_semaphore, #tpu.memory_space<semaphore_mem>>) src(%dma_wait3A_83 : memref<128xi32, #tpu.memory_space<hbm>>) dst(%dma_wait3A_80 : memref<128xi32, #tpu.memory_space<vmem>>)
        tpu.yield
      }) : () -> ()
      %dma_start3A_45 = arith.constant 0 : i32
      %dma_start3A_46 = tpu.memref_slice %arg9[%scan3A_43, %dma_start3A_45] : memref<78x128xi32, #tpu.memory_space<vmem>> -> memref<1x128xi32, #tpu.memory_space<vmem>>
      %dma_start3A_47 = tpu.memref_squeeze %dma_start3A_46 : memref<1x128xi32, #tpu.memory_space<vmem>> -> memref<128xi32, #tpu.memory_space<vmem>>
      %dma_start3A_48 = arith.constant 0 : i32
      %dma_start3A_49 = arith.constant 0 : i32
      %dma_start3A_50 = tpu.memref_slice %arg2[%dma_start3A_48, %dma_start3A_49] : memref<10000x128xf32, #tpu.memory_space<hbm>> -> memref<10000x128xf32, #tpu.memory_space<hbm>>
      tpu.enqueue_indirect_dma source(%dma_start3A_50 : memref<10000x128xf32, #tpu.memory_space<hbm>>) target(%arg11 : memref<128x128xf32, #tpu.memory_space<vmem>>) offsets(%dma_start3A_47 : memref<128xi32, #tpu.memory_space<vmem>>) semaphore(%arg13 : memref<!tpu.dma_semaphore, #tpu.memory_space<semaphore_mem>>)
      %dma_wait3A_51 = arith.constant 0 : i32
      %dma_wait3A_52 = arith.constant 0 : i32
      %dma_wait3A_53 = tpu.memref_slice %arg9[%dma_wait3A_51, %dma_wait3A_52] : memref<78x128xi32, #tpu.memory_space<vmem>> -> memref<1x128xi32, #tpu.memory_space<vmem>>
      %dma_wait3A_54 = tpu.memref_squeeze %dma_wait3A_53 : memref<1x128xi32, #tpu.memory_space<vmem>> -> memref<128xi32, #tpu.memory_space<vmem>>
      %dma_wait3A_55 = arith.constant 0 : i32
      %dma_wait3A_56 = arith.constant 0 : i32
      %dma_wait3A_57 = tpu.memref_slice %arg2[%dma_wait3A_55, %dma_wait3A_56] : memref<10000x128xf32, #tpu.memory_space<hbm>> -> memref<10000x128xf32, #tpu.memory_space<hbm>>
      tpu.wait_indirect_dma semaphore(%arg13 : memref<!tpu.dma_semaphore, #tpu.memory_space<semaphore_mem>>) src(%dma_wait3A_57 : memref<10000x128xf32, #tpu.memory_space<hbm>>) dst(%arg11 : memref<128x128xf32, #tpu.memory_space<vmem>>)
      %run_scoped3A_58 = arith.constant 0 : i32
      "tpu.region"() ({
        %run_scoped3A_59 = tpu.sem_alloc : memref<!tpu.dma_semaphore, #tpu.memory_space<semaphore_mem>>
        %dma_start3A_60 = arith.constant 0 : i32
        %dma_start3A_61 = tpu.memref_slice %arg10[%run_scoped3A_58, %dma_start3A_60] : memref<4x128xi32, #tpu.memory_space<vmem>> -> memref<1x128xi32, #tpu.memory_space<vmem>>
        %dma_start3A_62 = tpu.memref_squeeze %dma_start3A_61 : memref<1x128xi32, #tpu.memory_space<vmem>> -> memref<128xi32, #tpu.memory_space<vmem>>
        %dma_start3A_63 = arith.constant 0 : i32
        %dma_start3A_64 = arith.constant 0 : i32
        %dma_start3A_65 = tpu.memref_slice %arg14[%dma_start3A_63, %dma_start3A_64] : memref<10000x128xf32, #tpu.memory_space<vmem_shared>> -> memref<10000x128xf32, #tpu.memory_space<vmem_shared>>
        tpu.enqueue_indirect_dma source(%arg11 : memref<128x128xf32, #tpu.memory_space<vmem>>) target(%dma_start3A_65 : memref<10000x128xf32, #tpu.memory_space<vmem_shared>>) offsets(%dma_start3A_62 : memref<128xi32, #tpu.memory_space<vmem>>) semaphore(%run_scoped3A_59 : memref<!tpu.dma_semaphore, #tpu.memory_space<semaphore_mem>>) {add = true}
        %dma_wait3A_66 = arith.constant 0 : i32
        %dma_wait3A_67 = tpu.memref_slice %arg10[%run_scoped3A_58, %dma_wait3A_66] : memref<4x128xi32, #tpu.memory_space<vmem>> -> memref<1x128xi32, #tpu.memory_space<vmem>>
        %dma_wait3A_68 = tpu.memref_squeeze %dma_wait3A_67 : memref<1x128xi32, #tpu.memory_space<vmem>> -> memref<128xi32, #tpu.memory_space<vmem>>
        %dma_wait3A_69 = arith.constant 0 : i32
        %dma_wait3A_70 = arith.constant 0 : i32
        %dma_wait3A_71 = tpu.memref_slice %arg14[%dma_wait3A_69, %dma_wait3A_70] : memref<10000x128xf32, #tpu.memory_space<vmem_shared>> -> memref<10000x128xf32, #tpu.memory_space<vmem_shared>>
        tpu.wait_indirect_dma semaphore(%run_scoped3A_59 : memref<!tpu.dma_semaphore, #tpu.memory_space<semaphore_mem>>) src(%arg11 : memref<128x128xf32, #tpu.memory_space<vmem>>) dst(%dma_wait3A_71 : memref<10000x128xf32, #tpu.memory_space<vmem_shared>>)
        tpu.yield
      }) : () -> ()
    }
    %scan3A_28 = arith.constant 78 : i32
    %lt3A = arith.constant 4 : i32
    %lt3A_29 = arith.cmpi slt, %add3A, %lt3A : i32
    %convert_element_type3A_30 = arith.extui %lt3A_29 : i1 to i32
    %cond3A_31 = arith.constant 0 : i32
    %cond3A_32 = arith.cmpi ne, %convert_element_type3A_30, %cond3A_31 : i32
    scf.if %cond3A_32 {
      %run_scoped3A = arith.constant 0 : i32
      "tpu.region"() ({
        %run_scoped3A_59 = tpu.sem_alloc : memref<!tpu.dma_semaphore, #tpu.memory_space<semaphore_mem>>
        %dma_start3A_60 = arith.constant 0 : i32
        %dma_start3A_61 = tpu.memref_slice %arg10[%run_scoped3A, %dma_start3A_60] : memref<4x128xi32, #tpu.memory_space<vmem>> -> memref<1x128xi32, #tpu.memory_space<vmem>>
        %dma_start3A_62 = tpu.memref_squeeze %dma_start3A_61 : memref<1x128xi32, #tpu.memory_space<vmem>> -> memref<128xi32, #tpu.memory_space<vmem>>
        %dma_start3A_63 = arith.constant 0 : i32
        %dma_start3A_64 = tpu.memref_slice %arg6[%add3A, %dma_start3A_63] : memref<4x128xi32, #tpu.memory_space<hbm>> -> memref<1x128xi32, #tpu.memory_space<hbm>>
        %dma_start3A_65 = tpu.memref_squeeze %dma_start3A_64 : memref<1x128xi32, #tpu.memory_space<hbm>> -> memref<128xi32, #tpu.memory_space<hbm>>
        %dma_start3A_66 = arith.constant 0 : i32
        %dma_start3A_67 = tpu.memref_slice %arg10[%run_scoped3A, %dma_start3A_66] : memref<4x128xi32, #tpu.memory_space<vmem>> -> memref<1x128xi32, #tpu.memory_space<vmem>>
        %dma_start3A_68 = tpu.memref_squeeze %dma_start3A_67 : memref<1x128xi32, #tpu.memory_space<vmem>> -> memref<128xi32, #tpu.memory_space<vmem>>
        %dma_start3A_69 = arith.constant 0 : i32
        %dma_start3A_70 = tpu.memref_slice %arg6[%add3A, %dma_start3A_69] : memref<4x128xi32, #tpu.memory_space<hbm>> -> memref<1x128xi32, #tpu.memory_space<hbm>>
        %dma_start3A_71 = tpu.memref_squeeze %dma_start3A_70 : memref<1x128xi32, #tpu.memory_space<hbm>> -> memref<128xi32, #tpu.memory_space<hbm>>
        tpu.enqueue_dma source(%dma_start3A_71 : memref<128xi32, #tpu.memory_space<hbm>>) target(%dma_start3A_68 : memref<128xi32, #tpu.memory_space<vmem>>) target_semaphore(%run_scoped3A_59 : memref<!tpu.dma_semaphore, #tpu.memory_space<semaphore_mem>>)
        %dma_wait3A_72 = arith.constant 0 : i32
        %dma_wait3A_73 = tpu.memref_slice %arg10[%run_scoped3A, %dma_wait3A_72] : memref<4x128xi32, #tpu.memory_space<vmem>> -> memref<1x128xi32, #tpu.memory_space<vmem>>
        %dma_wait3A_74 = tpu.memref_squeeze %dma_wait3A_73 : memref<1x128xi32, #tpu.memory_space<vmem>> -> memref<128xi32, #tpu.memory_space<vmem>>
        %dma_wait3A_75 = arith.constant 0 : i32
        %dma_wait3A_76 = tpu.memref_slice %arg6[%add3A, %dma_wait3A_75] : memref<4x128xi32, #tpu.memory_space<hbm>> -> memref<1x128xi32, #tpu.memory_space<hbm>>
        %dma_wait3A_77 = tpu.memref_squeeze %dma_wait3A_76 : memref<1x128xi32, #tpu.memory_space<hbm>> -> memref<128xi32, #tpu.memory_space<hbm>>
        %dma_wait3A_78 = arith.constant 0 : i32
        %dma_wait3A_79 = tpu.memref_slice %arg10[%run_scoped3A, %dma_wait3A_78] : memref<4x128xi32, #tpu.memory_space<vmem>> -> memref<1x128xi32, #tpu.memory_space<vmem>>
        %dma_wait3A_80 = tpu.memref_squeeze %dma_wait3A_79 : memref<1x128xi32, #tpu.memory_space<vmem>> -> memref<128xi32, #tpu.memory_space<vmem>>
        %dma_wait3A_81 = arith.constant 0 : i32
        %dma_wait3A_82 = tpu.memref_slice %arg6[%add3A, %dma_wait3A_81] : memref<4x128xi32, #tpu.memory_space<hbm>> -> memref<1x128xi32, #tpu.memory_space<hbm>>
        %dma_wait3A_83 = tpu.memref_squeeze %dma_wait3A_82 : memref<1x128xi32, #tpu.memory_space<hbm>> -> memref<128xi32, #tpu.memory_space<hbm>>
        tpu.wait_dma2 semaphore(%run_scoped3A_59 : memref<!tpu.dma_semaphore, #tpu.memory_space<semaphore_mem>>) src(%dma_wait3A_83 : memref<128xi32, #tpu.memory_space<hbm>>) dst(%dma_wait3A_80 : memref<128xi32, #tpu.memory_space<vmem>>)
        tpu.yield
      }) : () -> ()
      %run_scoped3A_43 = arith.constant 0 : i32
      "tpu.region"() ({
        %run_scoped3A_59 = tpu.sem_alloc : memref<!tpu.dma_semaphore, #tpu.memory_space<semaphore_mem>>
        %dma_start3A_60 = arith.constant 0 : i32
        %dma_start3A_61 = tpu.memref_slice %arg9[%run_scoped3A_43, %dma_start3A_60] : memref<78x128xi32, #tpu.memory_space<vmem>> -> memref<1x128xi32, #tpu.memory_space<vmem>>
        %dma_start3A_62 = tpu.memref_squeeze %dma_start3A_61 : memref<1x128xi32, #tpu.memory_space<vmem>> -> memref<128xi32, #tpu.memory_space<vmem>>
        %dma_start3A_63 = arith.constant 0 : i32
        %dma_start3A_64 = tpu.memref_slice %arg5[%add3A, %dma_start3A_63] : memref<4x128xi32, #tpu.memory_space<hbm>> -> memref<1x128xi32, #tpu.memory_space<hbm>>
        %dma_start3A_65 = tpu.memref_squeeze %dma_start3A_64 : memref<1x128xi32, #tpu.memory_space<hbm>> -> memref<128xi32, #tpu.memory_space<hbm>>
        %dma_start3A_66 = arith.constant 0 : i32
        %dma_start3A_67 = tpu.memref_slice %arg9[%run_scoped3A_43, %dma_start3A_66] : memref<78x128xi32, #tpu.memory_space<vmem>> -> memref<1x128xi32, #tpu.memory_space<vmem>>
        %dma_start3A_68 = tpu.memref_squeeze %dma_start3A_67 : memref<1x128xi32, #tpu.memory_space<vmem>> -> memref<128xi32, #tpu.memory_space<vmem>>
        %dma_start3A_69 = arith.constant 0 : i32
        %dma_start3A_70 = tpu.memref_slice %arg5[%add3A, %dma_start3A_69] : memref<4x128xi32, #tpu.memory_space<hbm>> -> memref<1x128xi32, #tpu.memory_space<hbm>>
        %dma_start3A_71 = tpu.memref_squeeze %dma_start3A_70 : memref<1x128xi32, #tpu.memory_space<hbm>> -> memref<128xi32, #tpu.memory_space<hbm>>
        tpu.enqueue_dma source(%dma_start3A_71 : memref<128xi32, #tpu.memory_space<hbm>>) target(%dma_start3A_68 : memref<128xi32, #tpu.memory_space<vmem>>) target_semaphore(%run_scoped3A_59 : memref<!tpu.dma_semaphore, #tpu.memory_space<semaphore_mem>>)
        %dma_wait3A_72 = arith.constant 0 : i32
        %dma_wait3A_73 = tpu.memref_slice %arg9[%run_scoped3A_43, %dma_wait3A_72] : memref<78x128xi32, #tpu.memory_space<vmem>> -> memref<1x128xi32, #tpu.memory_space<vmem>>
        %dma_wait3A_74 = tpu.memref_squeeze %dma_wait3A_73 : memref<1x128xi32, #tpu.memory_space<vmem>> -> memref<128xi32, #tpu.memory_space<vmem>>
        %dma_wait3A_75 = arith.constant 0 : i32
        %dma_wait3A_76 = tpu.memref_slice %arg5[%add3A, %dma_wait3A_75] : memref<4x128xi32, #tpu.memory_space<hbm>> -> memref<1x128xi32, #tpu.memory_space<hbm>>
        %dma_wait3A_77 = tpu.memref_squeeze %dma_wait3A_76 : memref<1x128xi32, #tpu.memory_space<hbm>> -> memref<128xi32, #tpu.memory_space<hbm>>
        %dma_wait3A_78 = arith.constant 0 : i32
        %dma_wait3A_79 = tpu.memref_slice %arg9[%run_scoped3A_43, %dma_wait3A_78] : memref<78x128xi32, #tpu.memory_space<vmem>> -> memref<1x128xi32, #tpu.memory_space<vmem>>
        %dma_wait3A_80 = tpu.memref_squeeze %dma_wait3A_79 : memref<1x128xi32, #tpu.memory_space<vmem>> -> memref<128xi32, #tpu.memory_space<vmem>>
        %dma_wait3A_81 = arith.constant 0 : i32
        %dma_wait3A_82 = tpu.memref_slice %arg5[%add3A, %dma_wait3A_81] : memref<4x128xi32, #tpu.memory_space<hbm>> -> memref<1x128xi32, #tpu.memory_space<hbm>>
        %dma_wait3A_83 = tpu.memref_squeeze %dma_wait3A_82 : memref<1x128xi32, #tpu.memory_space<hbm>> -> memref<128xi32, #tpu.memory_space<hbm>>
        tpu.wait_dma2 semaphore(%run_scoped3A_59 : memref<!tpu.dma_semaphore, #tpu.memory_space<semaphore_mem>>) src(%dma_wait3A_83 : memref<128xi32, #tpu.memory_space<hbm>>) dst(%dma_wait3A_80 : memref<128xi32, #tpu.memory_space<vmem>>)
        tpu.yield
      }) : () -> ()
      %dma_start3A_44 = arith.constant 0 : i32
      %dma_start3A_45 = arith.constant 0 : i32
      %dma_start3A_46 = tpu.memref_slice %arg9[%dma_start3A_44, %dma_start3A_45] : memref<78x128xi32, #tpu.memory_space<vmem>> -> memref<1x128xi32, #tpu.memory_space<vmem>>
      %dma_start3A_47 = tpu.memref_squeeze %dma_start3A_46 : memref<1x128xi32, #tpu.memory_space<vmem>> -> memref<128xi32, #tpu.memory_space<vmem>>
      %dma_start3A_48 = arith.constant 0 : i32
      %dma_start3A_49 = arith.constant 0 : i32
      %dma_start3A_50 = tpu.memref_slice %arg2[%dma_start3A_48, %dma_start3A_49] : memref<10000x128xf32, #tpu.memory_space<hbm>> -> memref<10000x128xf32, #tpu.memory_space<hbm>>
      tpu.enqueue_indirect_dma source(%dma_start3A_50 : memref<10000x128xf32, #tpu.memory_space<hbm>>) target(%arg11 : memref<128x128xf32, #tpu.memory_space<vmem>>) offsets(%dma_start3A_47 : memref<128xi32, #tpu.memory_space<vmem>>) semaphore(%arg13 : memref<!tpu.dma_semaphore, #tpu.memory_space<semaphore_mem>>)
      %dma_wait3A_51 = arith.constant 0 : i32
      %dma_wait3A_52 = arith.constant 0 : i32
      %dma_wait3A_53 = tpu.memref_slice %arg9[%dma_wait3A_51, %dma_wait3A_52] : memref<78x128xi32, #tpu.memory_space<vmem>> -> memref<1x128xi32, #tpu.memory_space<vmem>>
      %dma_wait3A_54 = tpu.memref_squeeze %dma_wait3A_53 : memref<1x128xi32, #tpu.memory_space<vmem>> -> memref<128xi32, #tpu.memory_space<vmem>>
      %dma_wait3A_55 = arith.constant 0 : i32
      %dma_wait3A_56 = arith.constant 0 : i32
      %dma_wait3A_57 = tpu.memref_slice %arg2[%dma_wait3A_55, %dma_wait3A_56] : memref<10000x128xf32, #tpu.memory_space<hbm>> -> memref<10000x128xf32, #tpu.memory_space<hbm>>
      tpu.wait_indirect_dma semaphore(%arg13 : memref<!tpu.dma_semaphore, #tpu.memory_space<semaphore_mem>>) src(%dma_wait3A_57 : memref<10000x128xf32, #tpu.memory_space<hbm>>) dst(%arg11 : memref<128x128xf32, #tpu.memory_space<vmem>>)
      %run_scoped3A_58 = arith.constant 0 : i32
      "tpu.region"() ({
        %run_scoped3A_59 = tpu.sem_alloc : memref<!tpu.dma_semaphore, #tpu.memory_space<semaphore_mem>>
        %dma_start3A_60 = arith.constant 0 : i32
        %dma_start3A_61 = tpu.memref_slice %arg10[%run_scoped3A_58, %dma_start3A_60] : memref<4x128xi32, #tpu.memory_space<vmem>> -> memref<1x128xi32, #tpu.memory_space<vmem>>
        %dma_start3A_62 = tpu.memref_squeeze %dma_start3A_61 : memref<1x128xi32, #tpu.memory_space<vmem>> -> memref<128xi32, #tpu.memory_space<vmem>>
        %dma_start3A_63 = arith.constant 0 : i32
        %dma_start3A_64 = arith.constant 0 : i32
        %dma_start3A_65 = tpu.memref_slice %arg14[%dma_start3A_63, %dma_start3A_64] : memref<10000x128xf32, #tpu.memory_space<vmem_shared>> -> memref<10000x128xf32, #tpu.memory_space<vmem_shared>>
        tpu.enqueue_indirect_dma source(%arg11 : memref<128x128xf32, #tpu.memory_space<vmem>>) target(%dma_start3A_65 : memref<10000x128xf32, #tpu.memory_space<vmem_shared>>) offsets(%dma_start3A_62 : memref<128xi32, #tpu.memory_space<vmem>>) semaphore(%run_scoped3A_59 : memref<!tpu.dma_semaphore, #tpu.memory_space<semaphore_mem>>) {add = true}
        %dma_wait3A_66 = arith.constant 0 : i32
        %dma_wait3A_67 = tpu.memref_slice %arg10[%run_scoped3A_58, %dma_wait3A_66] : memref<4x128xi32, #tpu.memory_space<vmem>> -> memref<1x128xi32, #tpu.memory_space<vmem>>
        %dma_wait3A_68 = tpu.memref_squeeze %dma_wait3A_67 : memref<1x128xi32, #tpu.memory_space<vmem>> -> memref<128xi32, #tpu.memory_space<vmem>>
        %dma_wait3A_69 = arith.constant 0 : i32
        %dma_wait3A_70 = arith.constant 0 : i32
        %dma_wait3A_71 = tpu.memref_slice %arg14[%dma_wait3A_69, %dma_wait3A_70] : memref<10000x128xf32, #tpu.memory_space<vmem_shared>> -> memref<10000x128xf32, #tpu.memory_space<vmem_shared>>
        tpu.wait_indirect_dma semaphore(%run_scoped3A_59 : memref<!tpu.dma_semaphore, #tpu.memory_space<semaphore_mem>>) src(%arg11 : memref<128x128xf32, #tpu.memory_space<vmem>>) dst(%dma_wait3A_71 : memref<10000x128xf32, #tpu.memory_space<vmem_shared>>)
        tpu.yield
      }) : () -> ()
    } else {
    }
    %barrier3A_33 = arith.constant 0 : index
    tpu.barrier barrier_id(%barrier3A_33)
    %mul3A_34 = arith.constant 624 : i32
    %mul3A_35 = arith.muli %arg1, %mul3A_34 : i32
    %mul3A_36 = arith.constant 624 : i32
    %mul3A_37 = arith.muli %arg1, %mul3A_36 : i32
    "tpu.region"() ({
      %run_scoped3A = tpu.sem_alloc : memref<!tpu.dma_semaphore, #tpu.memory_space<semaphore_mem>>
      %dma_start3A_43 = arith.constant 0 : i32
      %dma_start3A_44 = tpu.memref_slice %arg8[%arg0, %mul3A_37, %dma_start3A_43] : memref<2x10000x128xf32, #tpu.memory_space<hbm>> -> memref<1x624x128xf32, #tpu.memory_space<hbm>>
      %dma_start3A_45 = tpu.memref_squeeze %dma_start3A_44 : memref<1x624x128xf32, #tpu.memory_space<hbm>> -> memref<624x128xf32, #tpu.memory_space<hbm>>
      %dma_start3A_46 = arith.constant 0 : i32
      %dma_start3A_47 = tpu.memref_slice %arg14[%mul3A_35, %dma_start3A_46] : memref<10000x128xf32, #tpu.memory_space<vmem_shared>> -> memref<624x128xf32, #tpu.memory_space<vmem_shared>>
      tpu.enqueue_dma source(%dma_start3A_47 : memref<624x128xf32, #tpu.memory_space<vmem_shared>>) target(%dma_start3A_45 : memref<624x128xf32, #tpu.memory_space<hbm>>) target_semaphore(%run_scoped3A : memref<!tpu.dma_semaphore, #tpu.memory_space<semaphore_mem>>)
      %dma_wait3A_48 = arith.constant 0 : i32
      %dma_wait3A_49 = tpu.memref_slice %arg8[%arg0, %mul3A_37, %dma_wait3A_48] : memref<2x10000x128xf32, #tpu.memory_space<hbm>> -> memref<1x624x128xf32, #tpu.memory_space<hbm>>
      %dma_wait3A_50 = tpu.memref_squeeze %dma_wait3A_49 : memref<1x624x128xf32, #tpu.memory_space<hbm>> -> memref<624x128xf32, #tpu.memory_space<hbm>>
      %dma_wait3A_51 = arith.constant 0 : i32
      %dma_wait3A_52 = tpu.memref_slice %arg14[%mul3A_35, %dma_wait3A_51] : memref<10000x128xf32, #tpu.memory_space<vmem_shared>> -> memref<624x128xf32, #tpu.memory_space<vmem_shared>>
      tpu.wait_dma2 semaphore(%run_scoped3A : memref<!tpu.dma_semaphore, #tpu.memory_space<semaphore_mem>>) src(%dma_wait3A_52 : memref<624x128xf32, #tpu.memory_space<vmem_shared>>) dst(%dma_wait3A_50 : memref<624x128xf32, #tpu.memory_space<hbm>>)
      tpu.yield
    }) : () -> ()
    %eq3A_38 = arith.constant 15 : i32
    %eq3A_39 = arith.cmpi eq, %arg1, %eq3A_38 : i32
    %convert_element_type3A_40 = arith.extui %eq3A_39 : i1 to i32
    %cond3A_41 = arith.constant 0 : i32
    %cond3A_42 = arith.cmpi ne, %convert_element_type3A_40, %cond3A_41 : i32
    scf.if %cond3A_42 {
      "tpu.region"() ({
        %run_scoped3A = tpu.sem_alloc : memref<!tpu.dma_semaphore, #tpu.memory_space<semaphore_mem>>
        %dma_start3A_43 = arith.constant 9984 : i32
        %dma_start3A_44 = arith.constant 0 : i32
        %dma_start3A_45 = tpu.memref_slice %arg8[%arg0, %dma_start3A_43, %dma_start3A_44] : memref<2x10000x128xf32, #tpu.memory_space<hbm>> -> memref<1x16x128xf32, #tpu.memory_space<hbm>>
        %dma_start3A_46 = tpu.memref_squeeze %dma_start3A_45 : memref<1x16x128xf32, #tpu.memory_space<hbm>> -> memref<16x128xf32, #tpu.memory_space<hbm>>
        %dma_start3A_47 = arith.constant 9984 : i32
        %dma_start3A_48 = arith.constant 0 : i32
        %dma_start3A_49 = tpu.memref_slice %arg14[%dma_start3A_47, %dma_start3A_48] : memref<10000x128xf32, #tpu.memory_space<vmem_shared>> -> memref<16x128xf32, #tpu.memory_space<vmem_shared>>
        tpu.enqueue_dma source(%dma_start3A_49 : memref<16x128xf32, #tpu.memory_space<vmem_shared>>) target(%dma_start3A_46 : memref<16x128xf32, #tpu.memory_space<hbm>>) target_semaphore(%run_scoped3A : memref<!tpu.dma_semaphore, #tpu.memory_space<semaphore_mem>>)
        %dma_wait3A_50 = arith.constant 9984 : i32
        %dma_wait3A_51 = arith.constant 0 : i32
        %dma_wait3A_52 = tpu.memref_slice %arg8[%arg0, %dma_wait3A_50, %dma_wait3A_51] : memref<2x10000x128xf32, #tpu.memory_space<hbm>> -> memref<1x16x128xf32, #tpu.memory_space<hbm>>
        %dma_wait3A_53 = tpu.memref_squeeze %dma_wait3A_52 : memref<1x16x128xf32, #tpu.memory_space<hbm>> -> memref<16x128xf32, #tpu.memory_space<hbm>>
        %dma_wait3A_54 = arith.constant 9984 : i32
        %dma_wait3A_55 = arith.constant 0 : i32
        %dma_wait3A_56 = tpu.memref_slice %arg14[%dma_wait3A_54, %dma_wait3A_55] : memref<10000x128xf32, #tpu.memory_space<vmem_shared>> -> memref<16x128xf32, #tpu.memory_space<vmem_shared>>
        tpu.wait_dma2 semaphore(%run_scoped3A : memref<!tpu.dma_semaphore, #tpu.memory_space<semaphore_mem>>) src(%dma_wait3A_56 : memref<16x128xf32, #tpu.memory_space<vmem_shared>>) dst(%dma_wait3A_53 : memref<16x128xf32, #tpu.memory_space<hbm>>)
        tpu.yield
      }) : () -> ()
    } else {
    }
    return
  }
}

#map = affine_map<(d0, d1) -> (0, 0)>
#map1 = affine_map<(d0, d1) -> (0, 0, 0)>
module attributes {stable_mosaic.version = 14 : i64} {
  func.func @_sc_agg_body(%arg0: i32, %arg1: i32, %arg2: memref<10000x128xf32, #tpu.memory_space<hbm>>, %arg3: memref<32x78x128xi32, #tpu.memory_space<hbm>>, %arg4: memref<2496x128xi32, #tpu.memory_space<hbm>>, %arg5: memref<4x128xi32, #tpu.memory_space<hbm>>, %arg6: memref<4x128xi32, #tpu.memory_space<hbm>>, %arg7: memref<10000x128xf32, #tpu.memory_space<hbm>>, %arg8: memref<2x10000x128xf32, #tpu.memory_space<hbm>>, %arg9: memref<78x128xi32, #tpu.memory_space<vmem>>, %arg10: memref<4x128xi32, #tpu.memory_space<vmem>>, %arg11: memref<128x128xf32, #tpu.memory_space<vmem>>, %arg12: memref<!tpu.dma_semaphore, #tpu.memory_space<semaphore_mem>>, %arg13: memref<!tpu.dma_semaphore, #tpu.memory_space<semaphore_mem>>, %arg14: memref<10000x128xf32, #tpu.memory_space<vmem_shared>>) attributes {dimension_semantics = [#tpu.dimension_semantics<core_parallel>, #tpu.dimension_semantics<subcore_parallel>], iteration_bounds = array<i64: 2, 16>, scalar_prefetch = 0 : i64, scratch_operands = 6 : i64, tpu.core_type = #tpu.core_type<sc_vector_subcore>, window_params = [{transform_indices = #map}, {transform_indices = #map1}, {transform_indices = #map}, {transform_indices = #map}, {transform_indices = #map}, {transform_indices = #map}, {transform_indices = #map1}]} {
    %mul3A = arith.constant 2 : i32
    %mul3A_0 = arith.muli %arg1, %mul3A : i32
    %add3A = arith.addi %mul3A_0, %arg0 : i32
    %dma_start3A = arith.constant 0 : i32
    %dma_start3A_1 = arith.constant 0 : i32
    %dma_start3A_2 = tpu.memref_slice %arg3[%add3A, %dma_start3A, %dma_start3A_1] : memref<32x78x128xi32, #tpu.memory_space<hbm>> -> memref<1x78x128xi32, #tpu.memory_space<hbm>>
    %dma_start3A_3 = tpu.memref_squeeze %dma_start3A_2 : memref<1x78x128xi32, #tpu.memory_space<hbm>> -> memref<78x128xi32, #tpu.memory_space<hbm>>
    %dma_start3A_4 = arith.constant 0 : i32
    %dma_start3A_5 = arith.constant 0 : i32
    %dma_start3A_6 = tpu.memref_slice %arg3[%add3A, %dma_start3A_4, %dma_start3A_5] : memref<32x78x128xi32, #tpu.memory_space<hbm>> -> memref<1x78x128xi32, #tpu.memory_space<hbm>>
    %dma_start3A_7 = tpu.memref_squeeze %dma_start3A_6 : memref<1x78x128xi32, #tpu.memory_space<hbm>> -> memref<78x128xi32, #tpu.memory_space<hbm>>
    tpu.enqueue_dma source(%dma_start3A_7 : memref<78x128xi32, #tpu.memory_space<hbm>>) target(%arg9 : memref<78x128xi32, #tpu.memory_space<vmem>>) target_semaphore(%arg12 : memref<!tpu.dma_semaphore, #tpu.memory_space<semaphore_mem>>)
    %mul3A_8 = arith.constant 624 : i32
    %mul3A_9 = arith.muli %arg1, %mul3A_8 : i32
    %mul3A_10 = arith.constant 624 : i32
    %mul3A_11 = arith.muli %arg1, %mul3A_10 : i32
    "tpu.region"() ({
      %run_scoped3A = tpu.sem_alloc : memref<!tpu.dma_semaphore, #tpu.memory_space<semaphore_mem>>
      %dma_start3A_43 = arith.constant 0 : i32
      %dma_start3A_44 = tpu.memref_slice %arg14[%mul3A_11, %dma_start3A_43] : memref<10000x128xf32, #tpu.memory_space<vmem_shared>> -> memref<624x128xf32, #tpu.memory_space<vmem_shared>>
      %dma_start3A_45 = arith.constant 0 : i32
      %dma_start3A_46 = tpu.memref_slice %arg7[%mul3A_9, %dma_start3A_45] : memref<10000x128xf32, #tpu.memory_space<hbm>> -> memref<624x128xf32, #tpu.memory_space<hbm>>
      tpu.enqueue_dma source(%dma_start3A_46 : memref<624x128xf32, #tpu.memory_space<hbm>>) target(%dma_start3A_44 : memref<624x128xf32, #tpu.memory_space<vmem_shared>>) target_semaphore(%run_scoped3A : memref<!tpu.dma_semaphore, #tpu.memory_space<semaphore_mem>>)
      %dma_wait3A_47 = arith.constant 0 : i32
      %dma_wait3A_48 = tpu.memref_slice %arg14[%mul3A_11, %dma_wait3A_47] : memref<10000x128xf32, #tpu.memory_space<vmem_shared>> -> memref<624x128xf32, #tpu.memory_space<vmem_shared>>
      %dma_wait3A_49 = arith.constant 0 : i32
      %dma_wait3A_50 = tpu.memref_slice %arg7[%mul3A_9, %dma_wait3A_49] : memref<10000x128xf32, #tpu.memory_space<hbm>> -> memref<624x128xf32, #tpu.memory_space<hbm>>
      tpu.wait_dma2 semaphore(%run_scoped3A : memref<!tpu.dma_semaphore, #tpu.memory_space<semaphore_mem>>) src(%dma_wait3A_50 : memref<624x128xf32, #tpu.memory_space<hbm>>) dst(%dma_wait3A_48 : memref<624x128xf32, #tpu.memory_space<vmem_shared>>)
      tpu.yield
    }) : () -> ()
    %eq3A = arith.constant 15 : i32
    %eq3A_12 = arith.cmpi eq, %arg1, %eq3A : i32
    %convert_element_type3A = arith.extui %eq3A_12 : i1 to i32
    %cond3A = arith.constant 0 : i32
    %cond3A_13 = arith.cmpi ne, %convert_element_type3A, %cond3A : i32
    scf.if %cond3A_13 {
      "tpu.region"() ({
        %run_scoped3A = tpu.sem_alloc : memref<!tpu.dma_semaphore, #tpu.memory_space<semaphore_mem>>
        %dma_start3A_43 = arith.constant 9984 : i32
        %dma_start3A_44 = arith.constant 0 : i32
        %dma_start3A_45 = tpu.memref_slice %arg14[%dma_start3A_43, %dma_start3A_44] : memref<10000x128xf32, #tpu.memory_space<vmem_shared>> -> memref<16x128xf32, #tpu.memory_space<vmem_shared>>
        %dma_start3A_46 = arith.constant 9984 : i32
        %dma_start3A_47 = arith.constant 0 : i32
        %dma_start3A_48 = tpu.memref_slice %arg7[%dma_start3A_46, %dma_start3A_47] : memref<10000x128xf32, #tpu.memory_space<hbm>> -> memref<16x128xf32, #tpu.memory_space<hbm>>
        tpu.enqueue_dma source(%dma_start3A_48 : memref<16x128xf32, #tpu.memory_space<hbm>>) target(%dma_start3A_45 : memref<16x128xf32, #tpu.memory_space<vmem_shared>>) target_semaphore(%run_scoped3A : memref<!tpu.dma_semaphore, #tpu.memory_space<semaphore_mem>>)
        %dma_wait3A_49 = arith.constant 9984 : i32
        %dma_wait3A_50 = arith.constant 0 : i32
        %dma_wait3A_51 = tpu.memref_slice %arg14[%dma_wait3A_49, %dma_wait3A_50] : memref<10000x128xf32, #tpu.memory_space<vmem_shared>> -> memref<16x128xf32, #tpu.memory_space<vmem_shared>>
        %dma_wait3A_52 = arith.constant 9984 : i32
        %dma_wait3A_53 = arith.constant 0 : i32
        %dma_wait3A_54 = tpu.memref_slice %arg7[%dma_wait3A_52, %dma_wait3A_53] : memref<10000x128xf32, #tpu.memory_space<hbm>> -> memref<16x128xf32, #tpu.memory_space<hbm>>
        tpu.wait_dma2 semaphore(%run_scoped3A : memref<!tpu.dma_semaphore, #tpu.memory_space<semaphore_mem>>) src(%dma_wait3A_54 : memref<16x128xf32, #tpu.memory_space<hbm>>) dst(%dma_wait3A_51 : memref<16x128xf32, #tpu.memory_space<vmem_shared>>)
        tpu.yield
      }) : () -> ()
    } else {
    }
    %dma_wait3A = arith.constant 0 : i32
    %dma_wait3A_14 = arith.constant 0 : i32
    %dma_wait3A_15 = arith.constant 0 : i32
    %dma_wait3A_16 = tpu.memref_slice %arg3[%dma_wait3A, %dma_wait3A_14, %dma_wait3A_15] : memref<32x78x128xi32, #tpu.memory_space<hbm>> -> memref<1x78x128xi32, #tpu.memory_space<hbm>>
    %dma_wait3A_17 = tpu.memref_squeeze %dma_wait3A_16 : memref<1x78x128xi32, #tpu.memory_space<hbm>> -> memref<78x128xi32, #tpu.memory_space<hbm>>
    %dma_wait3A_18 = arith.constant 0 : i32
    %dma_wait3A_19 = arith.constant 0 : i32
    %dma_wait3A_20 = tpu.memref_slice %arg3[%dma_wait3A, %dma_wait3A_18, %dma_wait3A_19] : memref<32x78x128xi32, #tpu.memory_space<hbm>> -> memref<1x78x128xi32, #tpu.memory_space<hbm>>
    %dma_wait3A_21 = tpu.memref_squeeze %dma_wait3A_20 : memref<1x78x128xi32, #tpu.memory_space<hbm>> -> memref<78x128xi32, #tpu.memory_space<hbm>>
    tpu.wait_dma2 semaphore(%arg12 : memref<!tpu.dma_semaphore, #tpu.memory_space<semaphore_mem>>) src(%dma_wait3A_21 : memref<78x128xi32, #tpu.memory_space<hbm>>) dst(%arg9 : memref<78x128xi32, #tpu.memory_space<vmem>>)
    %barrier3A = arith.constant 0 : index
    tpu.barrier barrier_id(%barrier3A)
    %mul3A_22 = arith.constant 78 : i32
    %mul3A_23 = arith.muli %add3A, %mul3A_22 : i32
    %scan3A = arith.constant 0 : i32
    %scan3A_24 = arith.constant 0 : i32
    %scan3A_25 = arith.constant 78 : i32
    %scan3A_26 = arith.addi %scan3A_24, %scan3A_25 : i32
    %scan3A_27 = arith.constant 1 : i32
    scf.for %scan3A_43 = %scan3A_24 to %scan3A_26 step %scan3A_27  : i32 {
      %add3A_44 = arith.addi %mul3A_23, %scan3A_43 : i32
      %run_scoped3A = arith.constant 0 : i32
      "tpu.region"() ({
        %run_scoped3A_59 = tpu.sem_alloc : memref<!tpu.dma_semaphore, #tpu.memory_space<semaphore_mem>>
        %dma_start3A_60 = arith.constant 0 : i32
        %dma_start3A_61 = tpu.memref_slice %arg10[%run_scoped3A, %dma_start3A_60] : memref<4x128xi32, #tpu.memory_space<vmem>> -> memref<1x128xi32, #tpu.memory_space<vmem>>
        %dma_start3A_62 = tpu.memref_squeeze %dma_start3A_61 : memref<1x128xi32, #tpu.memory_space<vmem>> -> memref<128xi32, #tpu.memory_space<vmem>>
        %dma_start3A_63 = arith.constant 0 : i32
        %dma_start3A_64 = tpu.memref_slice %arg4[%add3A_44, %dma_start3A_63] : memref<2496x128xi32, #tpu.memory_space<hbm>> -> memref<1x128xi32, #tpu.memory_space<hbm>>
        %dma_start3A_65 = tpu.memref_squeeze %dma_start3A_64 : memref<1x128xi32, #tpu.memory_space<hbm>> -> memref<128xi32, #tpu.memory_space<hbm>>
        %dma_start3A_66 = arith.constant 0 : i32
        %dma_start3A_67 = tpu.memref_slice %arg10[%run_scoped3A, %dma_start3A_66] : memref<4x128xi32, #tpu.memory_space<vmem>> -> memref<1x128xi32, #tpu.memory_space<vmem>>
        %dma_start3A_68 = tpu.memref_squeeze %dma_start3A_67 : memref<1x128xi32, #tpu.memory_space<vmem>> -> memref<128xi32, #tpu.memory_space<vmem>>
        %dma_start3A_69 = arith.constant 0 : i32
        %dma_start3A_70 = tpu.memref_slice %arg4[%add3A_44, %dma_start3A_69] : memref<2496x128xi32, #tpu.memory_space<hbm>> -> memref<1x128xi32, #tpu.memory_space<hbm>>
        %dma_start3A_71 = tpu.memref_squeeze %dma_start3A_70 : memref<1x128xi32, #tpu.memory_space<hbm>> -> memref<128xi32, #tpu.memory_space<hbm>>
        tpu.enqueue_dma source(%dma_start3A_71 : memref<128xi32, #tpu.memory_space<hbm>>) target(%dma_start3A_68 : memref<128xi32, #tpu.memory_space<vmem>>) target_semaphore(%run_scoped3A_59 : memref<!tpu.dma_semaphore, #tpu.memory_space<semaphore_mem>>)
        %dma_wait3A_72 = arith.constant 0 : i32
        %dma_wait3A_73 = tpu.memref_slice %arg10[%run_scoped3A, %dma_wait3A_72] : memref<4x128xi32, #tpu.memory_space<vmem>> -> memref<1x128xi32, #tpu.memory_space<vmem>>
        %dma_wait3A_74 = tpu.memref_squeeze %dma_wait3A_73 : memref<1x128xi32, #tpu.memory_space<vmem>> -> memref<128xi32, #tpu.memory_space<vmem>>
        %dma_wait3A_75 = arith.constant 0 : i32
        %dma_wait3A_76 = tpu.memref_slice %arg4[%add3A_44, %dma_wait3A_75] : memref<2496x128xi32, #tpu.memory_space<hbm>> -> memref<1x128xi32, #tpu.memory_space<hbm>>
        %dma_wait3A_77 = tpu.memref_squeeze %dma_wait3A_76 : memref<1x128xi32, #tpu.memory_space<hbm>> -> memref<128xi32, #tpu.memory_space<hbm>>
        %dma_wait3A_78 = arith.constant 0 : i32
        %dma_wait3A_79 = tpu.memref_slice %arg10[%run_scoped3A, %dma_wait3A_78] : memref<4x128xi32, #tpu.memory_space<vmem>> -> memref<1x128xi32, #tpu.memory_space<vmem>>
        %dma_wait3A_80 = tpu.memref_squeeze %dma_wait3A_79 : memref<1x128xi32, #tpu.memory_space<vmem>> -> memref<128xi32, #tpu.memory_space<vmem>>
        %dma_wait3A_81 = arith.constant 0 : i32
        %dma_wait3A_82 = tpu.memref_slice %arg4[%add3A_44, %dma_wait3A_81] : memref<2496x128xi32, #tpu.memory_space<hbm>> -> memref<1x128xi32, #tpu.memory_space<hbm>>
        %dma_wait3A_83 = tpu.memref_squeeze %dma_wait3A_82 : memref<1x128xi32, #tpu.memory_space<hbm>> -> memref<128xi32, #tpu.memory_space<hbm>>
        tpu.wait_dma2 semaphore(%run_scoped3A_59 : memref<!tpu.dma_semaphore, #tpu.memory_space<semaphore_mem>>) src(%dma_wait3A_83 : memref<128xi32, #tpu.memory_space<hbm>>) dst(%dma_wait3A_80 : memref<128xi32, #tpu.memory_space<vmem>>)
        tpu.yield
      }) : () -> ()
      %dma_start3A_45 = arith.constant 0 : i32
      %dma_start3A_46 = tpu.memref_slice %arg9[%scan3A_43, %dma_start3A_45] : memref<78x128xi32, #tpu.memory_space<vmem>> -> memref<1x128xi32, #tpu.memory_space<vmem>>
      %dma_start3A_47 = tpu.memref_squeeze %dma_start3A_46 : memref<1x128xi32, #tpu.memory_space<vmem>> -> memref<128xi32, #tpu.memory_space<vmem>>
      %dma_start3A_48 = arith.constant 0 : i32
      %dma_start3A_49 = arith.constant 0 : i32
      %dma_start3A_50 = tpu.memref_slice %arg2[%dma_start3A_48, %dma_start3A_49] : memref<10000x128xf32, #tpu.memory_space<hbm>> -> memref<10000x128xf32, #tpu.memory_space<hbm>>
      tpu.enqueue_indirect_dma source(%dma_start3A_50 : memref<10000x128xf32, #tpu.memory_space<hbm>>) target(%arg11 : memref<128x128xf32, #tpu.memory_space<vmem>>) offsets(%dma_start3A_47 : memref<128xi32, #tpu.memory_space<vmem>>) semaphore(%arg13 : memref<!tpu.dma_semaphore, #tpu.memory_space<semaphore_mem>>)
      %dma_wait3A_51 = arith.constant 0 : i32
      %dma_wait3A_52 = arith.constant 0 : i32
      %dma_wait3A_53 = tpu.memref_slice %arg9[%dma_wait3A_51, %dma_wait3A_52] : memref<78x128xi32, #tpu.memory_space<vmem>> -> memref<1x128xi32, #tpu.memory_space<vmem>>
      %dma_wait3A_54 = tpu.memref_squeeze %dma_wait3A_53 : memref<1x128xi32, #tpu.memory_space<vmem>> -> memref<128xi32, #tpu.memory_space<vmem>>
      %dma_wait3A_55 = arith.constant 0 : i32
      %dma_wait3A_56 = arith.constant 0 : i32
      %dma_wait3A_57 = tpu.memref_slice %arg2[%dma_wait3A_55, %dma_wait3A_56] : memref<10000x128xf32, #tpu.memory_space<hbm>> -> memref<10000x128xf32, #tpu.memory_space<hbm>>
      tpu.wait_indirect_dma semaphore(%arg13 : memref<!tpu.dma_semaphore, #tpu.memory_space<semaphore_mem>>) src(%dma_wait3A_57 : memref<10000x128xf32, #tpu.memory_space<hbm>>) dst(%arg11 : memref<128x128xf32, #tpu.memory_space<vmem>>)
      %run_scoped3A_58 = arith.constant 0 : i32
      "tpu.region"() ({
        %run_scoped3A_59 = tpu.sem_alloc : memref<!tpu.dma_semaphore, #tpu.memory_space<semaphore_mem>>
        %dma_start3A_60 = arith.constant 0 : i32
        %dma_start3A_61 = tpu.memref_slice %arg10[%run_scoped3A_58, %dma_start3A_60] : memref<4x128xi32, #tpu.memory_space<vmem>> -> memref<1x128xi32, #tpu.memory_space<vmem>>
        %dma_start3A_62 = tpu.memref_squeeze %dma_start3A_61 : memref<1x128xi32, #tpu.memory_space<vmem>> -> memref<128xi32, #tpu.memory_space<vmem>>
        %dma_start3A_63 = arith.constant 0 : i32
        %dma_start3A_64 = arith.constant 0 : i32
        %dma_start3A_65 = tpu.memref_slice %arg14[%dma_start3A_63, %dma_start3A_64] : memref<10000x128xf32, #tpu.memory_space<vmem_shared>> -> memref<10000x128xf32, #tpu.memory_space<vmem_shared>>
        tpu.enqueue_indirect_dma source(%arg11 : memref<128x128xf32, #tpu.memory_space<vmem>>) target(%dma_start3A_65 : memref<10000x128xf32, #tpu.memory_space<vmem_shared>>) offsets(%dma_start3A_62 : memref<128xi32, #tpu.memory_space<vmem>>) semaphore(%run_scoped3A_59 : memref<!tpu.dma_semaphore, #tpu.memory_space<semaphore_mem>>) {add = true}
        %dma_wait3A_66 = arith.constant 0 : i32
        %dma_wait3A_67 = tpu.memref_slice %arg10[%run_scoped3A_58, %dma_wait3A_66] : memref<4x128xi32, #tpu.memory_space<vmem>> -> memref<1x128xi32, #tpu.memory_space<vmem>>
        %dma_wait3A_68 = tpu.memref_squeeze %dma_wait3A_67 : memref<1x128xi32, #tpu.memory_space<vmem>> -> memref<128xi32, #tpu.memory_space<vmem>>
        %dma_wait3A_69 = arith.constant 0 : i32
        %dma_wait3A_70 = arith.constant 0 : i32
        %dma_wait3A_71 = tpu.memref_slice %arg14[%dma_wait3A_69, %dma_wait3A_70] : memref<10000x128xf32, #tpu.memory_space<vmem_shared>> -> memref<10000x128xf32, #tpu.memory_space<vmem_shared>>
        tpu.wait_indirect_dma semaphore(%run_scoped3A_59 : memref<!tpu.dma_semaphore, #tpu.memory_space<semaphore_mem>>) src(%arg11 : memref<128x128xf32, #tpu.memory_space<vmem>>) dst(%dma_wait3A_71 : memref<10000x128xf32, #tpu.memory_space<vmem_shared>>)
        tpu.yield
      }) : () -> ()
    }
    %scan3A_28 = arith.constant 78 : i32
    %lt3A = arith.constant 4 : i32
    %lt3A_29 = arith.cmpi slt, %add3A, %lt3A : i32
    %convert_element_type3A_30 = arith.extui %lt3A_29 : i1 to i32
    %cond3A_31 = arith.constant 0 : i32
    %cond3A_32 = arith.cmpi ne, %convert_element_type3A_30, %cond3A_31 : i32
    scf.if %cond3A_32 {
      %run_scoped3A = arith.constant 0 : i32
      "tpu.region"() ({
        %run_scoped3A_59 = tpu.sem_alloc : memref<!tpu.dma_semaphore, #tpu.memory_space<semaphore_mem>>
        %dma_start3A_60 = arith.constant 0 : i32
        %dma_start3A_61 = tpu.memref_slice %arg10[%run_scoped3A, %dma_start3A_60] : memref<4x128xi32, #tpu.memory_space<vmem>> -> memref<1x128xi32, #tpu.memory_space<vmem>>
        %dma_start3A_62 = tpu.memref_squeeze %dma_start3A_61 : memref<1x128xi32, #tpu.memory_space<vmem>> -> memref<128xi32, #tpu.memory_space<vmem>>
        %dma_start3A_63 = arith.constant 0 : i32
        %dma_start3A_64 = tpu.memref_slice %arg6[%add3A, %dma_start3A_63] : memref<4x128xi32, #tpu.memory_space<hbm>> -> memref<1x128xi32, #tpu.memory_space<hbm>>
        %dma_start3A_65 = tpu.memref_squeeze %dma_start3A_64 : memref<1x128xi32, #tpu.memory_space<hbm>> -> memref<128xi32, #tpu.memory_space<hbm>>
        %dma_start3A_66 = arith.constant 0 : i32
        %dma_start3A_67 = tpu.memref_slice %arg10[%run_scoped3A, %dma_start3A_66] : memref<4x128xi32, #tpu.memory_space<vmem>> -> memref<1x128xi32, #tpu.memory_space<vmem>>
        %dma_start3A_68 = tpu.memref_squeeze %dma_start3A_67 : memref<1x128xi32, #tpu.memory_space<vmem>> -> memref<128xi32, #tpu.memory_space<vmem>>
        %dma_start3A_69 = arith.constant 0 : i32
        %dma_start3A_70 = tpu.memref_slice %arg6[%add3A, %dma_start3A_69] : memref<4x128xi32, #tpu.memory_space<hbm>> -> memref<1x128xi32, #tpu.memory_space<hbm>>
        %dma_start3A_71 = tpu.memref_squeeze %dma_start3A_70 : memref<1x128xi32, #tpu.memory_space<hbm>> -> memref<128xi32, #tpu.memory_space<hbm>>
        tpu.enqueue_dma source(%dma_start3A_71 : memref<128xi32, #tpu.memory_space<hbm>>) target(%dma_start3A_68 : memref<128xi32, #tpu.memory_space<vmem>>) target_semaphore(%run_scoped3A_59 : memref<!tpu.dma_semaphore, #tpu.memory_space<semaphore_mem>>)
        %dma_wait3A_72 = arith.constant 0 : i32
        %dma_wait3A_73 = tpu.memref_slice %arg10[%run_scoped3A, %dma_wait3A_72] : memref<4x128xi32, #tpu.memory_space<vmem>> -> memref<1x128xi32, #tpu.memory_space<vmem>>
        %dma_wait3A_74 = tpu.memref_squeeze %dma_wait3A_73 : memref<1x128xi32, #tpu.memory_space<vmem>> -> memref<128xi32, #tpu.memory_space<vmem>>
        %dma_wait3A_75 = arith.constant 0 : i32
        %dma_wait3A_76 = tpu.memref_slice %arg6[%add3A, %dma_wait3A_75] : memref<4x128xi32, #tpu.memory_space<hbm>> -> memref<1x128xi32, #tpu.memory_space<hbm>>
        %dma_wait3A_77 = tpu.memref_squeeze %dma_wait3A_76 : memref<1x128xi32, #tpu.memory_space<hbm>> -> memref<128xi32, #tpu.memory_space<hbm>>
        %dma_wait3A_78 = arith.constant 0 : i32
        %dma_wait3A_79 = tpu.memref_slice %arg10[%run_scoped3A, %dma_wait3A_78] : memref<4x128xi32, #tpu.memory_space<vmem>> -> memref<1x128xi32, #tpu.memory_space<vmem>>
        %dma_wait3A_80 = tpu.memref_squeeze %dma_wait3A_79 : memref<1x128xi32, #tpu.memory_space<vmem>> -> memref<128xi32, #tpu.memory_space<vmem>>
        %dma_wait3A_81 = arith.constant 0 : i32
        %dma_wait3A_82 = tpu.memref_slice %arg6[%add3A, %dma_wait3A_81] : memref<4x128xi32, #tpu.memory_space<hbm>> -> memref<1x128xi32, #tpu.memory_space<hbm>>
        %dma_wait3A_83 = tpu.memref_squeeze %dma_wait3A_82 : memref<1x128xi32, #tpu.memory_space<hbm>> -> memref<128xi32, #tpu.memory_space<hbm>>
        tpu.wait_dma2 semaphore(%run_scoped3A_59 : memref<!tpu.dma_semaphore, #tpu.memory_space<semaphore_mem>>) src(%dma_wait3A_83 : memref<128xi32, #tpu.memory_space<hbm>>) dst(%dma_wait3A_80 : memref<128xi32, #tpu.memory_space<vmem>>)
        tpu.yield
      }) : () -> ()
      %run_scoped3A_43 = arith.constant 0 : i32
      "tpu.region"() ({
        %run_scoped3A_59 = tpu.sem_alloc : memref<!tpu.dma_semaphore, #tpu.memory_space<semaphore_mem>>
        %dma_start3A_60 = arith.constant 0 : i32
        %dma_start3A_61 = tpu.memref_slice %arg9[%run_scoped3A_43, %dma_start3A_60] : memref<78x128xi32, #tpu.memory_space<vmem>> -> memref<1x128xi32, #tpu.memory_space<vmem>>
        %dma_start3A_62 = tpu.memref_squeeze %dma_start3A_61 : memref<1x128xi32, #tpu.memory_space<vmem>> -> memref<128xi32, #tpu.memory_space<vmem>>
        %dma_start3A_63 = arith.constant 0 : i32
        %dma_start3A_64 = tpu.memref_slice %arg5[%add3A, %dma_start3A_63] : memref<4x128xi32, #tpu.memory_space<hbm>> -> memref<1x128xi32, #tpu.memory_space<hbm>>
        %dma_start3A_65 = tpu.memref_squeeze %dma_start3A_64 : memref<1x128xi32, #tpu.memory_space<hbm>> -> memref<128xi32, #tpu.memory_space<hbm>>
        %dma_start3A_66 = arith.constant 0 : i32
        %dma_start3A_67 = tpu.memref_slice %arg9[%run_scoped3A_43, %dma_start3A_66] : memref<78x128xi32, #tpu.memory_space<vmem>> -> memref<1x128xi32, #tpu.memory_space<vmem>>
        %dma_start3A_68 = tpu.memref_squeeze %dma_start3A_67 : memref<1x128xi32, #tpu.memory_space<vmem>> -> memref<128xi32, #tpu.memory_space<vmem>>
        %dma_start3A_69 = arith.constant 0 : i32
        %dma_start3A_70 = tpu.memref_slice %arg5[%add3A, %dma_start3A_69] : memref<4x128xi32, #tpu.memory_space<hbm>> -> memref<1x128xi32, #tpu.memory_space<hbm>>
        %dma_start3A_71 = tpu.memref_squeeze %dma_start3A_70 : memref<1x128xi32, #tpu.memory_space<hbm>> -> memref<128xi32, #tpu.memory_space<hbm>>
        tpu.enqueue_dma source(%dma_start3A_71 : memref<128xi32, #tpu.memory_space<hbm>>) target(%dma_start3A_68 : memref<128xi32, #tpu.memory_space<vmem>>) target_semaphore(%run_scoped3A_59 : memref<!tpu.dma_semaphore, #tpu.memory_space<semaphore_mem>>)
        %dma_wait3A_72 = arith.constant 0 : i32
        %dma_wait3A_73 = tpu.memref_slice %arg9[%run_scoped3A_43, %dma_wait3A_72] : memref<78x128xi32, #tpu.memory_space<vmem>> -> memref<1x128xi32, #tpu.memory_space<vmem>>
        %dma_wait3A_74 = tpu.memref_squeeze %dma_wait3A_73 : memref<1x128xi32, #tpu.memory_space<vmem>> -> memref<128xi32, #tpu.memory_space<vmem>>
        %dma_wait3A_75 = arith.constant 0 : i32
        %dma_wait3A_76 = tpu.memref_slice %arg5[%add3A, %dma_wait3A_75] : memref<4x128xi32, #tpu.memory_space<hbm>> -> memref<1x128xi32, #tpu.memory_space<hbm>>
        %dma_wait3A_77 = tpu.memref_squeeze %dma_wait3A_76 : memref<1x128xi32, #tpu.memory_space<hbm>> -> memref<128xi32, #tpu.memory_space<hbm>>
        %dma_wait3A_78 = arith.constant 0 : i32
        %dma_wait3A_79 = tpu.memref_slice %arg9[%run_scoped3A_43, %dma_wait3A_78] : memref<78x128xi32, #tpu.memory_space<vmem>> -> memref<1x128xi32, #tpu.memory_space<vmem>>
        %dma_wait3A_80 = tpu.memref_squeeze %dma_wait3A_79 : memref<1x128xi32, #tpu.memory_space<vmem>> -> memref<128xi32, #tpu.memory_space<vmem>>
        %dma_wait3A_81 = arith.constant 0 : i32
        %dma_wait3A_82 = tpu.memref_slice %arg5[%add3A, %dma_wait3A_81] : memref<4x128xi32, #tpu.memory_space<hbm>> -> memref<1x128xi32, #tpu.memory_space<hbm>>
        %dma_wait3A_83 = tpu.memref_squeeze %dma_wait3A_82 : memref<1x128xi32, #tpu.memory_space<hbm>> -> memref<128xi32, #tpu.memory_space<hbm>>
        tpu.wait_dma2 semaphore(%run_scoped3A_59 : memref<!tpu.dma_semaphore, #tpu.memory_space<semaphore_mem>>) src(%dma_wait3A_83 : memref<128xi32, #tpu.memory_space<hbm>>) dst(%dma_wait3A_80 : memref<128xi32, #tpu.memory_space<vmem>>)
        tpu.yield
      }) : () -> ()
      %dma_start3A_44 = arith.constant 0 : i32
      %dma_start3A_45 = arith.constant 0 : i32
      %dma_start3A_46 = tpu.memref_slice %arg9[%dma_start3A_44, %dma_start3A_45] : memref<78x128xi32, #tpu.memory_space<vmem>> -> memref<1x128xi32, #tpu.memory_space<vmem>>
      %dma_start3A_47 = tpu.memref_squeeze %dma_start3A_46 : memref<1x128xi32, #tpu.memory_space<vmem>> -> memref<128xi32, #tpu.memory_space<vmem>>
      %dma_start3A_48 = arith.constant 0 : i32
      %dma_start3A_49 = arith.constant 0 : i32
      %dma_start3A_50 = tpu.memref_slice %arg2[%dma_start3A_48, %dma_start3A_49] : memref<10000x128xf32, #tpu.memory_space<hbm>> -> memref<10000x128xf32, #tpu.memory_space<hbm>>
      tpu.enqueue_indirect_dma source(%dma_start3A_50 : memref<10000x128xf32, #tpu.memory_space<hbm>>) target(%arg11 : memref<128x128xf32, #tpu.memory_space<vmem>>) offsets(%dma_start3A_47 : memref<128xi32, #tpu.memory_space<vmem>>) semaphore(%arg13 : memref<!tpu.dma_semaphore, #tpu.memory_space<semaphore_mem>>)
      %dma_wait3A_51 = arith.constant 0 : i32
      %dma_wait3A_52 = arith.constant 0 : i32
      %dma_wait3A_53 = tpu.memref_slice %arg9[%dma_wait3A_51, %dma_wait3A_52] : memref<78x128xi32, #tpu.memory_space<vmem>> -> memref<1x128xi32, #tpu.memory_space<vmem>>
      %dma_wait3A_54 = tpu.memref_squeeze %dma_wait3A_53 : memref<1x128xi32, #tpu.memory_space<vmem>> -> memref<128xi32, #tpu.memory_space<vmem>>
      %dma_wait3A_55 = arith.constant 0 : i32
      %dma_wait3A_56 = arith.constant 0 : i32
      %dma_wait3A_57 = tpu.memref_slice %arg2[%dma_wait3A_55, %dma_wait3A_56] : memref<10000x128xf32, #tpu.memory_space<hbm>> -> memref<10000x128xf32, #tpu.memory_space<hbm>>
      tpu.wait_indirect_dma semaphore(%arg13 : memref<!tpu.dma_semaphore, #tpu.memory_space<semaphore_mem>>) src(%dma_wait3A_57 : memref<10000x128xf32, #tpu.memory_space<hbm>>) dst(%arg11 : memref<128x128xf32, #tpu.memory_space<vmem>>)
      %run_scoped3A_58 = arith.constant 0 : i32
      "tpu.region"() ({
        %run_scoped3A_59 = tpu.sem_alloc : memref<!tpu.dma_semaphore, #tpu.memory_space<semaphore_mem>>
        %dma_start3A_60 = arith.constant 0 : i32
        %dma_start3A_61 = tpu.memref_slice %arg10[%run_scoped3A_58, %dma_start3A_60] : memref<4x128xi32, #tpu.memory_space<vmem>> -> memref<1x128xi32, #tpu.memory_space<vmem>>
        %dma_start3A_62 = tpu.memref_squeeze %dma_start3A_61 : memref<1x128xi32, #tpu.memory_space<vmem>> -> memref<128xi32, #tpu.memory_space<vmem>>
        %dma_start3A_63 = arith.constant 0 : i32
        %dma_start3A_64 = arith.constant 0 : i32
        %dma_start3A_65 = tpu.memref_slice %arg14[%dma_start3A_63, %dma_start3A_64] : memref<10000x128xf32, #tpu.memory_space<vmem_shared>> -> memref<10000x128xf32, #tpu.memory_space<vmem_shared>>
        tpu.enqueue_indirect_dma source(%arg11 : memref<128x128xf32, #tpu.memory_space<vmem>>) target(%dma_start3A_65 : memref<10000x128xf32, #tpu.memory_space<vmem_shared>>) offsets(%dma_start3A_62 : memref<128xi32, #tpu.memory_space<vmem>>) semaphore(%run_scoped3A_59 : memref<!tpu.dma_semaphore, #tpu.memory_space<semaphore_mem>>) {add = true}
        %dma_wait3A_66 = arith.constant 0 : i32
        %dma_wait3A_67 = tpu.memref_slice %arg10[%run_scoped3A_58, %dma_wait3A_66] : memref<4x128xi32, #tpu.memory_space<vmem>> -> memref<1x128xi32, #tpu.memory_space<vmem>>
        %dma_wait3A_68 = tpu.memref_squeeze %dma_wait3A_67 : memref<1x128xi32, #tpu.memory_space<vmem>> -> memref<128xi32, #tpu.memory_space<vmem>>
        %dma_wait3A_69 = arith.constant 0 : i32
        %dma_wait3A_70 = arith.constant 0 : i32
        %dma_wait3A_71 = tpu.memref_slice %arg14[%dma_wait3A_69, %dma_wait3A_70] : memref<10000x128xf32, #tpu.memory_space<vmem_shared>> -> memref<10000x128xf32, #tpu.memory_space<vmem_shared>>
        tpu.wait_indirect_dma semaphore(%run_scoped3A_59 : memref<!tpu.dma_semaphore, #tpu.memory_space<semaphore_mem>>) src(%arg11 : memref<128x128xf32, #tpu.memory_space<vmem>>) dst(%dma_wait3A_71 : memref<10000x128xf32, #tpu.memory_space<vmem_shared>>)
        tpu.yield
      }) : () -> ()
    } else {
    }
    %barrier3A_33 = arith.constant 0 : index
    tpu.barrier barrier_id(%barrier3A_33)
    %mul3A_34 = arith.constant 624 : i32
    %mul3A_35 = arith.muli %arg1, %mul3A_34 : i32
    %mul3A_36 = arith.constant 624 : i32
    %mul3A_37 = arith.muli %arg1, %mul3A_36 : i32
    "tpu.region"() ({
      %run_scoped3A = tpu.sem_alloc : memref<!tpu.dma_semaphore, #tpu.memory_space<semaphore_mem>>
      %dma_start3A_43 = arith.constant 0 : i32
      %dma_start3A_44 = tpu.memref_slice %arg8[%arg0, %mul3A_37, %dma_start3A_43] : memref<2x10000x128xf32, #tpu.memory_space<hbm>> -> memref<1x624x128xf32, #tpu.memory_space<hbm>>
      %dma_start3A_45 = tpu.memref_squeeze %dma_start3A_44 : memref<1x624x128xf32, #tpu.memory_space<hbm>> -> memref<624x128xf32, #tpu.memory_space<hbm>>
      %dma_start3A_46 = arith.constant 0 : i32
      %dma_start3A_47 = tpu.memref_slice %arg14[%mul3A_35, %dma_start3A_46] : memref<10000x128xf32, #tpu.memory_space<vmem_shared>> -> memref<624x128xf32, #tpu.memory_space<vmem_shared>>
      tpu.enqueue_dma source(%dma_start3A_47 : memref<624x128xf32, #tpu.memory_space<vmem_shared>>) target(%dma_start3A_45 : memref<624x128xf32, #tpu.memory_space<hbm>>) target_semaphore(%run_scoped3A : memref<!tpu.dma_semaphore, #tpu.memory_space<semaphore_mem>>)
      %dma_wait3A_48 = arith.constant 0 : i32
      %dma_wait3A_49 = tpu.memref_slice %arg8[%arg0, %mul3A_37, %dma_wait3A_48] : memref<2x10000x128xf32, #tpu.memory_space<hbm>> -> memref<1x624x128xf32, #tpu.memory_space<hbm>>
      %dma_wait3A_50 = tpu.memref_squeeze %dma_wait3A_49 : memref<1x624x128xf32, #tpu.memory_space<hbm>> -> memref<624x128xf32, #tpu.memory_space<hbm>>
      %dma_wait3A_51 = arith.constant 0 : i32
      %dma_wait3A_52 = tpu.memref_slice %arg14[%mul3A_35, %dma_wait3A_51] : memref<10000x128xf32, #tpu.memory_space<vmem_shared>> -> memref<624x128xf32, #tpu.memory_space<vmem_shared>>
      tpu.wait_dma2 semaphore(%run_scoped3A : memref<!tpu.dma_semaphore, #tpu.memory_space<semaphore_mem>>) src(%dma_wait3A_52 : memref<624x128xf32, #tpu.memory_space<vmem_shared>>) dst(%dma_wait3A_50 : memref<624x128xf32, #tpu.memory_space<hbm>>)
      tpu.yield
    }) : () -> ()
    %eq3A_38 = arith.constant 15 : i32
    %eq3A_39 = arith.cmpi eq, %arg1, %eq3A_38 : i32
    %convert_element_type3A_40 = arith.extui %eq3A_39 : i1 to i32
    %cond3A_41 = arith.constant 0 : i32
    %cond3A_42 = arith.cmpi ne, %convert_element_type3A_40, %cond3A_41 : i32
    scf.if %cond3A_42 {
      "tpu.region"() ({
        %run_scoped3A = tpu.sem_alloc : memref<!tpu.dma_semaphore, #tpu.memory_space<semaphore_mem>>
        %dma_start3A_43 = arith.constant 9984 : i32
        %dma_start3A_44 = arith.constant 0 : i32
        %dma_start3A_45 = tpu.memref_slice %arg8[%arg0, %dma_start3A_43, %dma_start3A_44] : memref<2x10000x128xf32, #tpu.memory_space<hbm>> -> memref<1x16x128xf32, #tpu.memory_space<hbm>>
        %dma_start3A_46 = tpu.memref_squeeze %dma_start3A_45 : memref<1x16x128xf32, #tpu.memory_space<hbm>> -> memref<16x128xf32, #tpu.memory_space<hbm>>
        %dma_start3A_47 = arith.constant 9984 : i32
        %dma_start3A_48 = arith.constant 0 : i32
        %dma_start3A_49 = tpu.memref_slice %arg14[%dma_start3A_47, %dma_start3A_48] : memref<10000x128xf32, #tpu.memory_space<vmem_shared>> -> memref<16x128xf32, #tpu.memory_space<vmem_shared>>
        tpu.enqueue_dma source(%dma_start3A_49 : memref<16x128xf32, #tpu.memory_space<vmem_shared>>) target(%dma_start3A_46 : memref<16x128xf32, #tpu.memory_space<hbm>>) target_semaphore(%run_scoped3A : memref<!tpu.dma_semaphore, #tpu.memory_space<semaphore_mem>>)
        %dma_wait3A_50 = arith.constant 9984 : i32
        %dma_wait3A_51 = arith.constant 0 : i32
        %dma_wait3A_52 = tpu.memref_slice %arg8[%arg0, %dma_wait3A_50, %dma_wait3A_51] : memref<2x10000x128xf32, #tpu.memory_space<hbm>> -> memref<1x16x128xf32, #tpu.memory_space<hbm>>
        %dma_wait3A_53 = tpu.memref_squeeze %dma_wait3A_52 : memref<1x16x128xf32, #tpu.memory_space<hbm>> -> memref<16x128xf32, #tpu.memory_space<hbm>>
        %dma_wait3A_54 = arith.constant 9984 : i32
        %dma_wait3A_55 = arith.constant 0 : i32
        %dma_wait3A_56 = tpu.memref_slice %arg14[%dma_wait3A_54, %dma_wait3A_55] : memref<10000x128xf32, #tpu.memory_space<vmem_shared>> -> memref<16x128xf32, #tpu.memory_space<vmem_shared>>
        tpu.wait_dma2 semaphore(%run_scoped3A : memref<!tpu.dma_semaphore, #tpu.memory_space<semaphore_mem>>) src(%dma_wait3A_56 : memref<16x128xf32, #tpu.memory_space<vmem_shared>>) dst(%dma_wait3A_53 : memref<16x128xf32, #tpu.memory_space<hbm>>)
        tpu.yield
      }) : () -> ()
    } else {
    }
    return
  }
}

module attributes {stable_mosaic.version = 14 : i64} {
  func.func @_xw_body(%arg0: i32, %arg1: memref<1000x128xf32, #tpu.memory_space<vmem>>, %arg2: memref<128x128xf32, #tpu.memory_space<vmem>>, %arg3: memref<2x1000x16xf32, #tpu.memory_space<vmem>>, %arg4: memref<1000x128xf32, #tpu.memory_space<vmem>>) attributes {dimension_semantics = [#tpu.dimension_semantics<arbitrary>], iteration_bounds = array<i64: 10>, scalar_prefetch = 0 : i64, scratch_operands = 0 : i64, tpu.core_type = #tpu.core_type<tc>, window_params = [{transform_indices = @transform_0, window_bounds = array<i64: 1000, 128>}, {pipeline_mode = #tpu.pipeline_mode<synchronous>, transform_indices = @transform_1, window_bounds = array<i64: 128, 128>}, {transform_indices = @transform_2, window_bounds = array<i64: 2, 1000, 16>}, {transform_indices = @transform_3, window_bounds = array<i64: 1000, 128>}]} {
    %get3A = arith.constant 0 : index
    %get3A_0 = arith.constant 0 : index
    %get3A_1 = vector.load %arg1[%get3A, %get3A_0] : memref<1000x128xf32, #tpu.memory_space<vmem>>, vector<1000x128xf32>
    %get3A_2 = arith.constant 0 : index
    %get3A_3 = arith.constant 0 : index
    %get3A_4 = vector.load %arg2[%get3A_2, %get3A_3] : memref<128x128xf32, #tpu.memory_space<vmem>>, vector<128x128xf32>
    %dot_general3A = arith.constant dense<0.000000e+00> : vector<1000x128xf32>
    %dot_general3A_5 = tpu.matmul %get3A_1, %get3A_4, %dot_general3A {dimension_numbers = #tpu.dot_dimension_numbers<[1], [0], [0], [1], [0, 0, 1, 1], [], []>, transpose_lhs_hint = false} : vector<1000x128xf32>, vector<128x128xf32>, vector<1000x128xf32> -> vector<1000x128xf32>
    %get3A_6 = arith.constant 0 : index
    %get3A_7 = arith.constant 0 : index
    %get3A_8 = arith.constant 0 : index
    %get3A_9 = vector.load %arg3[%get3A_6, %get3A_7, %get3A_8] : memref<2x1000x16xf32, #tpu.memory_space<vmem>>, vector<1x1000x1xf32>
    %get3A_10 = vector.shape_cast %get3A_9 : vector<1x1000x1xf32> to vector<1000x1xf32>
    %get3A_11 = arith.constant 1 : index
    %get3A_12 = arith.constant 0 : index
    %get3A_13 = arith.constant 0 : index
    %get3A_14 = vector.load %arg3[%get3A_11, %get3A_12, %get3A_13] : memref<2x1000x16xf32, #tpu.memory_space<vmem>>, vector<1x1000x1xf32>
    %get3A_15 = vector.shape_cast %get3A_14 : vector<1x1000x1xf32> to vector<1000x1xf32>
    %add3A = arith.addf %get3A_10, %get3A_15 : vector<1000x1xf32>
    %add3A_16 = arith.constant 1.000000e+00 : f32
    %add3A_17 = vector.broadcast %add3A_16 : f32 to vector<1000x1xf32>
    %add3A_18 = arith.addf %add3A, %add3A_17 : vector<1000x1xf32>
    %rsqrt3A = math.rsqrt %add3A_18 : vector<1000x1xf32>
    %mul3A = vector.broadcast %rsqrt3A : vector<1000x1xf32> to vector<1000x128xf32>
    %mul3A_19 = arith.mulf %dot_general3A_5, %mul3A : vector<1000x128xf32>
    %swap3A = arith.constant 0 : index
    %swap3A_20 = arith.constant 0 : index
    %swap3A_21 = vector.load %arg4[%swap3A, %swap3A_20] : memref<1000x128xf32, #tpu.memory_space<vmem>>, vector<1000x128xf32>
    tpu.vector_store %arg4[%swap3A, %swap3A_20], %mul3A_19 {strides = array<i32>} : memref<1000x128xf32, #tpu.memory_space<vmem>>, vector<1000x128xf32>,
    return
  }
  func.func @transform_0(%arg0: i32) -> (i32, i32) {
    %c0_i32 = arith.constant 0 : i32
    %c0_i32_0 = arith.constant 0 : i32
    return %arg0, %c0_i32 : i32, i32
  }
  func.func @transform_1(%arg0: i32) -> (i32, i32) {
    %c0_i32 = arith.constant 0 : i32
    %c0_i32_0 = arith.constant 0 : i32
    %c0_i32_1 = arith.constant 0 : i32
    return %c0_i32, %c0_i32_0 : i32, i32
  }
  func.func @transform_2(%arg0: i32) -> (i32, i32, i32) {
    %c0_i32 = arith.constant 0 : i32
    %c0_i32_0 = arith.constant 0 : i32
    %c0_i32_1 = arith.constant 0 : i32
    return %c0_i32, %arg0, %c0_i32_0 : i32, i32, i32
  }
  func.func @transform_3(%arg0: i32) -> (i32, i32) {
    %c0_i32 = arith.constant 0 : i32
    %c0_i32_0 = arith.constant 0 : i32
    return %arg0, %c0_i32 : i32, i32
  }
}

module attributes {stable_mosaic.version = 14 : i64} {
  func.func @_fuse_body(%arg0: i32, %arg1: memref<2x1000x128xf32, #tpu.memory_space<vmem>>, %arg2: memref<1000x128xf32, #tpu.memory_space<vmem>>, %arg3: memref<2x1000x16xf32, #tpu.memory_space<vmem>>, %arg4: memref<1x128xf32, #tpu.memory_space<vmem>>, %arg5: memref<1x128xf32, #tpu.memory_space<vmem>>, %arg6: memref<1x128xf32, #tpu.memory_space<vmem>>, %arg7: memref<128x128xf32, #tpu.memory_space<vmem>>, %arg8: memref<1000x128xf32, #tpu.memory_space<vmem>>) attributes {dimension_semantics = [#tpu.dimension_semantics<arbitrary>], iteration_bounds = array<i64: 10>, scalar_prefetch = 0 : i64, scratch_operands = 0 : i64, tpu.core_type = #tpu.core_type<tc>, window_params = [{transform_indices = @transform_0, window_bounds = array<i64: 2, 1000, 128>}, {transform_indices = @transform_1, window_bounds = array<i64: 1000, 128>}, {transform_indices = @transform_2, window_bounds = array<i64: 2, 1000, 16>}, {pipeline_mode = #tpu.pipeline_mode<synchronous>, transform_indices = @transform_3, window_bounds = array<i64: 1, 128>}, {pipeline_mode = #tpu.pipeline_mode<synchronous>, transform_indices = @transform_4, window_bounds = array<i64: 1, 128>}, {pipeline_mode = #tpu.pipeline_mode<synchronous>, transform_indices = @transform_5, window_bounds = array<i64: 1, 128>}, {pipeline_mode = #tpu.pipeline_mode<synchronous>, transform_indices = @transform_6, window_bounds = array<i64: 128, 128>}, {transform_indices = @transform_7, window_bounds = array<i64: 1000, 128>}]} {
    %get3A = arith.constant 0 : index
    %get3A_0 = arith.constant 0 : index
    %get3A_1 = arith.constant 0 : index
    %get3A_2 = vector.load %arg3[%get3A, %get3A_0, %get3A_1] : memref<2x1000x16xf32, #tpu.memory_space<vmem>>, vector<1x1000x1xf32>
    %get3A_3 = vector.shape_cast %get3A_2 : vector<1x1000x1xf32> to vector<1000x1xf32>
    %get3A_4 = arith.constant 1 : index
    %get3A_5 = arith.constant 0 : index
    %get3A_6 = arith.constant 0 : index
    %get3A_7 = vector.load %arg3[%get3A_4, %get3A_5, %get3A_6] : memref<2x1000x16xf32, #tpu.memory_space<vmem>>, vector<1x1000x1xf32>
    %get3A_8 = vector.shape_cast %get3A_7 : vector<1x1000x1xf32> to vector<1000x1xf32>
    %add3A = arith.addf %get3A_3, %get3A_8 : vector<1000x1xf32>
    %add3A_9 = arith.constant 1.000000e+00 : f32
    %add3A_10 = vector.broadcast %add3A_9 : f32 to vector<1000x1xf32>
    %add3A_11 = arith.addf %add3A, %add3A_10 : vector<1000x1xf32>
    %rsqrt3A = math.rsqrt %add3A_11 : vector<1000x1xf32>
    %get3A_12 = arith.constant 0 : index
    %get3A_13 = arith.constant 0 : index
    %get3A_14 = arith.constant 0 : index
    %get3A_15 = vector.load %arg1[%get3A_12, %get3A_13, %get3A_14] : memref<2x1000x128xf32, #tpu.memory_space<vmem>>, vector<1x1000x128xf32>
    %get3A_16 = vector.shape_cast %get3A_15 : vector<1x1000x128xf32> to vector<1000x128xf32>
    %get3A_17 = arith.constant 1 : index
    %get3A_18 = arith.constant 0 : index
    %get3A_19 = arith.constant 0 : index
    %get3A_20 = vector.load %arg1[%get3A_17, %get3A_18, %get3A_19] : memref<2x1000x128xf32, #tpu.memory_space<vmem>>, vector<1x1000x128xf32>
    %get3A_21 = vector.shape_cast %get3A_20 : vector<1x1000x128xf32> to vector<1000x128xf32>
    %add3A_22 = arith.addf %get3A_16, %get3A_21 : vector<1000x128xf32>
    %get3A_23 = arith.constant 0 : index
    %get3A_24 = arith.constant 0 : index
    %get3A_25 = vector.load %arg2[%get3A_23, %get3A_24] : memref<1000x128xf32, #tpu.memory_space<vmem>>, vector<1000x128xf32>
    %add3A_26 = arith.addf %add3A_22, %get3A_25 : vector<1000x128xf32>
    %mul3A = vector.broadcast %rsqrt3A : vector<1000x1xf32> to vector<1000x128xf32>
    %mul3A_27 = arith.mulf %add3A_26, %mul3A : vector<1000x128xf32>
    %get3A_28 = arith.constant 0 : index
    %get3A_29 = arith.constant 0 : index
    %get3A_30 = vector.load %arg4[%get3A_28, %get3A_29] : memref<1x128xf32, #tpu.memory_space<vmem>>, vector<1x128xf32>
    %add3A_31 = vector.broadcast %get3A_30 : vector<1x128xf32> to vector<1000x128xf32>
    %add3A_32 = arith.addf %mul3A_27, %add3A_31 : vector<1000x128xf32>
    %max3A = arith.constant 0.000000e+00 : f32
    %max3A_33 = vector.broadcast %max3A : f32 to vector<1000x128xf32>
    %max3A_34 = arith.maximumf %add3A_32, %max3A_33 : vector<1000x128xf32>
    %get3A_35 = arith.constant 0 : index
    %get3A_36 = arith.constant 0 : index
    %get3A_37 = vector.load %arg5[%get3A_35, %get3A_36] : memref<1x128xf32, #tpu.memory_space<vmem>>, vector<1x128xf32>
    %mul3A_38 = arith.constant 0.999994993 : f32
    %mul3A_39 = vector.broadcast %mul3A_38 : f32 to vector<1x128xf32>
    %mul3A_40 = arith.mulf %get3A_37, %mul3A_39 : vector<1x128xf32>
    %mul3A_41 = vector.broadcast %mul3A_40 : vector<1x128xf32> to vector<1000x128xf32>
    %mul3A_42 = arith.mulf %max3A_34, %mul3A_41 : vector<1000x128xf32>
    %get3A_43 = arith.constant 0 : index
    %get3A_44 = arith.constant 0 : index
    %get3A_45 = vector.load %arg6[%get3A_43, %get3A_44] : memref<1x128xf32, #tpu.memory_space<vmem>>, vector<1x128xf32>
    %add3A_46 = vector.broadcast %get3A_45 : vector<1x128xf32> to vector<1000x128xf32>
    %add3A_47 = arith.addf %mul3A_42, %add3A_46 : vector<1000x128xf32>
    %get3A_48 = arith.constant 0 : index
    %get3A_49 = arith.constant 0 : index
    %get3A_50 = vector.load %arg7[%get3A_48, %get3A_49] : memref<128x128xf32, #tpu.memory_space<vmem>>, vector<128x128xf32>
    %dot_general3A = arith.constant dense<0.000000e+00> : vector<1000x128xf32>
    %dot_general3A_51 = tpu.matmul %add3A_47, %get3A_50, %dot_general3A {dimension_numbers = #tpu.dot_dimension_numbers<[1], [0], [0], [1], [0, 0, 1, 1], [], []>, transpose_lhs_hint = false} : vector<1000x128xf32>, vector<128x128xf32>, vector<1000x128xf32> -> vector<1000x128xf32>
    %mul3A_52 = vector.broadcast %rsqrt3A : vector<1000x1xf32> to vector<1000x128xf32>
    %mul3A_53 = arith.mulf %dot_general3A_51, %mul3A_52 : vector<1000x128xf32>
    %swap3A = arith.constant 0 : index
    %swap3A_54 = arith.constant 0 : index
    %swap3A_55 = vector.load %arg8[%swap3A, %swap3A_54] : memref<1000x128xf32, #tpu.memory_space<vmem>>, vector<1000x128xf32>
    tpu.vector_store %arg8[%swap3A, %swap3A_54], %mul3A_53 {strides = array<i32>} : memref<1000x128xf32, #tpu.memory_space<vmem>>, vector<1000x128xf32>,
    return
  }
  func.func @transform_0(%arg0: i32) -> (i32, i32, i32) {
    %c0_i32 = arith.constant 0 : i32
    %c0_i32_0 = arith.constant 0 : i32
    %c0_i32_1 = arith.constant 0 : i32
    return %c0_i32, %arg0, %c0_i32_0 : i32, i32, i32
  }
  func.func @transform_1(%arg0: i32) -> (i32, i32) {
    %c0_i32 = arith.constant 0 : i32
    %c0_i32_0 = arith.constant 0 : i32
    return %arg0, %c0_i32 : i32, i32
  }
  func.func @transform_2(%arg0: i32) -> (i32, i32, i32) {
    %c0_i32 = arith.constant 0 : i32
    %c0_i32_0 = arith.constant 0 : i32
    %c0_i32_1 = arith.constant 0 : i32
    return %c0_i32, %arg0, %c0_i32_0 : i32, i32, i32
  }
  func.func @transform_3(%arg0: i32) -> (i32, i32) {
    %c0_i32 = arith.constant 0 : i32
    %c0_i32_0 = arith.constant 0 : i32
    %c0_i32_1 = arith.constant 0 : i32
    return %c0_i32, %c0_i32_0 : i32, i32
  }
  func.func @transform_4(%arg0: i32) -> (i32, i32) {
    %c0_i32 = arith.constant 0 : i32
    %c0_i32_0 = arith.constant 0 : i32
    %c0_i32_1 = arith.constant 0 : i32
    return %c0_i32, %c0_i32_0 : i32, i32
  }
  func.func @transform_5(%arg0: i32) -> (i32, i32) {
    %c0_i32 = arith.constant 0 : i32
    %c0_i32_0 = arith.constant 0 : i32
    %c0_i32_1 = arith.constant 0 : i32
    return %c0_i32, %c0_i32_0 : i32, i32
  }
  func.func @transform_6(%arg0: i32) -> (i32, i32) {
    %c0_i32 = arith.constant 0 : i32
    %c0_i32_0 = arith.constant 0 : i32
    %c0_i32_1 = arith.constant 0 : i32
    return %c0_i32, %c0_i32_0 : i32, i32
  }
  func.func @transform_7(%arg0: i32) -> (i32, i32) {
    %c0_i32 = arith.constant 0 : i32
    %c0_i32_0 = arith.constant 0 : i32
    return %arg0, %c0_i32 : i32, i32
  }
}

module attributes {stable_mosaic.version = 14 : i64} {
  func.func @_final_body(%arg0: i32, %arg1: memref<2x1000x128xf32, #tpu.memory_space<vmem>>, %arg2: memref<1000x128xf32, #tpu.memory_space<vmem>>, %arg3: memref<2x1000x16xf32, #tpu.memory_space<vmem>>, %arg4: memref<1x128xf32, #tpu.memory_space<vmem>>, %arg5: memref<8x16xf32, #tpu.memory_space<vmem>>, %arg6: memref<303x128xf32, #tpu.memory_space<vmem>>, %arg7: memref<1x128xf32, #tpu.memory_space<vmem>>, %arg8: memref<1x128xf32, #tpu.memory_space<vmem>>, %arg9: memref<1x128xf32, #tpu.memory_space<vmem>>, %arg10: memref<128x64xf32, #tpu.memory_space<vmem>>, %arg11: memref<1x64xf32, #tpu.memory_space<vmem>>, %arg12: memref<64x10xf32, #tpu.memory_space<vmem>>, %arg13: memref<1x10xf32, #tpu.memory_space<vmem>>, %arg14: memref<1x10xf32, #tpu.memory_space<vmem>>, %arg15: memref<1x128xf32, #tpu.memory_space<vmem>>) attributes {dimension_semantics = [#tpu.dimension_semantics<arbitrary>], iteration_bounds = array<i64: 10>, scalar_prefetch = 0 : i64, scratch_operands = 1 : i64, tpu.core_type = #tpu.core_type<tc>, window_params = [{transform_indices = @transform_0, window_bounds = array<i64: 2, 1000, 128>}, {transform_indices = @transform_1, window_bounds = array<i64: 1000, 128>}, {transform_indices = @transform_2, window_bounds = array<i64: 2, 1000, 16>}, {pipeline_mode = #tpu.pipeline_mode<synchronous>, transform_indices = @transform_3, window_bounds = array<i64: 1, 128>}, {pipeline_mode = #tpu.pipeline_mode<synchronous>, transform_indices = @transform_4, window_bounds = array<i64: 8, 16>}, {pipeline_mode = #tpu.pipeline_mode<synchronous>, transform_indices = @transform_5, window_bounds = array<i64: 303, 128>}, {pipeline_mode = #tpu.pipeline_mode<synchronous>, transform_indices = @transform_6, window_bounds = array<i64: 1, 128>}, {pipeline_mode = #tpu.pipeline_mode<synchronous>, transform_indices = @transform_7, window_bounds = array<i64: 1, 128>}, {pipeline_mode = #tpu.pipeline_mode<synchronous>, transform_indices = @transform_8, window_bounds = array<i64: 1, 128>}, {pipeline_mode = #tpu.pipeline_mode<synchronous>, transform_indices = @transform_9, window_bounds = array<i64: 128, 64>}, {pipeline_mode = #tpu.pipeline_mode<synchronous>, transform_indices = @transform_10, window_bounds = array<i64: 1, 64>}, {pipeline_mode = #tpu.pipeline_mode<synchronous>, transform_indices = @transform_11, window_bounds = array<i64: 64, 10>}, {pipeline_mode = #tpu.pipeline_mode<synchronous>, transform_indices = @transform_12, window_bounds = array<i64: 1, 10>}, {pipeline_mode = #tpu.pipeline_mode<synchronous>, transform_indices = @transform_13, window_bounds = array<i64: 1, 10>}]} {
    %get3A = arith.constant 0 : index
    %get3A_0 = arith.constant 0 : index
    %get3A_1 = arith.constant 0 : index
    %get3A_2 = vector.load %arg3[%get3A, %get3A_0, %get3A_1] : memref<2x1000x16xf32, #tpu.memory_space<vmem>>, vector<1x1000x1xf32>
    %get3A_3 = vector.shape_cast %get3A_2 : vector<1x1000x1xf32> to vector<1000x1xf32>
    %get3A_4 = arith.constant 1 : index
    %get3A_5 = arith.constant 0 : index
    %get3A_6 = arith.constant 0 : index
    %get3A_7 = vector.load %arg3[%get3A_4, %get3A_5, %get3A_6] : memref<2x1000x16xf32, #tpu.memory_space<vmem>>, vector<1x1000x1xf32>
    %get3A_8 = vector.shape_cast %get3A_7 : vector<1x1000x1xf32> to vector<1000x1xf32>
    %add3A = arith.addf %get3A_3, %get3A_8 : vector<1000x1xf32>
    %add3A_9 = arith.constant 1.000000e+00 : f32
    %add3A_10 = vector.broadcast %add3A_9 : f32 to vector<1000x1xf32>
    %add3A_11 = arith.addf %add3A, %add3A_10 : vector<1000x1xf32>
    %rsqrt3A = math.rsqrt %add3A_11 : vector<1000x1xf32>
    %get3A_12 = arith.constant 0 : index
    %get3A_13 = arith.constant 0 : index
    %get3A_14 = arith.constant 0 : index
    %get3A_15 = vector.load %arg1[%get3A_12, %get3A_13, %get3A_14] : memref<2x1000x128xf32, #tpu.memory_space<vmem>>, vector<1x1000x128xf32>
    %get3A_16 = vector.shape_cast %get3A_15 : vector<1x1000x128xf32> to vector<1000x128xf32>
    %get3A_17 = arith.constant 1 : index
    %get3A_18 = arith.constant 0 : index
    %get3A_19 = arith.constant 0 : index
    %get3A_20 = vector.load %arg1[%get3A_17, %get3A_18, %get3A_19] : memref<2x1000x128xf32, #tpu.memory_space<vmem>>, vector<1x1000x128xf32>
    %get3A_21 = vector.shape_cast %get3A_20 : vector<1x1000x128xf32> to vector<1000x128xf32>
    %add3A_22 = arith.addf %get3A_16, %get3A_21 : vector<1000x128xf32>
    %get3A_23 = arith.constant 0 : index
    %get3A_24 = arith.constant 0 : index
    %get3A_25 = vector.load %arg2[%get3A_23, %get3A_24] : memref<1000x128xf32, #tpu.memory_space<vmem>>, vector<1000x128xf32>
    %add3A_26 = arith.addf %add3A_22, %get3A_25 : vector<1000x128xf32>
    %mul3A = vector.broadcast %rsqrt3A : vector<1000x1xf32> to vector<1000x128xf32>
    %mul3A_27 = arith.mulf %add3A_26, %mul3A : vector<1000x128xf32>
    %get3A_28 = arith.constant 0 : index
    %get3A_29 = arith.constant 0 : index
    %get3A_30 = vector.load %arg4[%get3A_28, %get3A_29] : memref<1x128xf32, #tpu.memory_space<vmem>>, vector<1x128xf32>
    %add3A_31 = vector.broadcast %get3A_30 : vector<1x128xf32> to vector<1000x128xf32>
    %add3A_32 = arith.addf %mul3A_27, %add3A_31 : vector<1000x128xf32>
    %max3A = arith.constant 0.000000e+00 : f32
    %max3A_33 = vector.broadcast %max3A : f32 to vector<1000x128xf32>
    %max3A_34 = arith.maximumf %add3A_32, %max3A_33 : vector<1000x128xf32>
    %reduce_sum3A = arith.constant dense<0.000000e+00> : vector<128xf32>
    %reduce_sum3A_35 = vector.multi_reduction <add>, %max3A_34, %reduce_sum3A [0] : vector<1000x128xf32> to vector<128xf32>
    %broadcast_in_dim3A = vector.shape_cast %reduce_sum3A_35 : vector<128xf32> to vector<1x128xf32>
    %eq3A = arith.constant 0 : i32
    %eq3A_36 = arith.cmpi eq, %arg0, %eq3A : i32
    %convert_element_type3A = arith.extui %eq3A_36 : i1 to i32
    %cond3A = arith.constant 0 : i32
    %cond3A_37 = arith.cmpi ne, %convert_element_type3A, %cond3A : i32
    scf.if %cond3A_37 {
      %swap3A = arith.constant 0 : index
      %swap3A_47 = arith.constant 0 : index
      %swap3A_48 = vector.load %arg15[%swap3A, %swap3A_47] : memref<1x128xf32, #tpu.memory_space<vmem>>, vector<1x128xf32>
      tpu.vector_store %arg15[%swap3A, %swap3A_47], %broadcast_in_dim3A {strides = array<i32>} : memref<1x128xf32, #tpu.memory_space<vmem>>, vector<1x128xf32>,
    } else {
    }
    %gt3A = arith.constant 0 : i32
    %gt3A_38 = arith.cmpi sgt, %arg0, %gt3A : i32
    %convert_element_type3A_39 = arith.extui %gt3A_38 : i1 to i32
    %cond3A_40 = arith.constant 0 : i32
    %cond3A_41 = arith.cmpi ne, %convert_element_type3A_39, %cond3A_40 : i32
    scf.if %cond3A_41 {
      %get3A_47 = arith.constant 0 : index
      %get3A_48 = arith.constant 0 : index
      %get3A_49 = vector.load %arg15[%get3A_47, %get3A_48] : memref<1x128xf32, #tpu.memory_space<vmem>>, vector<1x128xf32>
      %add3A_50 = arith.addf %get3A_49, %broadcast_in_dim3A : vector<1x128xf32>
      %swap3A = arith.constant 0 : index
      %swap3A_51 = arith.constant 0 : index
      %swap3A_52 = vector.load %arg15[%swap3A, %swap3A_51] : memref<1x128xf32, #tpu.memory_space<vmem>>, vector<1x128xf32>
      tpu.vector_store %arg15[%swap3A, %swap3A_51], %add3A_50 {strides = array<i32>} : memref<1x128xf32, #tpu.memory_space<vmem>>, vector<1x128xf32>,
    } else {
    }
    %eq3A_42 = arith.constant 9 : i32
    %eq3A_43 = arith.cmpi eq, %arg0, %eq3A_42 : i32
    %convert_element_type3A_44 = arith.extui %eq3A_43 : i1 to i32
    %cond3A_45 = arith.constant 0 : i32
    %cond3A_46 = arith.cmpi ne, %convert_element_type3A_44, %cond3A_45 : i32
    scf.if %cond3A_46 {
      %get3A_47 = arith.constant 0 : index
      %get3A_48 = arith.constant 0 : index
      %get3A_49 = vector.load %arg15[%get3A_47, %get3A_48] : memref<1x128xf32, #tpu.memory_space<vmem>>, vector<1x128xf32>
      %mul3A_50 = arith.constant 9.99999974E-5 : f32
      %mul3A_51 = vector.broadcast %mul3A_50 : f32 to vector<1x128xf32>
      %mul3A_52 = arith.mulf %get3A_49, %mul3A_51 : vector<1x128xf32>
      %broadcast_in_dim3A_53 = arith.constant 0.000000e+00 : f32
      %broadcast_in_dim3A_54 = vector.broadcast %broadcast_in_dim3A_53 : f32 to vector<7x128xf32>
      %concatenate3A = tpu.concatenate %mul3A_52, %broadcast_in_dim3A_54 in 0 : vector<1x128xf32>, vector<7x128xf32> -> vector<8x128xf32>
      %get3A_55 = arith.constant 0 : index
      %get3A_56 = arith.constant 0 : index
      %get3A_57 = vector.load %arg6[%get3A_55, %get3A_56] : memref<303x128xf32, #tpu.memory_space<vmem>>, vector<128x128xf32>
      %dot_general3A = arith.constant dense<0.000000e+00> : vector<8x128xf32>
      %dot_general3A_58 = tpu.matmul %concatenate3A, %get3A_57, %dot_general3A {dimension_numbers = #tpu.dot_dimension_numbers<[1], [0], [0], [1], [0, 0, 1, 1], [], []>, transpose_lhs_hint = false} : vector<8x128xf32>, vector<128x128xf32>, vector<8x128xf32> -> vector<8x128xf32>
      %get3A_59 = arith.constant 0 : index
      %get3A_60 = arith.constant 0 : index
      %get3A_61 = vector.load %arg5[%get3A_59, %get3A_60] : memref<8x16xf32, #tpu.memory_space<vmem>>, vector<8x16xf32>
      %get3A_62 = arith.constant 128 : index
      %get3A_63 = arith.constant 0 : index
      %get3A_64 = vector.load %arg6[%get3A_62, %get3A_63] : memref<303x128xf32, #tpu.memory_space<vmem>>, vector<16x128xf32>
      %dot_general3A_65 = arith.constant dense<0.000000e+00> : vector<8x128xf32>
      %dot_general3A_66 = tpu.matmul %get3A_61, %get3A_64, %dot_general3A_65 {dimension_numbers = #tpu.dot_dimension_numbers<[1], [0], [0], [1], [0, 0, 1, 1], [], []>, transpose_lhs_hint = false} : vector<8x16xf32>, vector<16x128xf32>, vector<8x128xf32> -> vector<8x128xf32>
      %add3A_67 = arith.addf %dot_general3A_58, %dot_general3A_66 : vector<8x128xf32>
      %get3A_68 = arith.constant 0 : index
      %get3A_69 = arith.constant 0 : index
      %get3A_70 = vector.load %arg7[%get3A_68, %get3A_69] : memref<1x128xf32, #tpu.memory_space<vmem>>, vector<1x128xf32>
      %add3A_71 = vector.broadcast %get3A_70 : vector<1x128xf32> to vector<8x128xf32>
      %add3A_72 = arith.addf %add3A_67, %add3A_71 : vector<8x128xf32>
      %max3A_73 = arith.constant 0.000000e+00 : f32
      %max3A_74 = vector.broadcast %max3A_73 : f32 to vector<8x128xf32>
      %max3A_75 = arith.maximumf %add3A_72, %max3A_74 : vector<8x128xf32>
      %get3A_76 = arith.constant 0 : index
      %get3A_77 = arith.constant 0 : index
      %get3A_78 = vector.load %arg8[%get3A_76, %get3A_77] : memref<1x128xf32, #tpu.memory_space<vmem>>, vector<1x128xf32>
      %mul3A_79 = arith.constant 0.999994993 : f32
      %mul3A_80 = vector.broadcast %mul3A_79 : f32 to vector<1x128xf32>
      %mul3A_81 = arith.mulf %get3A_78, %mul3A_80 : vector<1x128xf32>
      %mul3A_82 = vector.broadcast %mul3A_81 : vector<1x128xf32> to vector<8x128xf32>
      %mul3A_83 = arith.mulf %max3A_75, %mul3A_82 : vector<8x128xf32>
      %get3A_84 = arith.constant 0 : index
      %get3A_85 = arith.constant 0 : index
      %get3A_86 = vector.load %arg9[%get3A_84, %get3A_85] : memref<1x128xf32, #tpu.memory_space<vmem>>, vector<1x128xf32>
      %add3A_87 = vector.broadcast %get3A_86 : vector<1x128xf32> to vector<8x128xf32>
      %add3A_88 = arith.addf %mul3A_83, %add3A_87 : vector<8x128xf32>
      %get3A_89 = arith.constant 0 : index
      %get3A_90 = arith.constant 0 : index
      %get3A_91 = vector.load %arg10[%get3A_89, %get3A_90] : memref<128x64xf32, #tpu.memory_space<vmem>>, vector<128x64xf32>
      %dot_general3A_92 = arith.constant dense<0.000000e+00> : vector<8x64xf32>
      %dot_general3A_93 = tpu.matmul %add3A_88, %get3A_91, %dot_general3A_92 {dimension_numbers = #tpu.dot_dimension_numbers<[1], [0], [0], [1], [0, 0, 1, 1], [], []>, transpose_lhs_hint = false} : vector<8x128xf32>, vector<128x64xf32>, vector<8x64xf32> -> vector<8x64xf32>
      %get3A_94 = arith.constant 0 : index
      %get3A_95 = arith.constant 0 : index
      %get3A_96 = vector.load %arg11[%get3A_94, %get3A_95] : memref<1x64xf32, #tpu.memory_space<vmem>>, vector<1x64xf32>
      %add3A_97 = vector.broadcast %get3A_96 : vector<1x64xf32> to vector<8x64xf32>
      %add3A_98 = arith.addf %dot_general3A_93, %add3A_97 : vector<8x64xf32>
      %max3A_99 = arith.constant 0.000000e+00 : f32
      %max3A_100 = vector.broadcast %max3A_99 : f32 to vector<8x64xf32>
      %max3A_101 = arith.maximumf %add3A_98, %max3A_100 : vector<8x64xf32>
      %get3A_102 = arith.constant 0 : index
      %get3A_103 = arith.constant 0 : index
      %get3A_104 = vector.load %arg12[%get3A_102, %get3A_103] : memref<64x10xf32, #tpu.memory_space<vmem>>, vector<64x10xf32>
      %dot_general3A_105 = arith.constant dense<0.000000e+00> : vector<8x10xf32>
      %dot_general3A_106 = tpu.matmul %max3A_101, %get3A_104, %dot_general3A_105 {dimension_numbers = #tpu.dot_dimension_numbers<[1], [0], [0], [1], [0, 0, 1, 1], [], []>, transpose_lhs_hint = false} : vector<8x64xf32>, vector<64x10xf32>, vector<8x10xf32> -> vector<8x10xf32>
      %get3A_107 = arith.constant 0 : index
      %get3A_108 = arith.constant 0 : index
      %get3A_109 = vector.load %arg13[%get3A_107, %get3A_108] : memref<1x10xf32, #tpu.memory_space<vmem>>, vector<1x10xf32>
      %add3A_110 = vector.broadcast %get3A_109 : vector<1x10xf32> to vector<8x10xf32>
      %add3A_111 = arith.addf %dot_general3A_106, %add3A_110 : vector<8x10xf32>
      %slice3A = vector.extract_strided_slice %add3A_111 {offsets = [0, 0], sizes = [1, 10], strides = [1, 1]} : vector<8x10xf32> to vector<1x10xf32>
      %swap3A = arith.constant 0 : index
      %swap3A_112 = arith.constant 0 : index
      %swap3A_113 = vector.load %arg14[%swap3A, %swap3A_112] : memref<1x10xf32, #tpu.memory_space<vmem>>, vector<1x10xf32>
      tpu.vector_store %arg14[%swap3A, %swap3A_112], %slice3A {strides = array<i32>} : memref<1x10xf32, #tpu.memory_space<vmem>>, vector<1x10xf32>,
    } else {
    }
    return
  }
  func.func @transform_0(%arg0: i32) -> (i32, i32, i32) {
    %c0_i32 = arith.constant 0 : i32
    %c0_i32_0 = arith.constant 0 : i32
    %c0_i32_1 = arith.constant 0 : i32
    return %c0_i32, %arg0, %c0_i32_0 : i32, i32, i32
  }
  func.func @transform_1(%arg0: i32) -> (i32, i32) {
    %c0_i32 = arith.constant 0 : i32
    %c0_i32_0 = arith.constant 0 : i32
    return %arg0, %c0_i32 : i32, i32
  }
  func.func @transform_2(%arg0: i32) -> (i32, i32, i32) {
    %c0_i32 = arith.constant 0 : i32
    %c0_i32_0 = arith.constant 0 : i32
    %c0_i32_1 = arith.constant 0 : i32
    return %c0_i32, %arg0, %c0_i32_0 : i32, i32, i32
  }
  func.func @transform_3(%arg0: i32) -> (i32, i32) {
    %c0_i32 = arith.constant 0 : i32
    %c0_i32_0 = arith.constant 0 : i32
    %c0_i32_1 = arith.constant 0 : i32
    return %c0_i32, %c0_i32_0 : i32, i32
  }
  func.func @transform_4(%arg0: i32) -> (i32, i32) {
    %c0_i32 = arith.constant 0 : i32
    %c0_i32_0 = arith.constant 0 : i32
    %c0_i32_1 = arith.constant 0 : i32
    return %c0_i32, %c0_i32_0 : i32, i32
  }
  func.func @transform_5(%arg0: i32) -> (i32, i32) {
    %c0_i32 = arith.constant 0 : i32
    %c0_i32_0 = arith.constant 0 : i32
    %c0_i32_1 = arith.constant 0 : i32
    return %c0_i32, %c0_i32_0 : i32, i32
  }
  func.func @transform_6(%arg0: i32) -> (i32, i32) {
    %c0_i32 = arith.constant 0 : i32
    %c0_i32_0 = arith.constant 0 : i32
    %c0_i32_1 = arith.constant 0 : i32
    return %c0_i32, %c0_i32_0 : i32, i32
  }
  func.func @transform_7(%arg0: i32) -> (i32, i32) {
    %c0_i32 = arith.constant 0 : i32
    %c0_i32_0 = arith.constant 0 : i32
    %c0_i32_1 = arith.constant 0 : i32
    return %c0_i32, %c0_i32_0 : i32, i32
  }
  func.func @transform_8(%arg0: i32) -> (i32, i32) {
    %c0_i32 = arith.constant 0 : i32
    %c0_i32_0 = arith.constant 0 : i32
    %c0_i32_1 = arith.constant 0 : i32
    return %c0_i32, %c0_i32_0 : i32, i32
  }
  func.func @transform_9(%arg0: i32) -> (i32, i32) {
    %c0_i32 = arith.constant 0 : i32
    %c0_i32_0 = arith.constant 0 : i32
    %c0_i32_1 = arith.constant 0 : i32
    return %c0_i32, %c0_i32_0 : i32, i32
  }
  func.func @transform_10(%arg0: i32) -> (i32, i32) {
    %c0_i32 = arith.constant 0 : i32
    %c0_i32_0 = arith.constant 0 : i32
    %c0_i32_1 = arith.constant 0 : i32
    return %c0_i32, %c0_i32_0 : i32, i32
  }
  func.func @transform_11(%arg0: i32) -> (i32, i32) {
    %c0_i32 = arith.constant 0 : i32
    %c0_i32_0 = arith.constant 0 : i32
    %c0_i32_1 = arith.constant 0 : i32
    return %c0_i32, %c0_i32_0 : i32, i32
  }
  func.func @transform_12(%arg0: i32) -> (i32, i32) {
    %c0_i32 = arith.constant 0 : i32
    %c0_i32_0 = arith.constant 0 : i32
    %c0_i32_1 = arith.constant 0 : i32
    return %c0_i32, %c0_i32_0 : i32, i32
  }
  func.func @transform_13(%arg0: i32) -> (i32, i32) {
    %c0_i32 = arith.constant 0 : i32
    %c0_i32_0 = arith.constant 0 : i32
    %c0_i32_1 = arith.constant 0 : i32
    return %c0_i32, %c0_i32_0 : i32, i32
  }
}

</mosaic_0001>

<sc_bundles>
// kernel: kernel.10.cloned.1.call-start
scs
__scs_entry_jumppad:
0x0: {  	(pc) =	sbr.rel $0x88, $3  }
0x1: {  	(tag) =	ssettag $0x0;
	lr =	simm.s32 $0x1  }
0x2: {  	[smem:$0x3F8C] =	sst lr;
	_ =	strace $0xD0000000  }
0x3: {  	_ = 	snop  }
0x4: {  	_ = 	snop  }
0x5: {  	_ = 	snop  }
0x6: {  	_ = 	snop  }
0x7: {  	_ = 	snop  }
__scs_overlays_trampoline_lowered:
0x8: {  	[smem:$0x3F9B] =	sst s0  }
0x9: {  	[smem:$0x3F9C] =	sst s1  }
0xa: {  	[smem:$0x3F9D] =	sst s2  }
0xb: {  	[smem:$0x3F9E] =	sst s3  }
0xc: {  	[smem:$0x3F9F] =	sst s4  }
0xd: {  	[smem:$0x3FA0] =	sst s5  }
0xe: {  	[smem:$0x3FA1] =	sst s6  }
0xf: {  	[smem:$0x3FA2] =	sst s7  }
0x10: {  	[smem:$0x3FA3] =	sst s8  }
0x11: {  	[smem:$0x3FA4] =	sst s9;
	s0 =	simm.s32 @!p0 $0x0  }
0x12: {  	s1 =	sld [smem:$0x3F8A];
	s0 =	simm.s32 @p0 $0x1  }
0x13: {  	[smem:$0x3FA5] =	sst s0;
	s0 =	simm.s32 @!p1 $0x0  }
0x14: {  	s2 =	sld [smem:$0x3F89];
	s0 =	simm.s32 @p1 $0x1  }
0x15: {  	[smem:$0x3FA6] =	sst s0;
	s0 =	simm.s32 @!p2 $0x0  }
0x16: {  	s3 =	sld [smem:$0x3FDB];
	s0 =	simm.s32 @p2 $0x1  }
0x17: {  	s4 =	simm.s32 $0x1BF5;
	[smem:$0x3FA8] =	sst s0  }
0x18: {  	s0 =	sld [smem:$0x3F8B];
	_ =	swait.ge [sflag:s4], $0x0  }
0x19: {  	s7 =	sld [smem:$0x3F8C]  }
0x1a: {  	s8 =	sadd.s32 $0xFFFFE003, lr  }
0x1b: {  	s9 =	sadd.s32 $0xFFFFFEF7, lr;
	s5 =	simm.s32 $0xFFFFFFFF;
	p2 =	slt.u32 s8, $0xFFFFF086  }
0x1c: {  	p1 =	slt.u32 s9, $0xF7A;
	s5 =	simm.s32 @!p2 $0x0  }
0x1d: {  	s5 =	simm.s32 @p1 $0x1;
	p0 =	seq.s32 s7, s2  }
0x1e: {  	s7 =	smul.u32 @!p0 $0xF7A, s2;
	p2 =	seq.s32 @!p0 s5, $0x0  }
0x1f: {  	s9 =	smul.u32 $0xF7A, s1;
	s8 =	simm.s32 @!p0 $0x1BF5;
	p2 =	por !p2, p0  }
0x20: {  	[sflag:s8] =	ssyncset.s32 @!p0 $0xFFFFF086;
	s6 =	sadd.s32 @!p0 s3, s7;
	s7 =	simm.s32 @!p0 $0x108  }
0x21: {  	s3 =	sadd.s32 s3, s9;
	s6 =	sadd.s32 @!p0 $0x88, s6;
	s7 =	simm.s32 @p2 $0x1082  }
0x22: {  	[simem:s7], [sflag:s8] =	dma.local @!p0 [hbm:s6], $0xF7A  }
0x23: {  	s9 =	sor.u32 $0xD0000000, s2;
	s6 =	simm.s32 $0x108;
	_ =	swait.ge @!p0 [sflag:s8], $0x0  }
0x24: {  	s3 =	sadd.s32 $0x88, s3;
	s6 =	simm.s32 @!p1 $0x1082;
	[sflag:s4] =	ssyncset.s32 $0xFFFFF086  }
0x25: {  	[simem:s6], [sflag:s4] =	dma.local [hbm:s3], $0xF7A  }
0x26: {  	[smem:$0x3F8C] =	sst s1;
	(tag) =	ssettag s2;
	_ =	strace s9  }
0x27: {  	s1 =	sld [smem:$0x3F9C]  }
0x28: {  	s2 =	sld [smem:$0x3F9D]  }
0x29: {  	s4 =	sld [smem:$0x3F9F]  }
0x2a: {  	p0 =	seq.s32 s5, $0x0;
	s5 =	sld [smem:$0x3FA0]  }
0x2b: {  	s6 =	sld [smem:$0x3FA1]  }
0x2c: {  	s7 =	sld [smem:$0x3FA2]  }
0x2d: {  	s3 =	simm.s32 $0x108;
	s8 =	sld [smem:$0x3FA3]  }
0x2e: {  	s3 =	simm.s32 @!p0 $0x1082;
	s9 =	sld [smem:$0x3FA4]  }
0x2f: {  	lr =	sadd.s32 s0, s3;
	s0 =	sld [smem:$0x3F9B]  }
0x30: {  	s3 =	sld [smem:$0x3F9E]  }
0x31: {  	[smem:$0x3FA7] =	sst s10  }
0x32: {  	s10 =	sld [smem:$0x3FA5];
	_ =	sdelay $0x3  }
0x33: {  	p0 =	seq.s32 s10, $0x1;
	s10 =	sld [smem:$0x3FA7];
	_ =	sdelay $0x3  }
0x34: {  	[smem:$0x3FA7] =	sst s10  }
0x35: {  	s10 =	sld [smem:$0x3FA6];
	_ =	sdelay $0x3  }
0x36: {  	p1 =	seq.s32 s10, $0x1;
	s10 =	sld [smem:$0x3FA7];
	_ =	sdelay $0x3  }
0x37: {  	[smem:$0x3FA7] =	sst s10  }
0x38: {  	s10 =	sld [smem:$0x3FA8]  }
0x39: {  	_ = 	snop;
	(pc) =	sbr.ind lr, $3  }
0x3a: {  	_ = 	snop  }
0x3b: {  	_ = 	snop  }
0x3c: {  	p2 =	seq.s32 s10, $0x1;
	s10 =	sld [smem:$0x3FA7]  }
0x3d: {  	_ =	shalt  }
0x3e: {  	_ =	shalt  }
0x3f: {  	_ =	shalt  }
0x40: {  	_ =	shalt  }
0x41: {  	_ =	shalt  }
0x42: {  	_ =	shalt  }
0x43: {  	_ =	shalt  }
0x44: {  	_ =	shalt  }
0x45: {  	_ =	shalt  }
0x46: {  	_ =	shalt  }
0x47: {  	_ =	shalt  }
0x48: {  	_ =	shalt  }
0x49: {  	_ =	shalt  }
0x4a: {  	_ =	shalt  }
0x4b: {  	_ =	shalt  }
0x4c: {  	_ =	shalt  }
0x4d: {  	_ =	shalt  }
0x4e: {  	_ =	shalt  }
0x4f: {  	_ =	shalt  }
0x50: {  	_ =	shalt  }
0x51: {  	_ =	shalt  }
0x52: {  	_ =	shalt  }
0x53: {  	_ =	shalt  }
0x54: {  	_ =	shalt  }
0x55: {  	_ =	shalt  }
0x56: {  	_ =	shalt  }
0x57: {  	_ =	shalt  }
0x58: {  	_ =	shalt  }
0x59: {  	_ =	shalt  }
0x5a: {  	_ =	shalt  }
0x5b: {  	_ =	shalt  }
0x5c: {  	_ =	shalt  }
0x5d: {  	_ =	shalt  }
0x5e: {  	_ =	shalt  }
0x5f: {  	_ =	shalt  }
0x60: {  	_ =	shalt  }
0x61: {  	_ =	shalt  }
0x62: {  	_ =	shalt  }
0x63: {  	_ =	shalt  }
0x64: {  	_ =	shalt  }
0x65: {  	_ =	shalt  }
0x66: {  	_ =	shalt  }
0x67: {  	_ =	shalt  }
0x68: {  	_ =	shalt  }
0x69: {  	_ =	shalt  }
0x6a: {  	_ =	shalt  }
0x6b: {  	_ =	shalt  }
0x6c: {  	_ =	shalt  }
0x6d: {  	_ =	shalt  }
0x6e: {  	_ =	shalt  }
0x6f: {  	_ =	shalt  }
0x70: {  	_ =	shalt  }
0x71: {  	_ =	shalt  }
0x72: {  	_ =	shalt  }
0x73: {  	_ =	shalt  }
0x74: {  	_ =	shalt  }
0x75: {  	_ =	shalt  }
0x76: {  	_ =	shalt  }
0x77: {  	_ =	shalt  }
0x78: {  	_ =	shalt  }
0x79: {  	_ =	shalt  }
0x7a: {  	_ =	shalt  }
0x7b: {  	_ =	shalt  }
0x7c: {  	_ =	shalt  }
0x7d: {  	_ =	shalt  }
0x7e: {  	_ =	shalt  }
0x7f: {  	_ =	shalt  }
0x80: {  	_ =	shalt  }
0x81: {  	_ =	shalt  }
0x82: {  	_ =	shalt  }
0x83: {  	_ =	shalt  }
0x84: {  	_ =	shalt  }
0x85: {  	_ =	shalt  }
0x86: {  	_ =	shalt  }
0x87: {  	_ =	shalt  }
.Lfunc_end0:
.L_simem_size_0:
called_computation_lowered:
.L_overlay_start_0:
0x88: {  	s2 =	sld [smem:$0x3FD9]  }
0x89: {  	s3 =	sld [smem:$0x3FFE];
	_ =	sdelay $0x1  }
0x8a: {  	s1 =	srdreg.scid  }
0x8b: {  	s0 =	sand.u32 $0x1, s1  }
0x8c: {  	s16 =	sshll.u32 s0, $0xA;
	s2 =	sadd.s32 s3, s2  }
0x8d: {  	s2 =	sadd.s32 s2, s16  }
0x8e: {  	[smem:$0x3FB3] =	sst s2  }
0x8f: {  	_ = 	snop  }
0x90: {  	(tm) =	ssettm $0x1  }
0x91: {  	s17 =	sld [smem:$0x3FFB];
	_ =	sdelay $0x3  }
0x92: {  	_ =	strace s17  }
0x93: {  	s2 =	sld [smem:$0x3FFC];
	_ =	sdelay $0x3  }
0x94: {  	_ =	strace s2  }
0x95: {  	s2 =	sld [smem:$0x3FFD];
	_ =	sdelay $0x3  }
0x96: {  	_ =	strace s2  }
0x97: {  	_ =	strace $0x8FFFFFFF  }
0x98: {  	s18 =	sld [smem:$0x3FDB];
	_ =	sdelay $0x1  }
0x99: {  	s19 =	simm.s32 $_scs_section_size  }
0x9a: {  	s4 =	simm.s32 $_size__tile_overlayer_lowered;
	s5 =	simm.s32 $_tile_overlayer_lowered  }
0x9b: {  	s22 =	simm.s32 $0x1BFF;
	s21 =	sshll.u32 s5, $0x1;
	s2 =	sadd.s32 s19, s18  }
0x9c: {  	s6 =	simm.s32 $0x0;
	s20 =	sshll.u32 s4, $0x1;
	s4 =	sadd.s32 s21, s2  }
0x9d: {  	[timem:s6], [sflag:s22] =	dma.local [hbm:s4], s20  }
0x9e: {  	_ =	swait.ge [sflag:s22], s20  }
0x9f: {  	s3 =	ssub.s32 $0x0, s20;
	[sflag:s22] =	ssyncset.done $0x0  }
0xa0: {  	[sflag:s22] =	ssyncadd.s32 s3;
	_ =	sdelay $0x1  }
0xa1: {  	s23 =	simm.s32 $0x1B8B  }
0xa2: {  	_ =	swait.ge [sflag:s23], $0x1  }
0xa3: {  	[sflag:s23] =	ssyncset.done $0x0  }
0xa4: {  	s25 =	simm.s32 $0x1B8E;
	s24 =	sld [smem:$0x3FFE];
	[sflag:s23] =	ssyncadd.s32 $0xFFFFFFFF  }
0xa5: {  	s26 =	simm.s32 $execute0_lowered;
	[smem:$0x3FD2] =	sst s25  }
0xa6: {  	s4 =	sshll.u32 s26, $0x1;
	_ =	strace $0x80000046;
	[dreg:$0x1] =	wrdreg $0xFFFFFFFF  }
0xa7: {  	s28 =	simm.s32 $_size_execute0_lowered;
	s2 =	sadd.s32 s2, s4;
	[dreg:$0x0] =	wrdreg $0x0  }
0xa8: {  	s4 =	sshll.u32 s28, $0x1;
	[dreg:$0x2] =	wrdreg s2  }
0xa9: {  	[dreg:$0x3] =	wrdreg s4  }
0xaa: {  	[dreg:$0x4] =	wrdreg $0xC0  }
0xab: {  	_ =	task [dreg:s6], $0x5FFFF  }
0xac: {  	[dreg:$0x1] =	wrdreg $0xFFFFFFFF  }
0xad: {  	[dreg:$0x0] =	wrdreg $0x60  }
0xae: {  	[dreg:$0x2] =	wrdreg s24  }
0xaf: {  	[dreg:$0x3] =	wrdreg $0x40800  }
0xb0: {  	[dreg:$0x4] =	wrdreg $0x9  }
0xb1: {  	_ =	task.clear_ibuf [dreg:s6], $0x5FFFF;
	_ =	strace $0x90000046  }
0xb2: {  	s29 =	simm.s32 $0x9;
	_ =	strace $0x80000048  }
0xb3: {  	_ =	swait.ge [sflag:s29], $0x1  }
0xb4: {  	[sflag:s29] =	ssyncadd.s32 $0xFFFFFFFF  }
0xb5: {  	_ =	strace $0x90000048  }
0xb6: {  	_ =	sfence  }
0xb7: {  	s30 =	sld [smem:$0x0];
	_ =	sdelay $0x2  }
0xb8: {  	s31 =	sshll.u32 s1, $0xD;
	s1 =	sshrl.u32 s1, $0x2  }
0xb9: {  	s3 =	sand.u32 $0x4000, s31;
	s1 =	sadd.s32 s1, s30  }
0xba: {  	s0 =	sor.u32 s3, s0;
	s1 =	sshll.u32 s1, $0x11  }
0xbb: {  	s0 =	sor.u32 s1, s0  }
0xbc: {  	s0 =	sadd.s32 $0x8F2B, s0  }
0xbd: {  	[sflag:s0] =	ssyncadd.remote.s32 $0x1  }
0xbe: {  	_ =	sfence.sel $0xFFFF  }
0xbf: {  	[dreg:$0x0] =	wrdreg $0xFFFFFFFF;
	(pc) =	sbr.abs _section_cstart, $3  }
0xc0: {  	[dreg:$0x1] =	wrdreg $0xFFFFFFFF  }
0xc1: {  	_ =	task.clear_ibuf [dreg:s6], $0x2FFFF;
	_ =	strace $0x9FFFFFFF  }
0xc2: {  	(tm) =	ssettm $0x7FFFFFFF  }
0xc3: {  	_ =	shalt  }
tec
execute0_lowered:
.L_overlay_start_1:
0x0: {  	(tag) =	ssettag $0x1  }
0x1: {  	s6 =	rddreg [dreg:$0x0]  }
0x2: {  	s2 =	rddreg [dreg:$0x1]  }
0x3: {  	s0 =	rddreg [dreg:$0x2]  }
0x4: {  	s3 =	simm.s32 $0x0;
	s1 =	stileid.u32;
	s4 =	srdreg.scid  }
0x5: {  	[smem:$0x7FF] =	sst s3;
	s8 =	smul.u32 $0x13800, s1  }
0x6: {  	s9 =	sadd.s32 $0x4800, s6;
	s10 =	sand.u32 $0x1, s4;
	s7 =	smul.u32 $0x4E000, s1  }
0x7: {  	s4 =	sadd.s32 $0x35800, s6;
	s13 =	sadd.s32 $0x36000, s6;
	s25 =	sshll.u32 s1, $0x5  }
0x8: {  	s16 =	sadd.s32 $0x138000, s2;
	s28 =	smul.u32 $0x9C0, s1;
	p0 =	sne.s32 s1, $0xF  }
0x9: {  	s31 =	sshll.u32 s1, $0x6;
	p1 =	sgt.u32 s1, $0x1;
	_ =	strace $0x80000047  }
0xa: {  	s5 =	ssub.s32 $0x2, s10;
	s14 =	sshll.u32 s10, $0x4;
	s26 =	smul.u32 $0x138800, s10  }
0xb: {  	s17 =	smul.u32 $0x4E0, s10;
	s16 =	sshrl.u32 @!p0 s16, $0x3;
	s23 =	sshrl.u32 s8, $0x3  }
0xc: {  	s12 =	sshrl.u32 s5, $0x1;
	s24 =	sshrl.u32 s7, $0x2;
	s7 =	sor.u32 s14, s25  }
0xd: {  	s30 =	sadd.s32 s28, s9;
	s14 =	sor.u32 $0x1C01, s31;
	s11 =	sadd.s32 s23, s6  }
0xe: {  	s12 =	ssub.s32 s5, s12;
	s15 =	sadd.s32 s24, s2;
	s6 =	sadd.s32 $0x35600, s6  }
0xf: {  	s7 =	sadd.s32 s7, s9;
	s8 =	sadd.s32 s8, s26;
	s5 =	sadd.s32 $0xE600, s11  }
0x10: {  	s7 =	sadd.s32 $0x9C00, s7;
	s8 =	sshrl.u32 s8, $0x3;
	s11 =	sshrl.u32 s26, $0x3  }
0x11: {  	s10 =	smax.u32 s12, $0x1;
	s12 =	simm.s32 $0x80;
	s15 =	sshrl.u32 s15, $0x3  }
0x12: {  	s8 =	sadd.s32 s13, s8;
	s29 =	sadd.s32 s13, s11;
	s11 =	sadd.s32 s17, s30  }
0x13: {  	s13 =	simm.s32 $0x1;
	s17 =	simm.s32 $0x0;
	s9 =	sadd.s32 $0x27000, s29  }
.LBB2_1:
0x14: {  	[tilespmem:s12], [sflag:$0x1] =	stream.linear.gather [hbm4b:s4+s3], $0x4000, $0x38;
	[tilespmem:$0x6790] =	vst v63  }
0x15: {  	_ =	swait.ge [sflag:s13], $0x4000  }
0x16: {  	[sflag:s13] =	ssyncset.done $0x0  }
0x17: {  	[sflag:s13] =	ssyncadd.s32 $0xFFFFC000  }
0x18: {  	[spmem:s15], [sflag:s14] =	dma.local [hbm:s5], $0x2700  }
0x19: {  	_ =	swait.ge [sflag:s13], $0x2700  }
0x1a: {  	[sflag:s13] =	ssyncset.done $0x0  }
0x1b: {  	s18 =	simm.s32 @!p0 $0x1;
	[sflag:s13] =	ssyncadd.s32 $0xFFFFD900  }
0x1c: {  	[spmem:s16], [sflag:s14] =	dma.local @!p0 [hbm:s6], $0x100  }
0x1d: {  	_ =	swait.ge @!p0 [sflag:s18], $0x100  }
0x1e: {  	[sflag:s18] =	ssyncset.done @!p0 $0x0  }
0x1f: {  	[sflag:s18] =	ssyncadd.s32 @!p0 $0xFFFFFF00  }
0x20: {  	s31 =	sadd.s32 $0x0, s11;
	[bflag:$0x0] =	sbarrier.arrive $0xFFFF  }
0x21: {  	[tilespmem:s3], [sflag:$0x1] =	stream.linear.gather [hbm4b:s31+s3], $0x80, $0x38;
	[tilespmem:$0x6790] =	vst v63  }
0x22: {  	_ =	swait.ge [sflag:s13], $0x80  }
0x23: {  	[sflag:s13] =	ssyncset.done $0x0  }
0x24: {  	[sflag:s13] =	ssyncadd.s32 $0xFFFFFF80  }
0x25: {  	[spmem:s2] =	stream.indirect.scatter.add.f32 [tilespmem:s12], [sflag:$0x1], $0x10, s3, s12, $0xb8;
	[tilespmem:$0x6790] =	vst v63  }
0x26: {  	_ =	swait.ge [sflag:s13], $0x800  }
0x27: {  	s19 =	simm.s32 $0x20;
	s18 =	simm.s32 $0x10;
	[sflag:s13] =	ssyncset.done $0x0  }
.LBB2_2:
0x28: {  	s20 =	sadd.s32 s18, s11  }
0x29: {  	[sflag:s13] =	ssyncadd.s32 $0xFFFFF800;
	s18 =	smov.u32 s19;
	s21 =	sadd.s32 $0x10, s19  }
0x2a: {  	[tilespmem:s3], [sflag:$0x1] =	stream.linear.gather [hbm4b:s20+s3], $0x80, $0x38;
	[tilespmem:$0x6790] =	vst v63  }
0x2b: {  	p2 =	sne.s32 s19, $0x4D0;
	_ =	swait.ge [sflag:s13], $0x80  }
.Ltmp0:
0x2c: {  	[sflag:s13] =	ssyncset.done $0x0;
	(pc) =	sbr.rel @p2 .LBB2_2-.Ltmp0, $4  }
0x2d: {  	[sflag:s13] =	ssyncadd.s32 $0xFFFFFF80  }
0x2e: {  	[spmem:s2] =	stream.indirect.scatter.add.f32 [tilespmem:s12], [sflag:$0x1], $0x10, s3, s12, $0xb8;
	[tilespmem:$0x6790] =	vst v63  }
0x2f: {  	_ =	swait.ge [sflag:s13], $0x800  }
0x30: {  	s19 =	smov.u32 s21;
	[sflag:s13] =	ssyncset.done $0x0  }
0x31: {  	s18 =	sadd.s32 s18, s11;
	[sflag:s13] =	ssyncadd.s32 $0xFFFFF800  }
0x32: {  	[tilespmem:s3], [sflag:$0x1] =	stream.linear.gather [hbm4b:s18+s3], $0x80, $0x38;
	[tilespmem:$0x6790] =	vst v63  }
0x33: {  	_ =	swait.ge [sflag:s13], $0x80  }
0x34: {  	[sflag:s13] =	ssyncset.done $0x0  }
0x35: {  	[sflag:s13] =	ssyncadd.s32 $0xFFFFFF80  }
0x36: {  	[spmem:s2] =	stream.indirect.scatter.add.f32 [tilespmem:s12], [sflag:$0x1], $0x10, s3, s12, $0xb8;
	[tilespmem:$0x6790] =	vst v63  }
0x37: {  	_ =	swait.ge [sflag:s13], $0x800  }
0x38: {  	[sflag:s13] =	ssyncset.done $0x0  }
0x39: {  	s19 =	simm.s32 @!p1 $0x1;
	s18 =	simm.s32 @!p1 $0x0;
	[sflag:s13] =	ssyncadd.s32 $0xFFFFF800  }
0x3a: {  	[tilespmem:s18], [sflag:$0x1] =	stream.linear.gather @!p1 [hbm4b:s7+s18], $0x80, $0x38;
	[tilespmem:$0x6790] =	vst v63  }
0x3b: {  	_ =	swait.ge @!p1 [sflag:s19], $0x80  }
0x3c: {  	[sflag:s19] =	ssyncset.done @!p1 $0x0  }
0x3d: {  	s20 =	simm.s32 @!p1 $0x80;
	[sflag:s19] =	ssyncadd.s32 @!p1 $0xFFFFFF80  }
0x3e: {  	[spmem:s2] =	stream.indirect.scatter.add.f32 @!p1 [tilespmem:s20], [sflag:$0x1], $0x10, s18, s20, $0xb8;
	[tilespmem:$0x6790] =	vst v63  }
0x3f: {  	_ =	swait.ge @!p1 [sflag:s19], $0x800  }
0x40: {  	[sflag:s19] =	ssyncset.done @!p1 $0x0  }
0x41: {  	[sflag:s19] =	ssyncadd.s32 @!p1 $0xFFFFF800  }
0x42: {  	[bflag:$0x0] =	sbarrier.arrive $0xFFFF  }
0x43: {  	[hbm:s8], [sflag:s14] =	dma.local [spmem:s15], $0x2700  }
0x44: {  	s17 =	sadd.s32 $0x1, s17;
	_ =	swait.ge [sflag:s13], $0x2700  }
0x45: {  	p2 =	sne.s32 s17, s10;
	[sflag:s13] =	ssyncset.done $0x0  }
.Ltmp1:
0x46: {  	s18 =	simm.s32 @!p0 $0x1;
	[sflag:s13] =	ssyncadd.s32 $0xFFFFD900;
	(pc) =	sbr.rel @p2 .LBB2_1-.Ltmp1, $4  }
0x47: {  	[hbm:s9], [sflag:s14] =	dma.local @!p0 [spmem:s16], $0x100  }
0x48: {  	_ =	swait.ge @!p0 [sflag:s18], $0x100  }
0x49: {  	[sflag:s18] =	ssyncset.done @!p0 $0x0  }
0x4a: {  	[sflag:s18] =	ssyncadd.s32 @!p0 $0xFFFFFF00  }
0x4b: {  	_ =	sfence.sel $0x180000  }
0x4c: {  	[bflag:$0x0] =	sbarrier.arrive $0xFFFF  }
0x4d: {  	p0 =	sne.s32 s1, $0x0;
	_ =	strace $0x90000047  }
0x4e: {  	s0 =	sadd.s32 @!p0 $0x100000, s0;
	[bflag:$0x2] =	sbarrier.arrive $0xFFFF  }
0x4f: {  	[sflag:s0] =	ssyncadd.tile.s32 @!p0 $0x1;
	_ =	shalt  }
.Lfunc_end2:
_tile_overlayer_lowered:
.L_overlay_start_2:
0x50: {  	(tag) =	ssettag $0x2  }
0x51: {  	s0 =	rddreg [dreg:$0x0];
	s2 =	stileid.u32  }
0x52: {  	s1 =	rddreg [dreg:$0x1];
	p0 =	sne.s32 s2, $0x0  }
0x53: {  	s3 =	rddreg [dreg:$0x2];
	[bflag:$0x3] =	sbarrier.arrive $0xFFFF;
	s2 =	simm.s32 @!p0 $0x1C01  }
0x54: {  	[timem:s3], [sflag:s2] =	dma.local @!p0 [hbm:s0], s1  }
0x55: {  	s0 =	simm.s32 @!p0 $0x1  }
0x56: {  	_ =	swait.ge @!p0 [sflag:s0], s1  }
0x57: {  	s1 =	ssub.s32 @!p0 $0x0, s1;
	[sflag:s0] =	ssyncset.done @!p0 $0x0  }
0x58: {  	[sflag:s0] =	ssyncadd.s32 @!p0 s1  }
0x59: {  	[bflag:$0x3] =	sbarrier.arrive $0xFFFF  }
0x5a: {  	_ =	shalt  }

// kernel: kernel.13.cloned.1.call-start
scs
__scs_entry_jumppad:
0x0: {  	(pc) =	sbr.rel $0x88, $3  }
0x1: {  	(tag) =	ssettag $0x0;
	lr =	simm.s32 $0x1  }
0x2: {  	[smem:$0x3F8C] =	sst lr;
	_ =	strace $0xD0000000  }
0x3: {  	_ = 	snop  }
0x4: {  	_ = 	snop  }
0x5: {  	_ = 	snop  }
0x6: {  	_ = 	snop  }
0x7: {  	_ = 	snop  }
__scs_overlays_trampoline_lowered:
0x8: {  	[smem:$0x3F9B] =	sst s0  }
0x9: {  	[smem:$0x3F9C] =	sst s1  }
0xa: {  	[smem:$0x3F9D] =	sst s2  }
0xb: {  	[smem:$0x3F9E] =	sst s3  }
0xc: {  	[smem:$0x3F9F] =	sst s4  }
0xd: {  	[smem:$0x3FA0] =	sst s5  }
0xe: {  	[smem:$0x3FA1] =	sst s6  }
0xf: {  	[smem:$0x3FA2] =	sst s7  }
0x10: {  	[smem:$0x3FA3] =	sst s8  }
0x11: {  	[smem:$0x3FA4] =	sst s9;
	s0 =	simm.s32 @!p0 $0x0  }
0x12: {  	s1 =	sld [smem:$0x3F8A];
	s0 =	simm.s32 @p0 $0x1  }
0x13: {  	[smem:$0x3FA5] =	sst s0;
	s0 =	simm.s32 @!p1 $0x0  }
0x14: {  	s2 =	sld [smem:$0x3F89];
	s0 =	simm.s32 @p1 $0x1  }
0x15: {  	[smem:$0x3FA6] =	sst s0;
	s0 =	simm.s32 @!p2 $0x0  }
0x16: {  	s3 =	sld [smem:$0x3FDB];
	s0 =	simm.s32 @p2 $0x1  }
0x17: {  	s4 =	simm.s32 $0x1BF5;
	[smem:$0x3FA8] =	sst s0  }
0x18: {  	s0 =	sld [smem:$0x3F8B];
	_ =	swait.ge [sflag:s4], $0x0  }
0x19: {  	s7 =	sld [smem:$0x3F8C]  }
0x1a: {  	s8 =	sadd.s32 $0xFFFFE003, lr  }
0x1b: {  	s9 =	sadd.s32 $0xFFFFFEF7, lr;
	s5 =	simm.s32 $0xFFFFFFFF;
	p2 =	slt.u32 s8, $0xFFFFF086  }
0x1c: {  	p1 =	slt.u32 s9, $0xF7A;
	s5 =	simm.s32 @!p2 $0x0  }
0x1d: {  	s5 =	simm.s32 @p1 $0x1;
	p0 =	seq.s32 s7, s2  }
0x1e: {  	s7 =	smul.u32 @!p0 $0xF7A, s2;
	p2 =	seq.s32 @!p0 s5, $0x0  }
0x1f: {  	s9 =	smul.u32 $0xF7A, s1;
	s8 =	simm.s32 @!p0 $0x1BF5;
	p2 =	por !p2, p0  }
0x20: {  	[sflag:s8] =	ssyncset.s32 @!p0 $0xFFFFF086;
	s6 =	sadd.s32 @!p0 s3, s7;
	s7 =	simm.s32 @!p0 $0x108  }
0x21: {  	s3 =	sadd.s32 s3, s9;
	s6 =	sadd.s32 @!p0 $0x88, s6;
	s7 =	simm.s32 @p2 $0x1082  }
0x22: {  	[simem:s7], [sflag:s8] =	dma.local @!p0 [hbm:s6], $0xF7A  }
0x23: {  	s9 =	sor.u32 $0xD0000000, s2;
	s6 =	simm.s32 $0x108;
	_ =	swait.ge @!p0 [sflag:s8], $0x0  }
0x24: {  	s3 =	sadd.s32 $0x88, s3;
	s6 =	simm.s32 @!p1 $0x1082;
	[sflag:s4] =	ssyncset.s32 $0xFFFFF086  }
0x25: {  	[simem:s6], [sflag:s4] =	dma.local [hbm:s3], $0xF7A  }
0x26: {  	[smem:$0x3F8C] =	sst s1;
	(tag) =	ssettag s2;
	_ =	strace s9  }
0x27: {  	s1 =	sld [smem:$0x3F9C]  }
0x28: {  	s2 =	sld [smem:$0x3F9D]  }
0x29: {  	s4 =	sld [smem:$0x3F9F]  }
0x2a: {  	p0 =	seq.s32 s5, $0x0;
	s5 =	sld [smem:$0x3FA0]  }
0x2b: {  	s6 =	sld [smem:$0x3FA1]  }
0x2c: {  	s7 =	sld [smem:$0x3FA2]  }
0x2d: {  	s3 =	simm.s32 $0x108;
	s8 =	sld [smem:$0x3FA3]  }
0x2e: {  	s3 =	simm.s32 @!p0 $0x1082;
	s9 =	sld [smem:$0x3FA4]  }
0x2f: {  	lr =	sadd.s32 s0, s3;
	s0 =	sld [smem:$0x3F9B]  }
0x30: {  	s3 =	sld [smem:$0x3F9E]  }
0x31: {  	[smem:$0x3FA7] =	sst s10  }
0x32: {  	s10 =	sld [smem:$0x3FA5];
	_ =	sdelay $0x3  }
0x33: {  	p0 =	seq.s32 s10, $0x1;
	s10 =	sld [smem:$0x3FA7];
	_ =	sdelay $0x3  }
0x34: {  	[smem:$0x3FA7] =	sst s10  }
0x35: {  	s10 =	sld [smem:$0x3FA6];
	_ =	sdelay $0x3  }
0x36: {  	p1 =	seq.s32 s10, $0x1;
	s10 =	sld [smem:$0x3FA7];
	_ =	sdelay $0x3  }
0x37: {  	[smem:$0x3FA7] =	sst s10  }
0x38: {  	s10 =	sld [smem:$0x3FA8]  }
0x39: {  	_ = 	snop;
	(pc) =	sbr.ind lr, $3  }
0x3a: {  	_ = 	snop  }
0x3b: {  	_ = 	snop  }
0x3c: {  	p2 =	seq.s32 s10, $0x1;
	s10 =	sld [smem:$0x3FA7]  }
0x3d: {  	_ =	shalt  }
0x3e: {  	_ =	shalt  }
0x3f: {  	_ =	shalt  }
0x40: {  	_ =	shalt  }
0x41: {  	_ =	shalt  }
0x42: {  	_ =	shalt  }
0x43: {  	_ =	shalt  }
0x44: {  	_ =	shalt  }
0x45: {  	_ =	shalt  }
0x46: {  	_ =	shalt  }
0x47: {  	_ =	shalt  }
0x48: {  	_ =	shalt  }
0x49: {  	_ =	shalt  }
0x4a: {  	_ =	shalt  }
0x4b: {  	_ =	shalt  }
0x4c: {  	_ =	shalt  }
0x4d: {  	_ =	shalt  }
0x4e: {  	_ =	shalt  }
0x4f: {  	_ =	shalt  }
0x50: {  	_ =	shalt  }
0x51: {  	_ =	shalt  }
0x52: {  	_ =	shalt  }
0x53: {  	_ =	shalt  }
0x54: {  	_ =	shalt  }
0x55: {  	_ =	shalt  }
0x56: {  	_ =	shalt  }
0x57: {  	_ =	shalt  }
0x58: {  	_ =	shalt  }
0x59: {  	_ =	shalt  }
0x5a: {  	_ =	shalt  }
0x5b: {  	_ =	shalt  }
0x5c: {  	_ =	shalt  }
0x5d: {  	_ =	shalt  }
0x5e: {  	_ =	shalt  }
0x5f: {  	_ =	shalt  }
0x60: {  	_ =	shalt  }
0x61: {  	_ =	shalt  }
0x62: {  	_ =	shalt  }
0x63: {  	_ =	shalt  }
0x64: {  	_ =	shalt  }
0x65: {  	_ =	shalt  }
0x66: {  	_ =	shalt  }
0x67: {  	_ =	shalt  }
0x68: {  	_ =	shalt  }
0x69: {  	_ =	shalt  }
0x6a: {  	_ =	shalt  }
0x6b: {  	_ =	shalt  }
0x6c: {  	_ =	shalt  }
0x6d: {  	_ =	shalt  }
0x6e: {  	_ =	shalt  }
0x6f: {  	_ =	shalt  }
0x70: {  	_ =	shalt  }
0x71: {  	_ =	shalt  }
0x72: {  	_ =	shalt  }
0x73: {  	_ =	shalt  }
0x74: {  	_ =	shalt  }
0x75: {  	_ =	shalt  }
0x76: {  	_ =	shalt  }
0x77: {  	_ =	shalt  }
0x78: {  	_ =	shalt  }
0x79: {  	_ =	shalt  }
0x7a: {  	_ =	shalt  }
0x7b: {  	_ =	shalt  }
0x7c: {  	_ =	shalt  }
0x7d: {  	_ =	shalt  }
0x7e: {  	_ =	shalt  }
0x7f: {  	_ =	shalt  }
0x80: {  	_ =	shalt  }
0x81: {  	_ =	shalt  }
0x82: {  	_ =	shalt  }
0x83: {  	_ =	shalt  }
0x84: {  	_ =	shalt  }
0x85: {  	_ =	shalt  }
0x86: {  	_ =	shalt  }
0x87: {  	_ =	shalt  }
.Lfunc_end0:
.L_simem_size_0:
called_computation.1_lowered:
.L_overlay_start_0:
0x88: {  	s2 =	sld [smem:$0x3FD9]  }
0x89: {  	s3 =	sld [smem:$0x3FFE];
	_ =	sdelay $0x1  }
0x8a: {  	s1 =	srdreg.scid  }
0x8b: {  	s0 =	sand.u32 $0x1, s1  }
0x8c: {  	s16 =	sshll.u32 s0, $0xA;
	s2 =	sadd.s32 s3, s2  }
0x8d: {  	s2 =	sadd.s32 s2, s16  }
0x8e: {  	[smem:$0x3FB3] =	sst s2  }
0x8f: {  	_ = 	snop  }
0x90: {  	(tm) =	ssettm $0x1  }
0x91: {  	s17 =	sld [smem:$0x3FFB];
	_ =	sdelay $0x3  }
0x92: {  	_ =	strace s17  }
0x93: {  	s2 =	sld [smem:$0x3FFC];
	_ =	sdelay $0x3  }
0x94: {  	_ =	strace s2  }
0x95: {  	s2 =	sld [smem:$0x3FFD];
	_ =	sdelay $0x3  }
0x96: {  	_ =	strace s2  }
0x97: {  	_ =	strace $0x8FFFFFFF  }
0x98: {  	s18 =	sld [smem:$0x3FDB];
	_ =	sdelay $0x1  }
0x99: {  	s19 =	simm.s32 $_scs_section_size  }
0x9a: {  	s4 =	simm.s32 $_size__tile_overlayer_lowered;
	s5 =	simm.s32 $_tile_overlayer_lowered  }
0x9b: {  	s22 =	simm.s32 $0x1BFF;
	s21 =	sshll.u32 s5, $0x1;
	s2 =	sadd.s32 s19, s18  }
0x9c: {  	s6 =	simm.s32 $0x0;
	s20 =	sshll.u32 s4, $0x1;
	s4 =	sadd.s32 s21, s2  }
0x9d: {  	[timem:s6], [sflag:s22] =	dma.local [hbm:s4], s20  }
0x9e: {  	_ =	swait.ge [sflag:s22], s20  }
0x9f: {  	s3 =	ssub.s32 $0x0, s20;
	[sflag:s22] =	ssyncset.done $0x0  }
0xa0: {  	[sflag:s22] =	ssyncadd.s32 s3;
	_ =	sdelay $0x1  }
0xa1: {  	s23 =	simm.s32 $0x1B8B  }
0xa2: {  	_ =	swait.ge [sflag:s23], $0x1  }
0xa3: {  	[sflag:s23] =	ssyncset.done $0x0  }
0xa4: {  	s25 =	simm.s32 $0x1B8E;
	s24 =	sld [smem:$0x3FFE];
	[sflag:s23] =	ssyncadd.s32 $0xFFFFFFFF  }
0xa5: {  	s26 =	simm.s32 $execute0_lowered;
	[smem:$0x3FD2] =	sst s25  }
0xa6: {  	s4 =	sshll.u32 s26, $0x1;
	_ =	strace $0x80000049;
	[dreg:$0x1] =	wrdreg $0xFFFFFFFF  }
0xa7: {  	s28 =	simm.s32 $_size_execute0_lowered;
	s2 =	sadd.s32 s2, s4;
	[dreg:$0x0] =	wrdreg $0x0  }
0xa8: {  	s4 =	sshll.u32 s28, $0x1;
	[dreg:$0x2] =	wrdreg s2  }
0xa9: {  	[dreg:$0x3] =	wrdreg s4  }
0xaa: {  	[dreg:$0x4] =	wrdreg $0xC0  }
0xab: {  	_ =	task [dreg:s6], $0x5FFFF  }
0xac: {  	[dreg:$0x1] =	wrdreg $0xFFFFFFFF  }
0xad: {  	[dreg:$0x0] =	wrdreg $0x60  }
0xae: {  	[dreg:$0x2] =	wrdreg s24  }
0xaf: {  	[dreg:$0x3] =	wrdreg $0x6A000  }
0xb0: {  	[dreg:$0x4] =	wrdreg $0x9  }
0xb1: {  	_ =	task.clear_ibuf [dreg:s6], $0x5FFFF;
	_ =	strace $0x90000049  }
0xb2: {  	s29 =	simm.s32 $0x9;
	_ =	strace $0x8000004B  }
0xb3: {  	_ =	swait.ge [sflag:s29], $0x1  }
0xb4: {  	[sflag:s29] =	ssyncadd.s32 $0xFFFFFFFF  }
0xb5: {  	_ =	strace $0x9000004B  }
0xb6: {  	_ =	sfence  }
0xb7: {  	s30 =	sld [smem:$0x0];
	_ =	sdelay $0x2  }
0xb8: {  	s31 =	sshll.u32 s1, $0xD;
	s1 =	sshrl.u32 s1, $0x2  }
0xb9: {  	s3 =	sand.u32 $0x4000, s31;
	s1 =	sadd.s32 s1, s30  }
0xba: {  	s0 =	sor.u32 s3, s0;
	s1 =	sshll.u32 s1, $0x11  }
0xbb: {  	s0 =	sor.u32 s1, s0  }
0xbc: {  	s0 =	sadd.s32 $0x8F2B, s0  }
0xbd: {  	[sflag:s0] =	ssyncadd.remote.s32 $0x1  }
0xbe: {  	_ =	sfence.sel $0xFFFF  }
0xbf: {  	[dreg:$0x0] =	wrdreg $0xFFFFFFFF;
	(pc) =	sbr.abs _section_cstart, $3  }
0xc0: {  	[dreg:$0x1] =	wrdreg $0xFFFFFFFF  }
0xc1: {  	_ =	task.clear_ibuf [dreg:s6], $0x2FFFF;
	_ =	strace $0x9FFFFFFF  }
0xc2: {  	(tm) =	ssettm $0x7FFFFFFF  }
0xc3: {  	_ =	shalt  }
tec
execute0_lowered:
.L_overlay_start_1:
0x0: {  	(tag) =	ssettag $0x1  }
0x1: {  	s8 =	rddreg [dreg:$0x0];
	s1 =	srdreg.scid  }
0x2: {  	s0 =	stileid.u32;
	s2 =	rddreg [dreg:$0x1]  }
0x3: {  	s3 =	simm.s32 $0x0;
	s20 =	simm.s32 $0x80;
	s21 =	simm.s32 $0x2A00  }
0x4: {  	s22 =	simm.s32 $0x2;
	s10 =	sand.u32 $0x1, s1;
	s7 =	smul.u32 $0x9C0, s0  }
0x5: {  	s4 =	sshll.u32 s0, $0x1;
	s1 =	rddreg [dreg:$0x2];
	s11 =	smul.u32 $0x13800, s0  }
0x6: {  	[smem:$0x7FF] =	sst s3;
	s9 =	smul.u32 $0x4E000, s0;
	s15 =	sadd.s32 $0xBF400, s8  }
0x7: {  	s28 =	sshll.u32 s0, $0x6;
	s19 =	sadd.s32 $0x138000, s2;
	p0 =	sne.s32 s0, $0xF  }
0x8: {  	p1 =	sgt.u32 s0, $0x1;
	s5 =	sor.u32 s10, s4;
	s18 =	smul.u32 $0x138800, s10  }
0x9: {  	_ =	strace $0x8000004A;
	s4 =	sadd.s32 $0x4800, s8;
	s30 =	smul.u32 $0x4E0, s10  }
0xa: {  	s24 =	ssub.s32 $0x2, s10;
	s6 =	smul.u32 $0x500, s5;
	s5 =	sshll.u32 s5, $0x4  }
0xb: {  	s14 =	sadd.s32 s7, s8;
	s23 =	sshrl.u32 s11, $0x3;
	s25 =	sshrl.u32 s24, $0x1  }
0xc: {  	s26 =	sshrl.u32 s9, $0x2;
	s7 =	sor.u32 $0x1C03, s28;
	s12 =	sadd.s32 s5, s8  }
0xd: {  	s13 =	sadd.s32 s23, s8;
	s16 =	ssub.s32 s24, s25;
	s17 =	sadd.s32 s26, s2  }
0xe: {  	s11 =	sadd.s32 s11, s18;
	s29 =	sshrl.u32 s18, $0x3;
	s14 =	sadd.s32 s30, s14  }
0xf: {  	s18 =	simm.s32 $0x1;
	s23 =	simm.s32 $0x0;
	s6 =	sadd.s32 s6, s8  }
0x10: {  	s8 =	sadd.s32 $0xBF200, s8;
	s9 =	sadd.s32 $0x84200, s12;
	s11 =	sshrl.u32 s11, $0x3  }
0x11: {  	s10 =	sadd.s32 $0x98000, s12;
	s31 =	sadd.s32 s15, s29;
	s14 =	sadd.s32 $0x84400, s14  }
0x12: {  	s5 =	sadd.s32 $0x8E000, s6;
	s6 =	sadd.s32 $0x98200, s13;
	s11 =	sadd.s32 s15, s11  }
0x13: {  	s12 =	sadd.s32 $0x27000, s31;
	s13 =	smax.u32 s16, $0x1;
	s15 =	sshrl.u32 s17, $0x3  }
0x14: {  	s16 =	simm.s32 $0x3;
	s17 =	sshrl.u32 @!p0 s19, $0x3;
	s19 =	simm.s32 $0x2800  }
.LBB2_1:
0x15: {  	[tilespmem:s3], [sflag:$0x1] =	stream.linear.gather [hbm4b:s5+s3], $0x2700, $0x38;
	[tilespmem:$0x1A280] =	vst v63  }
0x16: {  	[spmem:s15], [sflag:s7] =	dma.local [hbm:s6], $0x2700  }
0x17: {  	_ =	swait.ge [sflag:s16], $0x2700  }
0x18: {  	[sflag:s16] =	ssyncset.done $0x0  }
0x19: {  	s24 =	simm.s32 @!p0 $0x3;
	[sflag:s16] =	ssyncadd.s32 $0xFFFFD900  }
0x1a: {  	[spmem:s17], [sflag:s7] =	dma.local @!p0 [hbm:s8], $0x100  }
0x1b: {  	_ =	swait.ge @!p0 [sflag:s24], $0x100  }
0x1c: {  	[sflag:s24] =	ssyncset.done @!p0 $0x0  }
0x1d: {  	[sflag:s24] =	ssyncadd.s32 @!p0 $0xFFFFFF00  }
0x1e: {  	_ =	swait.ge [sflag:s18], $0x2700  }
0x1f: {  	[sflag:s18] =	ssyncset.done $0x0  }
0x20: {  	[sflag:s18] =	ssyncadd.s32 $0xFFFFD900  }
0x21: {  	s31 =	sadd.s32 $0x0, s14;
	[bflag:$0x0] =	sbarrier.arrive $0xFFFF  }
0x22: {  	[tilespmem:s19], [sflag:$0x3] =	stream.linear.gather [hbm4b:s31+s3], $0x80, $0x38;
	[tilespmem:$0x1A280] =	vst v63  }
0x23: {  	_ =	swait.ge [sflag:s16], $0x80  }
0x24: {  	[sflag:s16] =	ssyncset.done $0x0  }
0x25: {  	[sflag:s16] =	ssyncadd.s32 $0xFFFFFF80  }
0x26: {  	[tilespmem:s21], [sflag:$0x2] =	stream.indirect.gather [hbm4b:s4+s20], $0x80, s3, s20, $0xb8;
	[tilespmem:$0x1A280] =	vst v63  }
0x27: {  	_ =	swait.ge [sflag:s22], $0x4000  }
0x28: {  	[sflag:s22] =	ssyncset.done $0x0  }
0x29: {  	[sflag:s22] =	ssyncadd.s32 $0xFFFFC000  }
0x2a: {  	[spmem:s2] =	stream.indirect.scatter.add.f32 [tilespmem:s21], [sflag:$0x3], $0x80, s19, s20, $0xb8;
	[tilespmem:$0x1A280] =	vst v63  }
0x2b: {  	s25 =	simm.s32 $0x10;
	_ =	swait.ge [sflag:s16], $0x4000  }
0x2c: {  	s26 =	simm.s32 $0x20;
	s24 =	simm.s32 $0x80;
	[sflag:s16] =	ssyncset.done $0x0  }
.LBB2_2:
0x2d: {  	s28 =	sadd.s32 s25, s14  }
0x2e: {  	[sflag:s16] =	ssyncadd.s32 $0xFFFFC000;
	s25 =	smov.u32 s26;
	s29 =	sadd.s32 $0x10, s26  }
0x2f: {  	[tilespmem:s19], [sflag:$0x3] =	stream.linear.gather [hbm4b:s28+s3], $0x80, $0x38;
	[tilespmem:$0x1A280] =	vst v63  }
0x30: {  	p2 =	sne.s32 s26, $0x4D0;
	_ =	swait.ge [sflag:s16], $0x80  }
0x31: {  	[sflag:s16] =	ssyncset.done $0x0  }
0x32: {  	[sflag:s16] =	ssyncadd.s32 $0xFFFFFF80  }
0x33: {  	[tilespmem:s21], [sflag:$0x2] =	stream.indirect.gather [hbm4b:s4+s20], $0x80, s24, s20, $0xb8;
	[tilespmem:$0x1A280] =	vst v63  }
0x34: {  	_ =	swait.ge [sflag:s22], $0x4000  }
.Ltmp0:
0x35: {  	[sflag:s22] =	ssyncset.done $0x0;
	(pc) =	sbr.rel @p2 .LBB2_2-.Ltmp0, $4  }
0x36: {  	[sflag:s22] =	ssyncadd.s32 $0xFFFFC000  }
0x37: {  	[spmem:s2] =	stream.indirect.scatter.add.f32 [tilespmem:s21], [sflag:$0x3], $0x80, s19, s20, $0xb8;
	[tilespmem:$0x1A280] =	vst v63  }
0x38: {  	_ =	swait.ge [sflag:s16], $0x4000  }
0x39: {  	s26 =	smov.u32 s29;
	s24 =	sadd.s32 $0x80, s24;
	[sflag:s16] =	ssyncset.done $0x0  }
0x3a: {  	s25 =	sadd.s32 s25, s14;
	[sflag:s16] =	ssyncadd.s32 $0xFFFFC000  }
0x3b: {  	[tilespmem:s19], [sflag:$0x3] =	stream.linear.gather [hbm4b:s25+s3], $0x80, $0x38;
	[tilespmem:$0x1A280] =	vst v63  }
0x3c: {  	_ =	swait.ge [sflag:s16], $0x80  }
0x3d: {  	[sflag:s16] =	ssyncset.done $0x0  }
0x3e: {  	[sflag:s16] =	ssyncadd.s32 $0xFFFFFF80  }
0x3f: {  	[tilespmem:s21], [sflag:$0x2] =	stream.indirect.gather [hbm4b:s4+s20], $0x80, s24, s20, $0xb8;
	[tilespmem:$0x1A280] =	vst v63  }
0x40: {  	_ =	swait.ge [sflag:s22], $0x4000  }
0x41: {  	[sflag:s22] =	ssyncset.done $0x0  }
0x42: {  	[sflag:s22] =	ssyncadd.s32 $0xFFFFC000  }
0x43: {  	[spmem:s2] =	stream.indirect.scatter.add.f32 [tilespmem:s21], [sflag:$0x3], $0x80, s19, s20, $0xb8;
	[tilespmem:$0x1A280] =	vst v63  }
0x44: {  	_ =	swait.ge [sflag:s16], $0x4000  }
0x45: {  	s26 =	simm.s32 @!p1 $0x3;
	[sflag:s16] =	ssyncset.done $0x0  }
0x46: {  	s25 =	simm.s32 @!p1 $0x2800;
	s24 =	simm.s32 @!p1 $0x0;
	[sflag:s16] =	ssyncadd.s32 $0xFFFFC000  }
0x47: {  	[tilespmem:s25], [sflag:$0x3] =	stream.linear.gather @!p1 [hbm4b:s9+s24], $0x80, $0x38;
	[tilespmem:$0x1A280] =	vst v63  }
0x48: {  	_ =	swait.ge @!p1 [sflag:s26], $0x80  }
0x49: {  	[sflag:s26] =	ssyncset.done @!p1 $0x0  }
0x4a: {  	[sflag:s26] =	ssyncadd.s32 @!p1 $0xFFFFFF80  }
0x4b: {  	[tilespmem:s24], [sflag:$0x3] =	stream.linear.gather @!p1 [hbm4b:s10+s24], $0x80, $0x38;
	[tilespmem:$0x1A280] =	vst v63  }
0x4c: {  	_ =	swait.ge @!p1 [sflag:s26], $0x80  }
0x4d: {  	[sflag:s26] =	ssyncset.done @!p1 $0x0  }
0x4e: {  	s28 =	simm.s32 @!p1 $0x80;
	s29 =	simm.s32 @!p1 $0x2A00;
	[sflag:s26] =	ssyncadd.s32 @!p1 $0xFFFFFF80  }
0x4f: {  	[tilespmem:s29], [sflag:$0x2] =	stream.indirect.gather @!p1 [hbm4b:s4+s28], $0x80, s24, s28, $0xb8;
	[tilespmem:$0x1A280] =	vst v63  }
0x50: {  	s24 =	simm.s32 @!p1 $0x2  }
0x51: {  	_ =	swait.ge @!p1 [sflag:s24], $0x4000  }
0x52: {  	[sflag:s24] =	ssyncset.done @!p1 $0x0  }
0x53: {  	[sflag:s24] =	ssyncadd.s32 @!p1 $0xFFFFC000  }
0x54: {  	[spmem:s2] =	stream.indirect.scatter.add.f32 @!p1 [tilespmem:s29], [sflag:$0x3], $0x80, s25, s28, $0xb8;
	[tilespmem:$0x1A280] =	vst v63  }
0x55: {  	_ =	swait.ge @!p1 [sflag:s26], $0x4000  }
0x56: {  	[sflag:s26] =	ssyncset.done @!p1 $0x0  }
0x57: {  	[sflag:s26] =	ssyncadd.s32 @!p1 $0xFFFFC000  }
0x58: {  	[bflag:$0x0] =	sbarrier.arrive $0xFFFF  }
0x59: {  	[hbm:s11], [sflag:s7] =	dma.local [spmem:s15], $0x2700  }
0x5a: {  	s23 =	sadd.s32 $0x1, s23;
	_ =	swait.ge [sflag:s16], $0x2700  }
0x5b: {  	p2 =	sne.s32 s23, s13;
	[sflag:s16] =	ssyncset.done $0x0  }
.Ltmp1:
0x5c: {  	s24 =	simm.s32 @!p0 $0x3;
	[sflag:s16] =	ssyncadd.s32 $0xFFFFD900;
	(pc) =	sbr.rel @p2 .LBB2_1-.Ltmp1, $4  }
0x5d: {  	[hbm:s12], [sflag:s7] =	dma.local @!p0 [spmem:s17], $0x100  }
0x5e: {  	_ =	swait.ge @!p0 [sflag:s24], $0x100  }
0x5f: {  	[sflag:s24] =	ssyncset.done @!p0 $0x0  }
0x60: {  	[sflag:s24] =	ssyncadd.s32 @!p0 $0xFFFFFF00  }
0x61: {  	_ =	sfence.sel $0x180000  }
0x62: {  	[bflag:$0x0] =	sbarrier.arrive $0xFFFF  }
0x63: {  	p0 =	sne.s32 s0, $0x0;
	_ =	strace $0x9000004A  }
0x64: {  	s0 =	sadd.s32 @!p0 $0x100000, s1;
	[bflag:$0x2] =	sbarrier.arrive $0xFFFF  }
0x65: {  	[sflag:s0] =	ssyncadd.tile.s32 @!p0 $0x1;
	_ =	shalt  }
.Lfunc_end2:
_tile_overlayer_lowered:
.L_overlay_start_2:
0x66: {  	(tag) =	ssettag $0x2  }
0x67: {  	s0 =	rddreg [dreg:$0x0];
	s2 =	stileid.u32  }
0x68: {  	s1 =	rddreg [dreg:$0x1];
	p0 =	sne.s32 s2, $0x0  }
0x69: {  	s3 =	rddreg [dreg:$0x2];
	[bflag:$0x3] =	sbarrier.arrive $0xFFFF;
	s2 =	simm.s32 @!p0 $0x1C03  }
0x6a: {  	[timem:s3], [sflag:s2] =	dma.local @!p0 [hbm:s0], s1  }
0x6b: {  	s0 =	simm.s32 @!p0 $0x3  }
0x6c: {  	_ =	swait.ge @!p0 [sflag:s0], s1  }
0x6d: {  	s1 =	ssub.s32 @!p0 $0x0, s1;
	[sflag:s0] =	ssyncset.done @!p0 $0x0  }
0x6e: {  	[sflag:s0] =	ssyncadd.s32 @!p0 s1  }
0x6f: {  	[bflag:$0x3] =	sbarrier.arrive $0xFFFF  }
0x70: {  	_ =	shalt  }

// kernel: kernel.16.cloned.1.call-start
scs
__scs_entry_jumppad:
0x0: {  	(pc) =	sbr.rel $0x88, $3  }
0x1: {  	(tag) =	ssettag $0x0;
	lr =	simm.s32 $0x1  }
0x2: {  	[smem:$0x3F8C] =	sst lr;
	_ =	strace $0xD0000000  }
0x3: {  	_ = 	snop  }
0x4: {  	_ = 	snop  }
0x5: {  	_ = 	snop  }
0x6: {  	_ = 	snop  }
0x7: {  	_ = 	snop  }
__scs_overlays_trampoline_lowered:
0x8: {  	[smem:$0x3F9B] =	sst s0  }
0x9: {  	[smem:$0x3F9C] =	sst s1  }
0xa: {  	[smem:$0x3F9D] =	sst s2  }
0xb: {  	[smem:$0x3F9E] =	sst s3  }
0xc: {  	[smem:$0x3F9F] =	sst s4  }
0xd: {  	[smem:$0x3FA0] =	sst s5  }
0xe: {  	[smem:$0x3FA1] =	sst s6  }
0xf: {  	[smem:$0x3FA2] =	sst s7  }
0x10: {  	[smem:$0x3FA3] =	sst s8  }
0x11: {  	[smem:$0x3FA4] =	sst s9;
	s0 =	simm.s32 @!p0 $0x0  }
0x12: {  	s1 =	sld [smem:$0x3F8A];
	s0 =	simm.s32 @p0 $0x1  }
0x13: {  	[smem:$0x3FA5] =	sst s0;
	s0 =	simm.s32 @!p1 $0x0  }
0x14: {  	s2 =	sld [smem:$0x3F89];
	s0 =	simm.s32 @p1 $0x1  }
0x15: {  	[smem:$0x3FA6] =	sst s0;
	s0 =	simm.s32 @!p2 $0x0  }
0x16: {  	s3 =	sld [smem:$0x3FDB];
	s0 =	simm.s32 @p2 $0x1  }
0x17: {  	s4 =	simm.s32 $0x1BF5;
	[smem:$0x3FA8] =	sst s0  }
0x18: {  	s0 =	sld [smem:$0x3F8B];
	_ =	swait.ge [sflag:s4], $0x0  }
0x19: {  	s7 =	sld [smem:$0x3F8C]  }
0x1a: {  	s8 =	sadd.s32 $0xFFFFE003, lr  }
0x1b: {  	s9 =	sadd.s32 $0xFFFFFEF7, lr;
	s5 =	simm.s32 $0xFFFFFFFF;
	p2 =	slt.u32 s8, $0xFFFFF086  }
0x1c: {  	p1 =	slt.u32 s9, $0xF7A;
	s5 =	simm.s32 @!p2 $0x0  }
0x1d: {  	s5 =	simm.s32 @p1 $0x1;
	p0 =	seq.s32 s7, s2  }
0x1e: {  	s7 =	smul.u32 @!p0 $0xF7A, s2;
	p2 =	seq.s32 @!p0 s5, $0x0  }
0x1f: {  	s9 =	smul.u32 $0xF7A, s1;
	s8 =	simm.s32 @!p0 $0x1BF5;
	p2 =	por !p2, p0  }
0x20: {  	[sflag:s8] =	ssyncset.s32 @!p0 $0xFFFFF086;
	s6 =	sadd.s32 @!p0 s3, s7;
	s7 =	simm.s32 @!p0 $0x108  }
0x21: {  	s3 =	sadd.s32 s3, s9;
	s6 =	sadd.s32 @!p0 $0x88, s6;
	s7 =	simm.s32 @p2 $0x1082  }
0x22: {  	[simem:s7], [sflag:s8] =	dma.local @!p0 [hbm:s6], $0xF7A  }
0x23: {  	s9 =	sor.u32 $0xD0000000, s2;
	s6 =	simm.s32 $0x108;
	_ =	swait.ge @!p0 [sflag:s8], $0x0  }
0x24: {  	s3 =	sadd.s32 $0x88, s3;
	s6 =	simm.s32 @!p1 $0x1082;
	[sflag:s4] =	ssyncset.s32 $0xFFFFF086  }
0x25: {  	[simem:s6], [sflag:s4] =	dma.local [hbm:s3], $0xF7A  }
0x26: {  	[smem:$0x3F8C] =	sst s1;
	(tag) =	ssettag s2;
	_ =	strace s9  }
0x27: {  	s1 =	sld [smem:$0x3F9C]  }
0x28: {  	s2 =	sld [smem:$0x3F9D]  }
0x29: {  	s4 =	sld [smem:$0x3F9F]  }
0x2a: {  	p0 =	seq.s32 s5, $0x0;
	s5 =	sld [smem:$0x3FA0]  }
0x2b: {  	s6 =	sld [smem:$0x3FA1]  }
0x2c: {  	s7 =	sld [smem:$0x3FA2]  }
0x2d: {  	s3 =	simm.s32 $0x108;
	s8 =	sld [smem:$0x3FA3]  }
0x2e: {  	s3 =	simm.s32 @!p0 $0x1082;
	s9 =	sld [smem:$0x3FA4]  }
0x2f: {  	lr =	sadd.s32 s0, s3;
	s0 =	sld [smem:$0x3F9B]  }
0x30: {  	s3 =	sld [smem:$0x3F9E]  }
0x31: {  	[smem:$0x3FA7] =	sst s10  }
0x32: {  	s10 =	sld [smem:$0x3FA5];
	_ =	sdelay $0x3  }
0x33: {  	p0 =	seq.s32 s10, $0x1;
	s10 =	sld [smem:$0x3FA7];
	_ =	sdelay $0x3  }
0x34: {  	[smem:$0x3FA7] =	sst s10  }
0x35: {  	s10 =	sld [smem:$0x3FA6];
	_ =	sdelay $0x3  }
0x36: {  	p1 =	seq.s32 s10, $0x1;
	s10 =	sld [smem:$0x3FA7];
	_ =	sdelay $0x3  }
0x37: {  	[smem:$0x3FA7] =	sst s10  }
0x38: {  	s10 =	sld [smem:$0x3FA8]  }
0x39: {  	_ = 	snop;
	(pc) =	sbr.ind lr, $3  }
0x3a: {  	_ = 	snop  }
0x3b: {  	_ = 	snop  }
0x3c: {  	p2 =	seq.s32 s10, $0x1;
	s10 =	sld [smem:$0x3FA7]  }
0x3d: {  	_ =	shalt  }
0x3e: {  	_ =	shalt  }
0x3f: {  	_ =	shalt  }
0x40: {  	_ =	shalt  }
0x41: {  	_ =	shalt  }
0x42: {  	_ =	shalt  }
0x43: {  	_ =	shalt  }
0x44: {  	_ =	shalt  }
0x45: {  	_ =	shalt  }
0x46: {  	_ =	shalt  }
0x47: {  	_ =	shalt  }
0x48: {  	_ =	shalt  }
0x49: {  	_ =	shalt  }
0x4a: {  	_ =	shalt  }
0x4b: {  	_ =	shalt  }
0x4c: {  	_ =	shalt  }
0x4d: {  	_ =	shalt  }
0x4e: {  	_ =	shalt  }
0x4f: {  	_ =	shalt  }
0x50: {  	_ =	shalt  }
0x51: {  	_ =	shalt  }
0x52: {  	_ =	shalt  }
0x53: {  	_ =	shalt  }
0x54: {  	_ =	shalt  }
0x55: {  	_ =	shalt  }
0x56: {  	_ =	shalt  }
0x57: {  	_ =	shalt  }
0x58: {  	_ =	shalt  }
0x59: {  	_ =	shalt  }
0x5a: {  	_ =	shalt  }
0x5b: {  	_ =	shalt  }
0x5c: {  	_ =	shalt  }
0x5d: {  	_ =	shalt  }
0x5e: {  	_ =	shalt  }
0x5f: {  	_ =	shalt  }
0x60: {  	_ =	shalt  }
0x61: {  	_ =	shalt  }
0x62: {  	_ =	shalt  }
0x63: {  	_ =	shalt  }
0x64: {  	_ =	shalt  }
0x65: {  	_ =	shalt  }
0x66: {  	_ =	shalt  }
0x67: {  	_ =	shalt  }
0x68: {  	_ =	shalt  }
0x69: {  	_ =	shalt  }
0x6a: {  	_ =	shalt  }
0x6b: {  	_ =	shalt  }
0x6c: {  	_ =	shalt  }
0x6d: {  	_ =	shalt  }
0x6e: {  	_ =	shalt  }
0x6f: {  	_ =	shalt  }
0x70: {  	_ =	shalt  }
0x71: {  	_ =	shalt  }
0x72: {  	_ =	shalt  }
0x73: {  	_ =	shalt  }
0x74: {  	_ =	shalt  }
0x75: {  	_ =	shalt  }
0x76: {  	_ =	shalt  }
0x77: {  	_ =	shalt  }
0x78: {  	_ =	shalt  }
0x79: {  	_ =	shalt  }
0x7a: {  	_ =	shalt  }
0x7b: {  	_ =	shalt  }
0x7c: {  	_ =	shalt  }
0x7d: {  	_ =	shalt  }
0x7e: {  	_ =	shalt  }
0x7f: {  	_ =	shalt  }
0x80: {  	_ =	shalt  }
0x81: {  	_ =	shalt  }
0x82: {  	_ =	shalt  }
0x83: {  	_ =	shalt  }
0x84: {  	_ =	shalt  }
0x85: {  	_ =	shalt  }
0x86: {  	_ =	shalt  }
0x87: {  	_ =	shalt  }
.Lfunc_end0:
.L_simem_size_0:
called_computation.2_lowered:
.L_overlay_start_0:
0x88: {  	s2 =	sld [smem:$0x3FD9]  }
0x89: {  	s3 =	sld [smem:$0x3FFE];
	_ =	sdelay $0x1  }
0x8a: {  	s1 =	srdreg.scid  }
0x8b: {  	s0 =	sand.u32 $0x1, s1  }
0x8c: {  	s16 =	sshll.u32 s0, $0xA;
	s2 =	sadd.s32 s3, s2  }
0x8d: {  	s2 =	sadd.s32 s2, s16  }
0x8e: {  	[smem:$0x3FB3] =	sst s2  }
0x8f: {  	_ = 	snop  }
0x90: {  	(tm) =	ssettm $0x1  }
0x91: {  	s17 =	sld [smem:$0x3FFB];
	_ =	sdelay $0x3  }
0x92: {  	_ =	strace s17  }
0x93: {  	s2 =	sld [smem:$0x3FFC];
	_ =	sdelay $0x3  }
0x94: {  	_ =	strace s2  }
0x95: {  	s2 =	sld [smem:$0x3FFD];
	_ =	sdelay $0x3  }
0x96: {  	_ =	strace s2  }
0x97: {  	_ =	strace $0x8FFFFFFF  }
0x98: {  	s18 =	sld [smem:$0x3FDB];
	_ =	sdelay $0x1  }
0x99: {  	s19 =	simm.s32 $_scs_section_size  }
0x9a: {  	s4 =	simm.s32 $_size__tile_overlayer_lowered;
	s5 =	simm.s32 $_tile_overlayer_lowered  }
0x9b: {  	s22 =	simm.s32 $0x1BFF;
	s21 =	sshll.u32 s5, $0x1;
	s2 =	sadd.s32 s19, s18  }
0x9c: {  	s6 =	simm.s32 $0x0;
	s20 =	sshll.u32 s4, $0x1;
	s4 =	sadd.s32 s21, s2  }
0x9d: {  	[timem:s6], [sflag:s22] =	dma.local [hbm:s4], s20  }
0x9e: {  	_ =	swait.ge [sflag:s22], s20  }
0x9f: {  	s3 =	ssub.s32 $0x0, s20;
	[sflag:s22] =	ssyncset.done $0x0  }
0xa0: {  	[sflag:s22] =	ssyncadd.s32 s3;
	_ =	sdelay $0x1  }
0xa1: {  	s23 =	simm.s32 $0x1B8B  }
0xa2: {  	_ =	swait.ge [sflag:s23], $0x1  }
0xa3: {  	[sflag:s23] =	ssyncset.done $0x0  }
0xa4: {  	s25 =	simm.s32 $0x1B8E;
	s24 =	sld [smem:$0x3FFE];
	[sflag:s23] =	ssyncadd.s32 $0xFFFFFFFF  }
0xa5: {  	s26 =	simm.s32 $execute0_lowered;
	[smem:$0x3FD2] =	sst s25  }
0xa6: {  	s4 =	sshll.u32 s26, $0x1;
	_ =	strace $0x8000004C;
	[dreg:$0x1] =	wrdreg $0xFFFFFFFF  }
0xa7: {  	s28 =	simm.s32 $_size_execute0_lowered;
	s2 =	sadd.s32 s2, s4;
	[dreg:$0x0] =	wrdreg $0x0  }
0xa8: {  	s4 =	sshll.u32 s28, $0x1;
	[dreg:$0x2] =	wrdreg s2  }
0xa9: {  	[dreg:$0x3] =	wrdreg s4  }
0xaa: {  	[dreg:$0x4] =	wrdreg $0xC0  }
0xab: {  	_ =	task [dreg:s6], $0x5FFFF  }
0xac: {  	[dreg:$0x1] =	wrdreg $0xFFFFFFFF  }
0xad: {  	[dreg:$0x0] =	wrdreg $0x60  }
0xae: {  	[dreg:$0x2] =	wrdreg s24  }
0xaf: {  	[dreg:$0x3] =	wrdreg $0x6A000  }
0xb0: {  	[dreg:$0x4] =	wrdreg $0x9  }
0xb1: {  	_ =	task.clear_ibuf [dreg:s6], $0x5FFFF;
	_ =	strace $0x9000004C  }
0xb2: {  	s29 =	simm.s32 $0x9;
	_ =	strace $0x8000004E  }
0xb3: {  	_ =	swait.ge [sflag:s29], $0x1  }
0xb4: {  	[sflag:s29] =	ssyncadd.s32 $0xFFFFFFFF  }
0xb5: {  	_ =	strace $0x9000004E  }
0xb6: {  	_ =	sfence  }
0xb7: {  	s30 =	sld [smem:$0x0];
	_ =	sdelay $0x2  }
0xb8: {  	s31 =	sshll.u32 s1, $0xD;
	s1 =	sshrl.u32 s1, $0x2  }
0xb9: {  	s3 =	sand.u32 $0x4000, s31;
	s1 =	sadd.s32 s1, s30  }
0xba: {  	s0 =	sor.u32 s3, s0;
	s1 =	sshll.u32 s1, $0x11  }
0xbb: {  	s0 =	sor.u32 s1, s0  }
0xbc: {  	s0 =	sadd.s32 $0x8F2B, s0  }
0xbd: {  	[sflag:s0] =	ssyncadd.remote.s32 $0x1  }
0xbe: {  	_ =	sfence.sel $0xFFFF  }
0xbf: {  	[dreg:$0x0] =	wrdreg $0xFFFFFFFF;
	(pc) =	sbr.abs _section_cstart, $3  }
0xc0: {  	[dreg:$0x1] =	wrdreg $0xFFFFFFFF  }
0xc1: {  	_ =	task.clear_ibuf [dreg:s6], $0x2FFFF;
	_ =	strace $0x9FFFFFFF  }
0xc2: {  	(tm) =	ssettm $0x7FFFFFFF  }
0xc3: {  	_ =	shalt  }
tec
execute0_lowered:
.L_overlay_start_1:
0x0: {  	(tag) =	ssettag $0x1  }
0x1: {  	s8 =	rddreg [dreg:$0x0];
	s1 =	srdreg.scid  }
0x2: {  	s0 =	stileid.u32;
	s2 =	rddreg [dreg:$0x1]  }
0x3: {  	s3 =	simm.s32 $0x0;
	s20 =	simm.s32 $0x80;
	s21 =	simm.s32 $0x2A00  }
0x4: {  	s22 =	simm.s32 $0x2;
	s10 =	sand.u32 $0x1, s1;
	s7 =	smul.u32 $0x9C0, s0  }
0x5: {  	s4 =	sshll.u32 s0, $0x1;
	s1 =	rddreg [dreg:$0x2];
	s11 =	smul.u32 $0x13800, s0  }
0x6: {  	[smem:$0x7FF] =	sst s3;
	s9 =	smul.u32 $0x4E000, s0;
	s15 =	sadd.s32 $0xBF400, s8  }
0x7: {  	s28 =	sshll.u32 s0, $0x6;
	s19 =	sadd.s32 $0x138000, s2;
	p0 =	sne.s32 s0, $0xF  }
0x8: {  	p1 =	sgt.u32 s0, $0x1;
	s5 =	sor.u32 s10, s4;
	s18 =	smul.u32 $0x138800, s10  }
0x9: {  	_ =	strace $0x8000004D;
	s4 =	sadd.s32 $0x4800, s8;
	s30 =	smul.u32 $0x4E0, s10  }
0xa: {  	s24 =	ssub.s32 $0x2, s10;
	s6 =	smul.u32 $0x500, s5;
	s5 =	sshll.u32 s5, $0x4  }
0xb: {  	s14 =	sadd.s32 s7, s8;
	s23 =	sshrl.u32 s11, $0x3;
	s25 =	sshrl.u32 s24, $0x1  }
0xc: {  	s26 =	sshrl.u32 s9, $0x2;
	s7 =	sor.u32 $0x1C03, s28;
	s12 =	sadd.s32 s5, s8  }
0xd: {  	s13 =	sadd.s32 s23, s8;
	s16 =	ssub.s32 s24, s25;
	s17 =	sadd.s32 s26, s2  }
0xe: {  	s11 =	sadd.s32 s11, s18;
	s29 =	sshrl.u32 s18, $0x3;
	s14 =	sadd.s32 s30, s14  }
0xf: {  	s18 =	simm.s32 $0x1;
	s23 =	simm.s32 $0x0;
	s6 =	sadd.s32 s6, s8  }
0x10: {  	s8 =	sadd.s32 $0xBF200, s8;
	s9 =	sadd.s32 $0x84200, s12;
	s11 =	sshrl.u32 s11, $0x3  }
0x11: {  	s10 =	sadd.s32 $0x98000, s12;
	s31 =	sadd.s32 s15, s29;
	s14 =	sadd.s32 $0x84400, s14  }
0x12: {  	s5 =	sadd.s32 $0x8E000, s6;
	s6 =	sadd.s32 $0x98200, s13;
	s11 =	sadd.s32 s15, s11  }
0x13: {  	s12 =	sadd.s32 $0x27000, s31;
	s13 =	smax.u32 s16, $0x1;
	s15 =	sshrl.u32 s17, $0x3  }
0x14: {  	s16 =	simm.s32 $0x3;
	s17 =	sshrl.u32 @!p0 s19, $0x3;
	s19 =	simm.s32 $0x2800  }
.LBB2_1:
0x15: {  	[tilespmem:s3], [sflag:$0x1] =	stream.linear.gather [hbm4b:s5+s3], $0x2700, $0x38;
	[tilespmem:$0x1A280] =	vst v63  }
0x16: {  	[spmem:s15], [sflag:s7] =	dma.local [hbm:s6], $0x2700  }
0x17: {  	_ =	swait.ge [sflag:s16], $0x2700  }
0x18: {  	[sflag:s16] =	ssyncset.done $0x0  }
0x19: {  	s24 =	simm.s32 @!p0 $0x3;
	[sflag:s16] =	ssyncadd.s32 $0xFFFFD900  }
0x1a: {  	[spmem:s17], [sflag:s7] =	dma.local @!p0 [hbm:s8], $0x100  }
0x1b: {  	_ =	swait.ge @!p0 [sflag:s24], $0x100  }
0x1c: {  	[sflag:s24] =	ssyncset.done @!p0 $0x0  }
0x1d: {  	[sflag:s24] =	ssyncadd.s32 @!p0 $0xFFFFFF00  }
0x1e: {  	_ =	swait.ge [sflag:s18], $0x2700  }
0x1f: {  	[sflag:s18] =	ssyncset.done $0x0  }
0x20: {  	[sflag:s18] =	ssyncadd.s32 $0xFFFFD900  }
0x21: {  	s31 =	sadd.s32 $0x0, s14;
	[bflag:$0x0] =	sbarrier.arrive $0xFFFF  }
0x22: {  	[tilespmem:s19], [sflag:$0x3] =	stream.linear.gather [hbm4b:s31+s3], $0x80, $0x38;
	[tilespmem:$0x1A280] =	vst v63  }
0x23: {  	_ =	swait.ge [sflag:s16], $0x80  }
0x24: {  	[sflag:s16] =	ssyncset.done $0x0  }
0x25: {  	[sflag:s16] =	ssyncadd.s32 $0xFFFFFF80  }
0x26: {  	[tilespmem:s21], [sflag:$0x2] =	stream.indirect.gather [hbm4b:s4+s20], $0x80, s3, s20, $0xb8;
	[tilespmem:$0x1A280] =	vst v63  }
0x27: {  	_ =	swait.ge [sflag:s22], $0x4000  }
0x28: {  	[sflag:s22] =	ssyncset.done $0x0  }
0x29: {  	[sflag:s22] =	ssyncadd.s32 $0xFFFFC000  }
0x2a: {  	[spmem:s2] =	stream.indirect.scatter.add.f32 [tilespmem:s21], [sflag:$0x3], $0x80, s19, s20, $0xb8;
	[tilespmem:$0x1A280] =	vst v63  }
0x2b: {  	s25 =	simm.s32 $0x10;
	_ =	swait.ge [sflag:s16], $0x4000  }
0x2c: {  	s26 =	simm.s32 $0x20;
	s24 =	simm.s32 $0x80;
	[sflag:s16] =	ssyncset.done $0x0  }
.LBB2_2:
0x2d: {  	s28 =	sadd.s32 s25, s14  }
0x2e: {  	[sflag:s16] =	ssyncadd.s32 $0xFFFFC000;
	s25 =	smov.u32 s26;
	s29 =	sadd.s32 $0x10, s26  }
0x2f: {  	[tilespmem:s19], [sflag:$0x3] =	stream.linear.gather [hbm4b:s28+s3], $0x80, $0x38;
	[tilespmem:$0x1A280] =	vst v63  }
0x30: {  	p2 =	sne.s32 s26, $0x4D0;
	_ =	swait.ge [sflag:s16], $0x80  }
0x31: {  	[sflag:s16] =	ssyncset.done $0x0  }
0x32: {  	[sflag:s16] =	ssyncadd.s32 $0xFFFFFF80  }
0x33: {  	[tilespmem:s21], [sflag:$0x2] =	stream.indirect.gather [hbm4b:s4+s20], $0x80, s24, s20, $0xb8;
	[tilespmem:$0x1A280] =	vst v63  }
0x34: {  	_ =	swait.ge [sflag:s22], $0x4000  }
.Ltmp0:
0x35: {  	[sflag:s22] =	ssyncset.done $0x0;
	(pc) =	sbr.rel @p2 .LBB2_2-.Ltmp0, $4  }
0x36: {  	[sflag:s22] =	ssyncadd.s32 $0xFFFFC000  }
0x37: {  	[spmem:s2] =	stream.indirect.scatter.add.f32 [tilespmem:s21], [sflag:$0x3], $0x80, s19, s20, $0xb8;
	[tilespmem:$0x1A280] =	vst v63  }
0x38: {  	_ =	swait.ge [sflag:s16], $0x4000  }
0x39: {  	s26 =	smov.u32 s29;
	s24 =	sadd.s32 $0x80, s24;
	[sflag:s16] =	ssyncset.done $0x0  }
0x3a: {  	s25 =	sadd.s32 s25, s14;
	[sflag:s16] =	ssyncadd.s32 $0xFFFFC000  }
0x3b: {  	[tilespmem:s19], [sflag:$0x3] =	stream.linear.gather [hbm4b:s25+s3], $0x80, $0x38;
	[tilespmem:$0x1A280] =	vst v63  }
0x3c: {  	_ =	swait.ge [sflag:s16], $0x80  }
0x3d: {  	[sflag:s16] =	ssyncset.done $0x0  }
0x3e: {  	[sflag:s16] =	ssyncadd.s32 $0xFFFFFF80  }
0x3f: {  	[tilespmem:s21], [sflag:$0x2] =	stream.indirect.gather [hbm4b:s4+s20], $0x80, s24, s20, $0xb8;
	[tilespmem:$0x1A280] =	vst v63  }
0x40: {  	_ =	swait.ge [sflag:s22], $0x4000  }
0x41: {  	[sflag:s22] =	ssyncset.done $0x0  }
0x42: {  	[sflag:s22] =	ssyncadd.s32 $0xFFFFC000  }
0x43: {  	[spmem:s2] =	stream.indirect.scatter.add.f32 [tilespmem:s21], [sflag:$0x3], $0x80, s19, s20, $0xb8;
	[tilespmem:$0x1A280] =	vst v63  }
0x44: {  	_ =	swait.ge [sflag:s16], $0x4000  }
0x45: {  	s26 =	simm.s32 @!p1 $0x3;
	[sflag:s16] =	ssyncset.done $0x0  }
0x46: {  	s25 =	simm.s32 @!p1 $0x2800;
	s24 =	simm.s32 @!p1 $0x0;
	[sflag:s16] =	ssyncadd.s32 $0xFFFFC000  }
0x47: {  	[tilespmem:s25], [sflag:$0x3] =	stream.linear.gather @!p1 [hbm4b:s9+s24], $0x80, $0x38;
	[tilespmem:$0x1A280] =	vst v63  }
0x48: {  	_ =	swait.ge @!p1 [sflag:s26], $0x80  }
0x49: {  	[sflag:s26] =	ssyncset.done @!p1 $0x0  }
0x4a: {  	[sflag:s26] =	ssyncadd.s32 @!p1 $0xFFFFFF80  }
0x4b: {  	[tilespmem:s24], [sflag:$0x3] =	stream.linear.gather @!p1 [hbm4b:s10+s24], $0x80, $0x38;
	[tilespmem:$0x1A280] =	vst v63  }
0x4c: {  	_ =	swait.ge @!p1 [sflag:s26], $0x80  }
0x4d: {  	[sflag:s26] =	ssyncset.done @!p1 $0x0  }
0x4e: {  	s28 =	simm.s32 @!p1 $0x80;
	s29 =	simm.s32 @!p1 $0x2A00;
	[sflag:s26] =	ssyncadd.s32 @!p1 $0xFFFFFF80  }
0x4f: {  	[tilespmem:s29], [sflag:$0x2] =	stream.indirect.gather @!p1 [hbm4b:s4+s28], $0x80, s24, s28, $0xb8;
	[tilespmem:$0x1A280] =	vst v63  }
0x50: {  	s24 =	simm.s32 @!p1 $0x2  }
0x51: {  	_ =	swait.ge @!p1 [sflag:s24], $0x4000  }
0x52: {  	[sflag:s24] =	ssyncset.done @!p1 $0x0  }
0x53: {  	[sflag:s24] =	ssyncadd.s32 @!p1 $0xFFFFC000  }
0x54: {  	[spmem:s2] =	stream.indirect.scatter.add.f32 @!p1 [tilespmem:s29], [sflag:$0x3], $0x80, s25, s28, $0xb8;
	[tilespmem:$0x1A280] =	vst v63  }
0x55: {  	_ =	swait.ge @!p1 [sflag:s26], $0x4000  }
0x56: {  	[sflag:s26] =	ssyncset.done @!p1 $0x0  }
0x57: {  	[sflag:s26] =	ssyncadd.s32 @!p1 $0xFFFFC000  }
0x58: {  	[bflag:$0x0] =	sbarrier.arrive $0xFFFF  }
0x59: {  	[hbm:s11], [sflag:s7] =	dma.local [spmem:s15], $0x2700  }
0x5a: {  	s23 =	sadd.s32 $0x1, s23;
	_ =	swait.ge [sflag:s16], $0x2700  }
0x5b: {  	p2 =	sne.s32 s23, s13;
	[sflag:s16] =	ssyncset.done $0x0  }
.Ltmp1:
0x5c: {  	s24 =	simm.s32 @!p0 $0x3;
	[sflag:s16] =	ssyncadd.s32 $0xFFFFD900;
	(pc) =	sbr.rel @p2 .LBB2_1-.Ltmp1, $4  }
0x5d: {  	[hbm:s12], [sflag:s7] =	dma.local @!p0 [spmem:s17], $0x100  }
0x5e: {  	_ =	swait.ge @!p0 [sflag:s24], $0x100  }
0x5f: {  	[sflag:s24] =	ssyncset.done @!p0 $0x0  }
0x60: {  	[sflag:s24] =	ssyncadd.s32 @!p0 $0xFFFFFF00  }
0x61: {  	_ =	sfence.sel $0x180000  }
0x62: {  	[bflag:$0x0] =	sbarrier.arrive $0xFFFF  }
0x63: {  	p0 =	sne.s32 s0, $0x0;
	_ =	strace $0x9000004D  }
0x64: {  	s0 =	sadd.s32 @!p0 $0x100000, s1;
	[bflag:$0x2] =	sbarrier.arrive $0xFFFF  }
0x65: {  	[sflag:s0] =	ssyncadd.tile.s32 @!p0 $0x1;
	_ =	shalt  }
.Lfunc_end2:
_tile_overlayer_lowered:
.L_overlay_start_2:
0x66: {  	(tag) =	ssettag $0x2  }
0x67: {  	s0 =	rddreg [dreg:$0x0];
	s2 =	stileid.u32  }
0x68: {  	s1 =	rddreg [dreg:$0x1];
	p0 =	sne.s32 s2, $0x0  }
0x69: {  	s3 =	rddreg [dreg:$0x2];
	[bflag:$0x3] =	sbarrier.arrive $0xFFFF;
	s2 =	simm.s32 @!p0 $0x1C03  }
0x6a: {  	[timem:s3], [sflag:s2] =	dma.local @!p0 [hbm:s0], s1  }
0x6b: {  	s0 =	simm.s32 @!p0 $0x3  }
0x6c: {  	_ =	swait.ge @!p0 [sflag:s0], s1  }
0x6d: {  	s1 =	ssub.s32 @!p0 $0x0, s1;
	[sflag:s0] =	ssyncset.done @!p0 $0x0  }
0x6e: {  	[sflag:s0] =	ssyncadd.s32 @!p0 s1  }
0x6f: {  	[bflag:$0x3] =	sbarrier.arrive $0xFFFF  }
0x70: {  	_ =	shalt  }

// kernel: kernel.19.cloned.1.call-start
scs
__scs_entry_jumppad:
0x0: {  	(pc) =	sbr.rel $0x88, $3  }
0x1: {  	(tag) =	ssettag $0x0;
	lr =	simm.s32 $0x1  }
0x2: {  	[smem:$0x3F8C] =	sst lr;
	_ =	strace $0xD0000000  }
0x3: {  	_ = 	snop  }
0x4: {  	_ = 	snop  }
0x5: {  	_ = 	snop  }
0x6: {  	_ = 	snop  }
0x7: {  	_ = 	snop  }
__scs_overlays_trampoline_lowered:
0x8: {  	[smem:$0x3F9B] =	sst s0  }
0x9: {  	[smem:$0x3F9C] =	sst s1  }
0xa: {  	[smem:$0x3F9D] =	sst s2  }
0xb: {  	[smem:$0x3F9E] =	sst s3  }
0xc: {  	[smem:$0x3F9F] =	sst s4  }
0xd: {  	[smem:$0x3FA0] =	sst s5  }
0xe: {  	[smem:$0x3FA1] =	sst s6  }
0xf: {  	[smem:$0x3FA2] =	sst s7  }
0x10: {  	[smem:$0x3FA3] =	sst s8  }
0x11: {  	[smem:$0x3FA4] =	sst s9;
	s0 =	simm.s32 @!p0 $0x0  }
0x12: {  	s1 =	sld [smem:$0x3F8A];
	s0 =	simm.s32 @p0 $0x1  }
0x13: {  	[smem:$0x3FA5] =	sst s0;
	s0 =	simm.s32 @!p1 $0x0  }
0x14: {  	s2 =	sld [smem:$0x3F89];
	s0 =	simm.s32 @p1 $0x1  }
0x15: {  	[smem:$0x3FA6] =	sst s0;
	s0 =	simm.s32 @!p2 $0x0  }
0x16: {  	s3 =	sld [smem:$0x3FDB];
	s0 =	simm.s32 @p2 $0x1  }
0x17: {  	s4 =	simm.s32 $0x1BF5;
	[smem:$0x3FA8] =	sst s0  }
0x18: {  	s0 =	sld [smem:$0x3F8B];
	_ =	swait.ge [sflag:s4], $0x0  }
0x19: {  	s7 =	sld [smem:$0x3F8C]  }
0x1a: {  	s8 =	sadd.s32 $0xFFFFE003, lr  }
0x1b: {  	s9 =	sadd.s32 $0xFFFFFEF7, lr;
	s5 =	simm.s32 $0xFFFFFFFF;
	p2 =	slt.u32 s8, $0xFFFFF086  }
0x1c: {  	p1 =	slt.u32 s9, $0xF7A;
	s5 =	simm.s32 @!p2 $0x0  }
0x1d: {  	s5 =	simm.s32 @p1 $0x1;
	p0 =	seq.s32 s7, s2  }
0x1e: {  	s7 =	smul.u32 @!p0 $0xF7A, s2;
	p2 =	seq.s32 @!p0 s5, $0x0  }
0x1f: {  	s9 =	smul.u32 $0xF7A, s1;
	s8 =	simm.s32 @!p0 $0x1BF5;
	p2 =	por !p2, p0  }
0x20: {  	[sflag:s8] =	ssyncset.s32 @!p0 $0xFFFFF086;
	s6 =	sadd.s32 @!p0 s3, s7;
	s7 =	simm.s32 @!p0 $0x108  }
0x21: {  	s3 =	sadd.s32 s3, s9;
	s6 =	sadd.s32 @!p0 $0x88, s6;
	s7 =	simm.s32 @p2 $0x1082  }
0x22: {  	[simem:s7], [sflag:s8] =	dma.local @!p0 [hbm:s6], $0xF7A  }
0x23: {  	s9 =	sor.u32 $0xD0000000, s2;
	s6 =	simm.s32 $0x108;
	_ =	swait.ge @!p0 [sflag:s8], $0x0  }
0x24: {  	s3 =	sadd.s32 $0x88, s3;
	s6 =	simm.s32 @!p1 $0x1082;
	[sflag:s4] =	ssyncset.s32 $0xFFFFF086  }
0x25: {  	[simem:s6], [sflag:s4] =	dma.local [hbm:s3], $0xF7A  }
0x26: {  	[smem:$0x3F8C] =	sst s1;
	(tag) =	ssettag s2;
	_ =	strace s9  }
0x27: {  	s1 =	sld [smem:$0x3F9C]  }
0x28: {  	s2 =	sld [smem:$0x3F9D]  }
0x29: {  	s4 =	sld [smem:$0x3F9F]  }
0x2a: {  	p0 =	seq.s32 s5, $0x0;
	s5 =	sld [smem:$0x3FA0]  }
0x2b: {  	s6 =	sld [smem:$0x3FA1]  }
0x2c: {  	s7 =	sld [smem:$0x3FA2]  }
0x2d: {  	s3 =	simm.s32 $0x108;
	s8 =	sld [smem:$0x3FA3]  }
0x2e: {  	s3 =	simm.s32 @!p0 $0x1082;
	s9 =	sld [smem:$0x3FA4]  }
0x2f: {  	lr =	sadd.s32 s0, s3;
	s0 =	sld [smem:$0x3F9B]  }
0x30: {  	s3 =	sld [smem:$0x3F9E]  }
0x31: {  	[smem:$0x3FA7] =	sst s10  }
0x32: {  	s10 =	sld [smem:$0x3FA5];
	_ =	sdelay $0x3  }
0x33: {  	p0 =	seq.s32 s10, $0x1;
	s10 =	sld [smem:$0x3FA7];
	_ =	sdelay $0x3  }
0x34: {  	[smem:$0x3FA7] =	sst s10  }
0x35: {  	s10 =	sld [smem:$0x3FA6];
	_ =	sdelay $0x3  }
0x36: {  	p1 =	seq.s32 s10, $0x1;
	s10 =	sld [smem:$0x3FA7];
	_ =	sdelay $0x3  }
0x37: {  	[smem:$0x3FA7] =	sst s10  }
0x38: {  	s10 =	sld [smem:$0x3FA8]  }
0x39: {  	_ = 	snop;
	(pc) =	sbr.ind lr, $3  }
0x3a: {  	_ = 	snop  }
0x3b: {  	_ = 	snop  }
0x3c: {  	p2 =	seq.s32 s10, $0x1;
	s10 =	sld [smem:$0x3FA7]  }
0x3d: {  	_ =	shalt  }
0x3e: {  	_ =	shalt  }
0x3f: {  	_ =	shalt  }
0x40: {  	_ =	shalt  }
0x41: {  	_ =	shalt  }
0x42: {  	_ =	shalt  }
0x43: {  	_ =	shalt  }
0x44: {  	_ =	shalt  }
0x45: {  	_ =	shalt  }
0x46: {  	_ =	shalt  }
0x47: {  	_ =	shalt  }
0x48: {  	_ =	shalt  }
0x49: {  	_ =	shalt  }
0x4a: {  	_ =	shalt  }
0x4b: {  	_ =	shalt  }
0x4c: {  	_ =	shalt  }
0x4d: {  	_ =	shalt  }
0x4e: {  	_ =	shalt  }
0x4f: {  	_ =	shalt  }
0x50: {  	_ =	shalt  }
0x51: {  	_ =	shalt  }
0x52: {  	_ =	shalt  }
0x53: {  	_ =	shalt  }
0x54: {  	_ =	shalt  }
0x55: {  	_ =	shalt  }
0x56: {  	_ =	shalt  }
0x57: {  	_ =	shalt  }
0x58: {  	_ =	shalt  }
0x59: {  	_ =	shalt  }
0x5a: {  	_ =	shalt  }
0x5b: {  	_ =	shalt  }
0x5c: {  	_ =	shalt  }
0x5d: {  	_ =	shalt  }
0x5e: {  	_ =	shalt  }
0x5f: {  	_ =	shalt  }
0x60: {  	_ =	shalt  }
0x61: {  	_ =	shalt  }
0x62: {  	_ =	shalt  }
0x63: {  	_ =	shalt  }
0x64: {  	_ =	shalt  }
0x65: {  	_ =	shalt  }
0x66: {  	_ =	shalt  }
0x67: {  	_ =	shalt  }
0x68: {  	_ =	shalt  }
0x69: {  	_ =	shalt  }
0x6a: {  	_ =	shalt  }
0x6b: {  	_ =	shalt  }
0x6c: {  	_ =	shalt  }
0x6d: {  	_ =	shalt  }
0x6e: {  	_ =	shalt  }
0x6f: {  	_ =	shalt  }
0x70: {  	_ =	shalt  }
0x71: {  	_ =	shalt  }
0x72: {  	_ =	shalt  }
0x73: {  	_ =	shalt  }
0x74: {  	_ =	shalt  }
0x75: {  	_ =	shalt  }
0x76: {  	_ =	shalt  }
0x77: {  	_ =	shalt  }
0x78: {  	_ =	shalt  }
0x79: {  	_ =	shalt  }
0x7a: {  	_ =	shalt  }
0x7b: {  	_ =	shalt  }
0x7c: {  	_ =	shalt  }
0x7d: {  	_ =	shalt  }
0x7e: {  	_ =	shalt  }
0x7f: {  	_ =	shalt  }
0x80: {  	_ =	shalt  }
0x81: {  	_ =	shalt  }
0x82: {  	_ =	shalt  }
0x83: {  	_ =	shalt  }
0x84: {  	_ =	shalt  }
0x85: {  	_ =	shalt  }
0x86: {  	_ =	shalt  }
0x87: {  	_ =	shalt  }
.Lfunc_end0:
.L_simem_size_0:
called_computation.3_lowered:
.L_overlay_start_0:
0x88: {  	s2 =	sld [smem:$0x3FD9]  }
0x89: {  	s3 =	sld [smem:$0x3FFE];
	_ =	sdelay $0x1  }
0x8a: {  	s1 =	srdreg.scid  }
0x8b: {  	s0 =	sand.u32 $0x1, s1  }
0x8c: {  	s16 =	sshll.u32 s0, $0xA;
	s2 =	sadd.s32 s3, s2  }
0x8d: {  	s2 =	sadd.s32 s2, s16  }
0x8e: {  	[smem:$0x3FB3] =	sst s2  }
0x8f: {  	_ = 	snop  }
0x90: {  	(tm) =	ssettm $0x1  }
0x91: {  	s17 =	sld [smem:$0x3FFB];
	_ =	sdelay $0x3  }
0x92: {  	_ =	strace s17  }
0x93: {  	s2 =	sld [smem:$0x3FFC];
	_ =	sdelay $0x3  }
0x94: {  	_ =	strace s2  }
0x95: {  	s2 =	sld [smem:$0x3FFD];
	_ =	sdelay $0x3  }
0x96: {  	_ =	strace s2  }
0x97: {  	_ =	strace $0x8FFFFFFF  }
0x98: {  	s18 =	sld [smem:$0x3FDB];
	_ =	sdelay $0x1  }
0x99: {  	s19 =	simm.s32 $_scs_section_size  }
0x9a: {  	s4 =	simm.s32 $_size__tile_overlayer_lowered;
	s5 =	simm.s32 $_tile_overlayer_lowered  }
0x9b: {  	s22 =	simm.s32 $0x1BFF;
	s21 =	sshll.u32 s5, $0x1;
	s2 =	sadd.s32 s19, s18  }
0x9c: {  	s6 =	simm.s32 $0x0;
	s20 =	sshll.u32 s4, $0x1;
	s4 =	sadd.s32 s21, s2  }
0x9d: {  	[timem:s6], [sflag:s22] =	dma.local [hbm:s4], s20  }
0x9e: {  	_ =	swait.ge [sflag:s22], s20  }
0x9f: {  	s3 =	ssub.s32 $0x0, s20;
	[sflag:s22] =	ssyncset.done $0x0  }
0xa0: {  	[sflag:s22] =	ssyncadd.s32 s3;
	_ =	sdelay $0x1  }
0xa1: {  	s23 =	simm.s32 $0x1B8B  }
0xa2: {  	_ =	swait.ge [sflag:s23], $0x1  }
0xa3: {  	[sflag:s23] =	ssyncset.done $0x0  }
0xa4: {  	s25 =	simm.s32 $0x1B8E;
	s24 =	sld [smem:$0x3FFE];
	[sflag:s23] =	ssyncadd.s32 $0xFFFFFFFF  }
0xa5: {  	s26 =	simm.s32 $execute0_lowered;
	[smem:$0x3FD2] =	sst s25  }
0xa6: {  	s4 =	sshll.u32 s26, $0x1;
	_ =	strace $0x8000004F;
	[dreg:$0x1] =	wrdreg $0xFFFFFFFF  }
0xa7: {  	s28 =	simm.s32 $_size_execute0_lowered;
	s2 =	sadd.s32 s2, s4;
	[dreg:$0x0] =	wrdreg $0x0  }
0xa8: {  	s4 =	sshll.u32 s28, $0x1;
	[dreg:$0x2] =	wrdreg s2  }
0xa9: {  	[dreg:$0x3] =	wrdreg s4  }
0xaa: {  	[dreg:$0x4] =	wrdreg $0xC0  }
0xab: {  	_ =	task [dreg:s6], $0x5FFFF  }
0xac: {  	[dreg:$0x1] =	wrdreg $0xFFFFFFFF  }
0xad: {  	[dreg:$0x0] =	wrdreg $0x60  }
0xae: {  	[dreg:$0x2] =	wrdreg s24  }
0xaf: {  	[dreg:$0x3] =	wrdreg $0x6A000  }
0xb0: {  	[dreg:$0x4] =	wrdreg $0x9  }
0xb1: {  	_ =	task.clear_ibuf [dreg:s6], $0x5FFFF;
	_ =	strace $0x9000004F  }
0xb2: {  	s29 =	simm.s32 $0x9;
	_ =	strace $0x80000051  }
0xb3: {  	_ =	swait.ge [sflag:s29], $0x1  }
0xb4: {  	[sflag:s29] =	ssyncadd.s32 $0xFFFFFFFF  }
0xb5: {  	_ =	strace $0x90000051  }
0xb6: {  	_ =	sfence  }
0xb7: {  	s30 =	sld [smem:$0x0];
	_ =	sdelay $0x2  }
0xb8: {  	s31 =	sshll.u32 s1, $0xD;
	s1 =	sshrl.u32 s1, $0x2  }
0xb9: {  	s3 =	sand.u32 $0x4000, s31;
	s1 =	sadd.s32 s1, s30  }
0xba: {  	s0 =	sor.u32 s3, s0;
	s1 =	sshll.u32 s1, $0x11  }
0xbb: {  	s0 =	sor.u32 s1, s0  }
0xbc: {  	s0 =	sadd.s32 $0x8F2B, s0  }
0xbd: {  	[sflag:s0] =	ssyncadd.remote.s32 $0x1  }
0xbe: {  	_ =	sfence.sel $0xFFFF  }
0xbf: {  	[dreg:$0x0] =	wrdreg $0xFFFFFFFF;
	(pc) =	sbr.abs _section_cstart, $3  }
0xc0: {  	[dreg:$0x1] =	wrdreg $0xFFFFFFFF  }
0xc1: {  	_ =	task.clear_ibuf [dreg:s6], $0x2FFFF;
	_ =	strace $0x9FFFFFFF  }
0xc2: {  	(tm) =	ssettm $0x7FFFFFFF  }
0xc3: {  	_ =	shalt  }
tec
execute0_lowered:
.L_overlay_start_1:
0x0: {  	(tag) =	ssettag $0x1  }
0x1: {  	s8 =	rddreg [dreg:$0x0];
	s1 =	srdreg.scid  }
0x2: {  	s0 =	stileid.u32;
	s2 =	rddreg [dreg:$0x1]  }
0x3: {  	s3 =	simm.s32 $0x0;
	s20 =	simm.s32 $0x80;
	s21 =	simm.s32 $0x2A00  }
0x4: {  	s22 =	simm.s32 $0x2;
	s10 =	sand.u32 $0x1, s1;
	s7 =	smul.u32 $0x9C0, s0  }
0x5: {  	s4 =	sshll.u32 s0, $0x1;
	s1 =	rddreg [dreg:$0x2];
	s11 =	smul.u32 $0x13800, s0  }
0x6: {  	[smem:$0x7FF] =	sst s3;
	s9 =	smul.u32 $0x4E000, s0;
	s15 =	sadd.s32 $0xBF400, s8  }
0x7: {  	s28 =	sshll.u32 s0, $0x6;
	s19 =	sadd.s32 $0x138000, s2;
	p0 =	sne.s32 s0, $0xF  }
0x8: {  	p1 =	sgt.u32 s0, $0x1;
	s5 =	sor.u32 s10, s4;
	s18 =	smul.u32 $0x138800, s10  }
0x9: {  	_ =	strace $0x80000050;
	s4 =	sadd.s32 $0x4800, s8;
	s30 =	smul.u32 $0x4E0, s10  }
0xa: {  	s24 =	ssub.s32 $0x2, s10;
	s6 =	smul.u32 $0x500, s5;
	s5 =	sshll.u32 s5, $0x4  }
0xb: {  	s14 =	sadd.s32 s7, s8;
	s23 =	sshrl.u32 s11, $0x3;
	s25 =	sshrl.u32 s24, $0x1  }
0xc: {  	s26 =	sshrl.u32 s9, $0x2;
	s7 =	sor.u32 $0x1C03, s28;
	s12 =	sadd.s32 s5, s8  }
0xd: {  	s13 =	sadd.s32 s23, s8;
	s16 =	ssub.s32 s24, s25;
	s17 =	sadd.s32 s26, s2  }
0xe: {  	s11 =	sadd.s32 s11, s18;
	s29 =	sshrl.u32 s18, $0x3;
	s14 =	sadd.s32 s30, s14  }
0xf: {  	s18 =	simm.s32 $0x1;
	s23 =	simm.s32 $0x0;
	s6 =	sadd.s32 s6, s8  }
0x10: {  	s8 =	sadd.s32 $0xBF200, s8;
	s9 =	sadd.s32 $0x84200, s12;
	s11 =	sshrl.u32 s11, $0x3  }
0x11: {  	s10 =	sadd.s32 $0x98000, s12;
	s31 =	sadd.s32 s15, s29;
	s14 =	sadd.s32 $0x84400, s14  }
0x12: {  	s5 =	sadd.s32 $0x8E000, s6;
	s6 =	sadd.s32 $0x98200, s13;
	s11 =	sadd.s32 s15, s11  }
0x13: {  	s12 =	sadd.s32 $0x27000, s31;
	s13 =	smax.u32 s16, $0x1;
	s15 =	sshrl.u32 s17, $0x3  }
0x14: {  	s16 =	simm.s32 $0x3;
	s17 =	sshrl.u32 @!p0 s19, $0x3;
	s19 =	simm.s32 $0x2800  }
.LBB2_1:
0x15: {  	[tilespmem:s3], [sflag:$0x1] =	stream.linear.gather [hbm4b:s5+s3], $0x2700, $0x38;
	[tilespmem:$0x1A280] =	vst v63  }
0x16: {  	[spmem:s15], [sflag:s7] =	dma.local [hbm:s6], $0x2700  }
0x17: {  	_ =	swait.ge [sflag:s16], $0x2700  }
0x18: {  	[sflag:s16] =	ssyncset.done $0x0  }
0x19: {  	s24 =	simm.s32 @!p0 $0x3;
	[sflag:s16] =	ssyncadd.s32 $0xFFFFD900  }
0x1a: {  	[spmem:s17], [sflag:s7] =	dma.local @!p0 [hbm:s8], $0x100  }
0x1b: {  	_ =	swait.ge @!p0 [sflag:s24], $0x100  }
0x1c: {  	[sflag:s24] =	ssyncset.done @!p0 $0x0  }
0x1d: {  	[sflag:s24] =	ssyncadd.s32 @!p0 $0xFFFFFF00  }
0x1e: {  	_ =	swait.ge [sflag:s18], $0x2700  }
0x1f: {  	[sflag:s18] =	ssyncset.done $0x0  }
0x20: {  	[sflag:s18] =	ssyncadd.s32 $0xFFFFD900  }
0x21: {  	s31 =	sadd.s32 $0x0, s14;
	[bflag:$0x0] =	sbarrier.arrive $0xFFFF  }
0x22: {  	[tilespmem:s19], [sflag:$0x3] =	stream.linear.gather [hbm4b:s31+s3], $0x80, $0x38;
	[tilespmem:$0x1A280] =	vst v63  }
0x23: {  	_ =	swait.ge [sflag:s16], $0x80  }
0x24: {  	[sflag:s16] =	ssyncset.done $0x0  }
0x25: {  	[sflag:s16] =	ssyncadd.s32 $0xFFFFFF80  }
0x26: {  	[tilespmem:s21], [sflag:$0x2] =	stream.indirect.gather [hbm4b:s4+s20], $0x80, s3, s20, $0xb8;
	[tilespmem:$0x1A280] =	vst v63  }
0x27: {  	_ =	swait.ge [sflag:s22], $0x4000  }
0x28: {  	[sflag:s22] =	ssyncset.done $0x0  }
0x29: {  	[sflag:s22] =	ssyncadd.s32 $0xFFFFC000  }
0x2a: {  	[spmem:s2] =	stream.indirect.scatter.add.f32 [tilespmem:s21], [sflag:$0x3], $0x80, s19, s20, $0xb8;
	[tilespmem:$0x1A280] =	vst v63  }
0x2b: {  	s25 =	simm.s32 $0x10;
	_ =	swait.ge [sflag:s16], $0x4000  }
0x2c: {  	s26 =	simm.s32 $0x20;
	s24 =	simm.s32 $0x80;
	[sflag:s16] =	ssyncset.done $0x0  }
.LBB2_2:
0x2d: {  	s28 =	sadd.s32 s25, s14  }
0x2e: {  	[sflag:s16] =	ssyncadd.s32 $0xFFFFC000;
	s25 =	smov.u32 s26;
	s29 =	sadd.s32 $0x10, s26  }
0x2f: {  	[tilespmem:s19], [sflag:$0x3] =	stream.linear.gather [hbm4b:s28+s3], $0x80, $0x38;
	[tilespmem:$0x1A280] =	vst v63  }
0x30: {  	p2 =	sne.s32 s26, $0x4D0;
	_ =	swait.ge [sflag:s16], $0x80  }
0x31: {  	[sflag:s16] =	ssyncset.done $0x0  }
0x32: {  	[sflag:s16] =	ssyncadd.s32 $0xFFFFFF80  }
0x33: {  	[tilespmem:s21], [sflag:$0x2] =	stream.indirect.gather [hbm4b:s4+s20], $0x80, s24, s20, $0xb8;
	[tilespmem:$0x1A280] =	vst v63  }
0x34: {  	_ =	swait.ge [sflag:s22], $0x4000  }
.Ltmp0:
0x35: {  	[sflag:s22] =	ssyncset.done $0x0;
	(pc) =	sbr.rel @p2 .LBB2_2-.Ltmp0, $4  }
0x36: {  	[sflag:s22] =	ssyncadd.s32 $0xFFFFC000  }
0x37: {  	[spmem:s2] =	stream.indirect.scatter.add.f32 [tilespmem:s21], [sflag:$0x3], $0x80, s19, s20, $0xb8;
	[tilespmem:$0x1A280] =	vst v63  }
0x38: {  	_ =	swait.ge [sflag:s16], $0x4000  }
0x39: {  	s26 =	smov.u32 s29;
	s24 =	sadd.s32 $0x80, s24;
	[sflag:s16] =	ssyncset.done $0x0  }
0x3a: {  	s25 =	sadd.s32 s25, s14;
	[sflag:s16] =	ssyncadd.s32 $0xFFFFC000  }
0x3b: {  	[tilespmem:s19], [sflag:$0x3] =	stream.linear.gather [hbm4b:s25+s3], $0x80, $0x38;
	[tilespmem:$0x1A280] =	vst v63  }
0x3c: {  	_ =	swait.ge [sflag:s16], $0x80  }
0x3d: {  	[sflag:s16] =	ssyncset.done $0x0  }
0x3e: {  	[sflag:s16] =	ssyncadd.s32 $0xFFFFFF80  }
0x3f: {  	[tilespmem:s21], [sflag:$0x2] =	stream.indirect.gather [hbm4b:s4+s20], $0x80, s24, s20, $0xb8;
	[tilespmem:$0x1A280] =	vst v63  }
0x40: {  	_ =	swait.ge [sflag:s22], $0x4000  }
0x41: {  	[sflag:s22] =	ssyncset.done $0x0  }
0x42: {  	[sflag:s22] =	ssyncadd.s32 $0xFFFFC000  }
0x43: {  	[spmem:s2] =	stream.indirect.scatter.add.f32 [tilespmem:s21], [sflag:$0x3], $0x80, s19, s20, $0xb8;
	[tilespmem:$0x1A280] =	vst v63  }
0x44: {  	_ =	swait.ge [sflag:s16], $0x4000  }
0x45: {  	s26 =	simm.s32 @!p1 $0x3;
	[sflag:s16] =	ssyncset.done $0x0  }
0x46: {  	s25 =	simm.s32 @!p1 $0x2800;
	s24 =	simm.s32 @!p1 $0x0;
	[sflag:s16] =	ssyncadd.s32 $0xFFFFC000  }
0x47: {  	[tilespmem:s25], [sflag:$0x3] =	stream.linear.gather @!p1 [hbm4b:s9+s24], $0x80, $0x38;
	[tilespmem:$0x1A280] =	vst v63  }
0x48: {  	_ =	swait.ge @!p1 [sflag:s26], $0x80  }
0x49: {  	[sflag:s26] =	ssyncset.done @!p1 $0x0  }
0x4a: {  	[sflag:s26] =	ssyncadd.s32 @!p1 $0xFFFFFF80  }
0x4b: {  	[tilespmem:s24], [sflag:$0x3] =	stream.linear.gather @!p1 [hbm4b:s10+s24], $0x80, $0x38;
	[tilespmem:$0x1A280] =	vst v63  }
0x4c: {  	_ =	swait.ge @!p1 [sflag:s26], $0x80  }
0x4d: {  	[sflag:s26] =	ssyncset.done @!p1 $0x0  }
0x4e: {  	s28 =	simm.s32 @!p1 $0x80;
	s29 =	simm.s32 @!p1 $0x2A00;
	[sflag:s26] =	ssyncadd.s32 @!p1 $0xFFFFFF80  }
0x4f: {  	[tilespmem:s29], [sflag:$0x2] =	stream.indirect.gather @!p1 [hbm4b:s4+s28], $0x80, s24, s28, $0xb8;
	[tilespmem:$0x1A280] =	vst v63  }
0x50: {  	s24 =	simm.s32 @!p1 $0x2  }
0x51: {  	_ =	swait.ge @!p1 [sflag:s24], $0x4000  }
0x52: {  	[sflag:s24] =	ssyncset.done @!p1 $0x0  }
0x53: {  	[sflag:s24] =	ssyncadd.s32 @!p1 $0xFFFFC000  }
0x54: {  	[spmem:s2] =	stream.indirect.scatter.add.f32 @!p1 [tilespmem:s29], [sflag:$0x3], $0x80, s25, s28, $0xb8;
	[tilespmem:$0x1A280] =	vst v63  }
0x55: {  	_ =	swait.ge @!p1 [sflag:s26], $0x4000  }
0x56: {  	[sflag:s26] =	ssyncset.done @!p1 $0x0  }
0x57: {  	[sflag:s26] =	ssyncadd.s32 @!p1 $0xFFFFC000  }
0x58: {  	[bflag:$0x0] =	sbarrier.arrive $0xFFFF  }
0x59: {  	[hbm:s11], [sflag:s7] =	dma.local [spmem:s15], $0x2700  }
0x5a: {  	s23 =	sadd.s32 $0x1, s23;
	_ =	swait.ge [sflag:s16], $0x2700  }
0x5b: {  	p2 =	sne.s32 s23, s13;
	[sflag:s16] =	ssyncset.done $0x0  }
.Ltmp1:
0x5c: {  	s24 =	simm.s32 @!p0 $0x3;
	[sflag:s16] =	ssyncadd.s32 $0xFFFFD900;
	(pc) =	sbr.rel @p2 .LBB2_1-.Ltmp1, $4  }
0x5d: {  	[hbm:s12], [sflag:s7] =	dma.local @!p0 [spmem:s17], $0x100  }
0x5e: {  	_ =	swait.ge @!p0 [sflag:s24], $0x100  }
0x5f: {  	[sflag:s24] =	ssyncset.done @!p0 $0x0  }
0x60: {  	[sflag:s24] =	ssyncadd.s32 @!p0 $0xFFFFFF00  }
0x61: {  	_ =	sfence.sel $0x180000  }
0x62: {  	[bflag:$0x0] =	sbarrier.arrive $0xFFFF  }
0x63: {  	p0 =	sne.s32 s0, $0x0;
	_ =	strace $0x90000050  }
0x64: {  	s0 =	sadd.s32 @!p0 $0x100000, s1;
	[bflag:$0x2] =	sbarrier.arrive $0xFFFF  }
0x65: {  	[sflag:s0] =	ssyncadd.tile.s32 @!p0 $0x1;
	_ =	shalt  }
.Lfunc_end2:
_tile_overlayer_lowered:
.L_overlay_start_2:
0x66: {  	(tag) =	ssettag $0x2  }
0x67: {  	s0 =	rddreg [dreg:$0x0];
	s2 =	stileid.u32  }
0x68: {  	s1 =	rddreg [dreg:$0x1];
	p0 =	sne.s32 s2, $0x0  }
0x69: {  	s3 =	rddreg [dreg:$0x2];
	[bflag:$0x3] =	sbarrier.arrive $0xFFFF;
	s2 =	simm.s32 @!p0 $0x1C03  }
0x6a: {  	[timem:s3], [sflag:s2] =	dma.local @!p0 [hbm:s0], s1  }
0x6b: {  	s0 =	simm.s32 @!p0 $0x3  }
0x6c: {  	_ =	swait.ge @!p0 [sflag:s0], s1  }
0x6d: {  	s1 =	ssub.s32 @!p0 $0x0, s1;
	[sflag:s0] =	ssyncset.done @!p0 $0x0  }
0x6e: {  	[sflag:s0] =	ssyncadd.s32 @!p0 s1  }
0x6f: {  	[bflag:$0x3] =	sbarrier.arrive $0xFFFF  }
0x70: {  	_ =	shalt  }

</sc_bundles>
